<compile_context>
chip_gen: v7x
topology: tpu7x:2x2x1
jax: 0.10.2.dev20260603
libtpu: 0.0.44.dev20260713+nightly
codegen_flags: <defaults>
</compile_context>

<pallas_src>
import functools

import jax
import jax.numpy as jnp
from jax import lax
from jax.experimental import pallas as pl
from jax.experimental.pallas import tpu as pltpu
from jax.experimental.pallas import tpu_sc as plsc

_N = 10000
_E = 320000
_D = 128
_G = 64
_NC, _NS = 2, 16
_NW = _NC * _NS
_CHUNK = 128
_NCH = 80
_EPW = _NCH * _CHUNK
_EPAD = _NW * _EPW
_NPAD = 10240
_DEG_SL = _NPAD // _NS
_RPT = _NPAD // _NS

_mesh = plsc.VectorSubcoreMesh(core_axis_name="c", subcore_axis_name="s",
                               num_cores=_NC, num_subcores=_NS)


@functools.partial(
    pl.kernel,
    out_type=jax.ShapeDtypeStruct((_NC, _NPAD), jnp.float32),
    mesh=_mesh,
    scratch_types=[
        pltpu.VMEM((_NCH, _CHUNK), jnp.int32),
        pltpu.VMEM((_CHUNK,), jnp.float32),
        pltpu.VMEM_SHARED((_NPAD,), jnp.float32),
        pltpu.SemaphoreType.DMA,
        pltpu.SemaphoreType.DMA,
        pltpu.SemaphoreType.DMA,
        pltpu.SemaphoreType.DMA,
    ],
)
def _deg_kernel(dst_hbm, zeros_hbm, out_hbm, idx_v, ones_v, acc, s0, s1, s2, s3):
    cid = lax.axis_index("c")
    sid = lax.axis_index("s")
    wid = sid * _NC + cid
    sl = pl.ds(sid * _DEG_SL, _DEG_SL)
    pltpu.sync_copy(zeros_hbm.at[sl], acc.at[sl])
    pltpu.sync_copy(dst_hbm.at[wid], idx_v)
    for i in range(_CHUNK // 16):
        ones_v[pl.ds(i * 16, 16)] = jnp.ones((16,), jnp.float32)
    plsc.subcore_barrier()

    def scat(j, sem):
        pltpu.async_copy(ones_v, acc.at[idx_v.at[j]], sem, add=True)

    def swait(sem):
        pltpu.make_async_copy(ones_v, acc.at[idx_v.at[0]], sem).wait()

    sems = (s0, s1, s2, s3)
    for k in range(4):
        scat(k, sems[k])

    def body(i, carry):
        j = 4 * i
        for k in range(4):
            swait(sems[k])
            scat(j + 4 + k, sems[k])
        return carry

    lax.fori_loop(0, _NCH // 4 - 1, body, 0)
    for k in range(4):
        swait(sems[k])
    plsc.subcore_barrier()
    pltpu.sync_copy(acc.at[sl], out_hbm.at[cid, sl])


@functools.partial(
    pl.kernel,
    out_type=jax.ShapeDtypeStruct((_NC, _NPAD, _D), jnp.float32),
    mesh=_mesh,
    scratch_types=[
        pltpu.VMEM((2, _CHUNK), jnp.int32),
        pltpu.VMEM((2, _CHUNK), jnp.int32),
        pltpu.VMEM((2, _CHUNK), jnp.int32),
        pltpu.VMEM((2, _CHUNK), jnp.int32),
        pltpu.VMEM((_CHUNK, _D), jnp.float32),
        pltpu.VMEM((_CHUNK, _D), jnp.float32),
        pltpu.VMEM_SHARED((_NPAD, _D), jnp.float32),
        pltpu.SemaphoreType.DMA,
        pltpu.SemaphoreType.DMA,
        pltpu.SemaphoreType.DMA,
        pltpu.SemaphoreType.DMA,
        pltpu.SemaphoreType.DMA,
        pltpu.SemaphoreType.DMA,
    ],
)
def _agg_kernel(y_hbm, sd_hbm, zeros_hbm, out_hbm,
                i0, i1, i2, i3, rows_a, rows_b, acc,
                ga, gb, p0, p1, p2, p3):
    cid = lax.axis_index("c")
    sid = lax.axis_index("s")
    wid = sid * _NC + cid
    rsl = pl.ds(sid * _RPT, _RPT)
    pltpu.sync_copy(zeros_hbm.at[rsl], acc.at[rsl])

    def gather(ibuf, rbuf, sem):
        pltpu.async_copy(y_hbm.at[ibuf.at[0]], rbuf, sem)

    def gwait(ibuf, rbuf, sem):
        pltpu.make_async_copy(y_hbm.at[ibuf.at[0]], rbuf, sem).wait()

    def scat(ibuf, rbuf):
        pltpu.sync_copy(rbuf, acc.at[ibuf.at[1]], add=True)

    def prefetch(j, ibuf, sem):
        pltpu.async_copy(sd_hbm.at[wid, j], ibuf, sem)

    def pwait(ibuf, sem):
        pltpu.make_async_copy(sd_hbm.at[wid, 0], ibuf, sem).wait()

    pltpu.sync_copy(sd_hbm.at[wid, 0], i0)
    pltpu.sync_copy(sd_hbm.at[wid, 1], i1)
    prefetch(2, i2, p2)
    prefetch(3, i3, p3)
    gather(i0, rows_a, ga)
    plsc.subcore_barrier()
    gather(i1, rows_b, gb)

    def body(q, carry):
        c = 4 * q
        gwait(i0, rows_a, ga)
        scat(i0, rows_a)
        prefetch(c + 4, i0, p0)
        gwait(i1, rows_b, gb)
        pwait(i2, p2)
        gather(i2, rows_a, ga)
        scat(i1, rows_b)
        prefetch(c + 5, i1, p1)
        pwait(i3, p3)
        gather(i3, rows_b, gb)
        gwait(i2, rows_a, ga)
        scat(i2, rows_a)
        prefetch(c + 6, i2, p2)
        gwait(i3, rows_b, gb)
        pwait(i0, p0)
        gather(i0, rows_a, ga)
        scat(i3, rows_b)
        prefetch(c + 7, i3, p3)
        pwait(i1, p1)
        gather(i1, rows_b, gb)
        return carry

    lax.fori_loop(0, _NCH // 4 - 1, body, 0)
    gwait(i0, rows_a, ga)
    scat(i0, rows_a)
    gwait(i1, rows_b, gb)
    pwait(i2, p2)
    gather(i2, rows_a, ga)
    scat(i1, rows_b)
    pwait(i3, p3)
    gather(i3, rows_b, gb)
    gwait(i2, rows_a, ga)
    scat(i2, rows_a)
    gwait(i3, rows_b, gb)
    scat(i3, rows_b)
    plsc.subcore_barrier()
    pltpu.sync_copy(acc.at[rsl], out_hbm.at[cid, rsl])


_BLK = 1000
_NBLK = _N // _BLK


def _tc1a_body(x_ref, w_ref, xw_ref):
    xw_ref[...] = jnp.dot(x_ref[...], w_ref[...],
                          preferred_element_type=jnp.float32)


def _tc1a(x, w1):
    return pl.pallas_call(
        _tc1a_body,
        grid=(_NBLK,),
        in_specs=[
            pl.BlockSpec((_BLK, _D), lambda i: (i, 0)),
            pl.BlockSpec((_D, _D), lambda i: (0, 0)),
        ],
        out_specs=pl.BlockSpec((_BLK, _D), lambda i: (i, 0)),
        out_shape=jax.ShapeDtypeStruct((_N, _D), jnp.float32),
    )(x, w1)


def _tc1b_body(xw_ref, degp_ref, y_ref, dinv_ref):
    deg = degp_ref[0] + degp_ref[1] + 1.0
    dinv = lax.rsqrt(deg)
    y_ref[...] = xw_ref[...] * dinv
    dinv_ref[...] = dinv


def _tc1b(xw, degp_col):
    return pl.pallas_call(
        _tc1b_body,
        grid=(_NBLK,),
        in_specs=[
            pl.BlockSpec((_BLK, _D), lambda i: (i, 0)),
            pl.BlockSpec((_NC, _BLK, 1), lambda i: (0, i, 0)),
        ],
        out_specs=[
            pl.BlockSpec((_BLK, _D), lambda i: (i, 0)),
            pl.BlockSpec((_BLK, 1), lambda i: (i, 0)),
        ],
        out_shape=[
            jax.ShapeDtypeStruct((_N, _D), jnp.float32),
            jax.ShapeDtypeStruct((_N, 1), jnp.float32),
        ],
    )(xw, degp_col)


def _tc2_body(aggp_ref, y_ref, dinv_ref, b_ref, w_ref, out_ref):
    dinv = dinv_ref[...]
    h = aggp_ref[0] + aggp_ref[1] + y_ref[...]
    h = jnp.maximum(h * dinv + b_ref[...], 0.0)
    out_ref[...] = jnp.dot(h, w_ref[...],
                           preferred_element_type=jnp.float32) * dinv


def _tc2(aggp, y1, dinv, b1, w2):
    return pl.pallas_call(
        _tc2_body,
        grid=(_NBLK,),
        in_specs=[
            pl.BlockSpec((_NC, _BLK, _D), lambda i: (0, i, 0)),
            pl.BlockSpec((_BLK, _D), lambda i: (i, 0)),
            pl.BlockSpec((_BLK, 1), lambda i: (i, 0)),
            pl.BlockSpec((1, _D), lambda i: (0, 0)),
            pl.BlockSpec((_D, _D), lambda i: (0, 0)),
        ],
        out_specs=pl.BlockSpec((_BLK, _D), lambda i: (i, 0)),
        out_shape=jax.ShapeDtypeStruct((_N, _D), jnp.float32),
    )(aggp, y1, dinv, b1, w2)


def _tc3_body(aggp_ref, y_ref, dinv_ref, b_ref, batch_ref, wfc_ref, bfc_ref,
              out_ref, sums_s, cnts_s):
    i = pl.program_id(0)

    @pl.when(i == 0)
    def _():
        sums_s[...] = jnp.zeros_like(sums_s)
        cnts_s[...] = jnp.zeros_like(cnts_s)

    dinv = dinv_ref[...]
    h = aggp_ref[0] + aggp_ref[1] + y_ref[...]
    h = jnp.maximum(h * dinv + b_ref[...], 0.0)
    gids = lax.broadcasted_iota(jnp.int32, (_G, _BLK), 0)
    mask = (gids == batch_ref[0]).astype(jnp.float32)
    sums_s[...] += jnp.dot(mask, h, preferred_element_type=jnp.float32)
    cnts_s[...] += jnp.sum(mask, axis=1, keepdims=True)

    @pl.when(i == _NBLK - 1)
    def _():
        g = sums_s[...] / jnp.maximum(cnts_s[...], 1.0)
        logits = jnp.dot(g, wfc_ref[...],
                         preferred_element_type=jnp.float32) + bfc_ref[...]
        colok = lax.broadcasted_iota(jnp.int32, (_G, _D), 1) < 10
        neg = jnp.where(colok, logits, -1e30)
        m = jnp.max(neg, axis=1, keepdims=True)
        e = jnp.where(colok, jnp.exp(neg - m), 0.0)
        lse = jnp.log(jnp.sum(e, axis=1, keepdims=True)) + m
        out_ref[...] = logits - lse


def _tc3(aggp, y2, dinv, b2, batch3d, wfc_pad, bfc_pad):
    return pl.pallas_call(
        _tc3_body,
        grid=(_NBLK,),
        in_specs=[
            pl.BlockSpec((_NC, _BLK, _D), lambda i: (0, i, 0)),
            pl.BlockSpec((_BLK, _D), lambda i: (i, 0)),
            pl.BlockSpec((_BLK, 1), lambda i: (i, 0)),
            pl.BlockSpec((1, _D), lambda i: (0, 0)),
            pl.BlockSpec((1, 1, _BLK), lambda i: (i, 0, 0)),
            pl.BlockSpec((_D, _D), lambda i: (0, 0)),
            pl.BlockSpec((1, _D), lambda i: (0, 0)),
        ],
        out_specs=pl.BlockSpec((_G, _D), lambda i: (0, 0)),
        out_shape=jax.ShapeDtypeStruct((_G, _D), jnp.float32),
        scratch_shapes=[
            pltpu.VMEM((_G, _D), jnp.float32),
            pltpu.VMEM((_G, 1), jnp.float32),
        ],
    )(aggp, y2, dinv, b2, batch3d, wfc_pad, bfc_pad)


@jax.jit
def _run(x, src, dst, batch, w1, b1, w2, b2, w_fc, b_fc):
    npad_e = _EPAD - _E
    pad_src = (jnp.arange(npad_e, dtype=jnp.int32) * 13) % _N
    pad_dst = _N + (jnp.arange(npad_e, dtype=jnp.int32) % (_NPAD - _N))
    srcp = jnp.concatenate([src, pad_src]).reshape(_NW, _NCH, 1, _CHUNK)
    dstp = jnp.concatenate([dst, pad_dst]).reshape(_NW, _NCH, 1, _CHUNK)
    sd = jnp.concatenate([srcp, dstp], axis=2)
    dst3 = dstp.reshape(_NW, _NCH, _CHUNK)
    zeros1 = jnp.zeros((_NPAD,), jnp.float32)
    zeros2 = jnp.zeros((_NPAD, _D), jnp.float32)

    degp = _deg_kernel(dst3, zeros1)
    degp_col = degp.reshape(_NC, _NPAD, 1)[:, :_N]

    xw1 = _tc1a(x, w1)
    y1, dinv = _tc1b(xw1, degp_col)
    agg1 = _agg_kernel(y1, sd, zeros2)
    y2 = _tc2(agg1, y1, dinv, b1.reshape(1, _D), w2)
    agg2 = _agg_kernel(y2, sd, zeros2)

    wfc_pad = jnp.zeros((_D, _D), jnp.float32).at[:, :10].set(w_fc)
    bfc_pad = jnp.zeros((1, _D), jnp.float32).at[0, :10].set(b_fc)
    batch3d = batch.astype(jnp.int32).reshape(_NBLK, 1, _BLK)
    out = _tc3(agg2, y2, dinv, b2.reshape(1, _D), batch3d, wfc_pad, bfc_pad)
    return out[:, :10]


def kernel(x, edge_index, batch, W1, b1, W2, b2, W_fc, b_fc):
    ei = edge_index.astype(jnp.int32)
    return _run(x, ei[0], ei[1], batch, W1, b1, W2, b2, W_fc, b_fc)

# --- scband reference (transcript-rebuilt; emitter-appended) ---
"""Pipeline reference for scband-gcn-34574486733151 (READ-ONLY COPY).

The authoritative reference and input builder live on the scoring server;
editing this copy changes nothing except your own understanding.
"""

import jax, jax.numpy as jnp
import numpy as np

N_NODES = 10000
N_EDGES = 320000
IN_DIM = 128
HID_DIM = 128
OUT_DIM = 10
N_GRAPHS = 64


def setup_inputs(seed: int = 0) -> dict:
    key = jax.random.key(seed)
    ks = jax.random.split(key, 10)
    x = jax.random.normal(ks[0], (N_NODES, IN_DIM), dtype=jnp.float32)
    edge_index = jax.random.randint(ks[1], (2, N_EDGES), 0, N_NODES, dtype=jnp.int64)
    batch = jnp.sort(jax.random.randint(ks[2], (N_NODES,), 0, N_GRAPHS, dtype=jnp.int64))
    # GCNConv weights (Glorot-ish scale), stored as [in, out]
    W1 = jax.random.normal(ks[3], (IN_DIM, HID_DIM), dtype=jnp.float32) / np.sqrt(IN_DIM)
    b1 = jnp.zeros((HID_DIM,), dtype=jnp.float32)
    W2 = jax.random.normal(ks[4], (HID_DIM, HID_DIM), dtype=jnp.float32) / np.sqrt(HID_DIM)
    b2 = jnp.zeros((HID_DIM,), dtype=jnp.float32)
    W_fc = jax.random.normal(ks[5], (HID_DIM, OUT_DIM), dtype=jnp.float32) / np.sqrt(HID_DIM)
    b_fc = jnp.zeros((OUT_DIM,), dtype=jnp.float32)
    return {"x": x, "edge_index": edge_index, "batch": batch,
            "W1": W1, "b1": b1, "W2": W2, "b2": b2, "W_fc": W_fc, "b_fc": b_fc}


def _gcn_conv(x, edge_index, W, b):
    # PyG GCNConv with add_self_loops=True, symmetric normalization, bias
    n = x.shape[0]
    sl = jnp.arange(n, dtype=edge_index.dtype)
    src = jnp.concatenate([edge_index[0], sl])
    dst = jnp.concatenate([edge_index[1], sl])
    x_lin = x @ W
    ones = jnp.ones(dst.shape[0], dtype=x.dtype)
    deg = jax.ops.segment_sum(ones, dst, num_segments=n)
    dinv = jnp.where(deg > 0, 1.0 / jnp.sqrt(deg), 0.0)
    norm = dinv[src] * dinv[dst]
    msgs = x_lin[src] * norm[:, None]
    out = jax.ops.segment_sum(msgs, dst, num_segments=n)
    return out + b


def _global_mean_pool(x, batch, num_graphs):
    sums = jax.ops.segment_sum(x, batch, num_segments=num_graphs)
    cnts = jax.ops.segment_sum(jnp.ones(x.shape[0], dtype=x.dtype), batch, num_segments=num_graphs)
    return sums / jnp.maximum(cnts, 1.0)[:, None]


def reference(x, edge_index, batch, W1, b1, W2, b2, W_fc, b_fc):
    h = _gcn_conv(x, edge_index, W1, b1)
    h = jax.nn.relu(h)
    # dropout is identity in eval mode
    h = _gcn_conv(h, edge_index, W2, b2)
    h = jax.nn.relu(h)
    g = _global_mean_pool(h, batch, N_GRAPHS)
    logits = g @ W_fc + b_fc
    return jax.nn.log_softmax(logits, axis=1)

if __name__ == "__main__":
    import jax
    _d = setup_inputs()
    print(jax.jit(kernel)(*tuple(_d.values())))

</pallas_src>

<mosaic_0001>
#map = affine_map<(d0, d1) -> (0, 0, 0)>
#map1 = affine_map<(d0, d1) -> (0)>
#map2 = affine_map<(d0, d1) -> (0, 0)>
module attributes {stable_mosaic.version = 14 : i64} {
  func.func @_deg_kernel(%arg0: i32, %arg1: i32, %arg2: memref<32x80x128xi32, #tpu.memory_space<hbm>>, %arg3: memref<10240xf32, #tpu.memory_space<hbm>>, %arg4: memref<2x10240xf32, #tpu.memory_space<hbm>>, %arg5: memref<80x128xi32, #tpu.memory_space<vmem>>, %arg6: memref<128xf32, #tpu.memory_space<vmem>>, %arg7: memref<10240xf32, #tpu.memory_space<vmem_shared>>, %arg8: memref<!tpu.dma_semaphore, #tpu.memory_space<semaphore_mem>>, %arg9: memref<!tpu.dma_semaphore, #tpu.memory_space<semaphore_mem>>, %arg10: memref<!tpu.dma_semaphore, #tpu.memory_space<semaphore_mem>>, %arg11: memref<!tpu.dma_semaphore, #tpu.memory_space<semaphore_mem>>) attributes {dimension_semantics = [#tpu.dimension_semantics<core_parallel>, #tpu.dimension_semantics<subcore_parallel>], iteration_bounds = array<i64: 2, 16>, scalar_prefetch = 0 : i64, scratch_operands = 7 : i64, tpu.core_type = #tpu.core_type<sc_vector_subcore>, window_params = [{transform_indices = #map}, {transform_indices = #map1}, {transform_indices = #map2}]} {
    %mul3A = arith.constant 2 : i32
    %mul3A_0 = arith.muli %arg1, %mul3A : i32
    %add3A = arith.addi %mul3A_0, %arg0 : i32
    %mul3A_1 = arith.constant 640 : i32
    %mul3A_2 = arith.muli %arg1, %mul3A_1 : i32
    "tpu.region"() ({
      %run_scoped3A = tpu.sem_alloc : memref<!tpu.dma_semaphore, #tpu.memory_space<semaphore_mem>>
      %dma_start3A_101 = tpu.memref_slice %arg7[%mul3A_2] : memref<10240xf32, #tpu.memory_space<vmem_shared>> -> memref<640xf32, #tpu.memory_space<vmem_shared>>
      %dma_start3A_102 = tpu.memref_slice %arg3[%mul3A_2] : memref<10240xf32, #tpu.memory_space<hbm>> -> memref<640xf32, #tpu.memory_space<hbm>>
      tpu.enqueue_dma source(%dma_start3A_102 : memref<640xf32, #tpu.memory_space<hbm>>) target(%dma_start3A_101 : memref<640xf32, #tpu.memory_space<vmem_shared>>) target_semaphore(%run_scoped3A : memref<!tpu.dma_semaphore, #tpu.memory_space<semaphore_mem>>)
      %dma_wait3A_103 = tpu.memref_slice %arg7[%mul3A_2] : memref<10240xf32, #tpu.memory_space<vmem_shared>> -> memref<640xf32, #tpu.memory_space<vmem_shared>>
      %dma_wait3A_104 = tpu.memref_slice %arg3[%mul3A_2] : memref<10240xf32, #tpu.memory_space<hbm>> -> memref<640xf32, #tpu.memory_space<hbm>>
      tpu.wait_dma2 semaphore(%run_scoped3A : memref<!tpu.dma_semaphore, #tpu.memory_space<semaphore_mem>>) src(%dma_wait3A_104 : memref<640xf32, #tpu.memory_space<hbm>>) dst(%dma_wait3A_103 : memref<640xf32, #tpu.memory_space<vmem_shared>>)
      tpu.yield
    }) : () -> ()
    "tpu.region"() ({
      %run_scoped3A = tpu.sem_alloc : memref<!tpu.dma_semaphore, #tpu.memory_space<semaphore_mem>>
      %dma_start3A_101 = arith.constant 0 : i32
      %dma_start3A_102 = arith.constant 0 : i32
      %dma_start3A_103 = tpu.memref_slice %arg2[%add3A, %dma_start3A_101, %dma_start3A_102] : memref<32x80x128xi32, #tpu.memory_space<hbm>> -> memref<1x80x128xi32, #tpu.memory_space<hbm>>
      %dma_start3A_104 = tpu.memref_squeeze %dma_start3A_103 : memref<1x80x128xi32, #tpu.memory_space<hbm>> -> memref<80x128xi32, #tpu.memory_space<hbm>>
      %dma_start3A_105 = arith.constant 0 : i32
      %dma_start3A_106 = arith.constant 0 : i32
      %dma_start3A_107 = tpu.memref_slice %arg2[%add3A, %dma_start3A_105, %dma_start3A_106] : memref<32x80x128xi32, #tpu.memory_space<hbm>> -> memref<1x80x128xi32, #tpu.memory_space<hbm>>
      %dma_start3A_108 = tpu.memref_squeeze %dma_start3A_107 : memref<1x80x128xi32, #tpu.memory_space<hbm>> -> memref<80x128xi32, #tpu.memory_space<hbm>>
      tpu.enqueue_dma source(%dma_start3A_108 : memref<80x128xi32, #tpu.memory_space<hbm>>) target(%arg5 : memref<80x128xi32, #tpu.memory_space<vmem>>) target_semaphore(%run_scoped3A : memref<!tpu.dma_semaphore, #tpu.memory_space<semaphore_mem>>)
      %dma_wait3A_109 = arith.constant 0 : i32
      %dma_wait3A_110 = arith.constant 0 : i32
      %dma_wait3A_111 = tpu.memref_slice %arg2[%add3A, %dma_wait3A_109, %dma_wait3A_110] : memref<32x80x128xi32, #tpu.memory_space<hbm>> -> memref<1x80x128xi32, #tpu.memory_space<hbm>>
      %dma_wait3A_112 = tpu.memref_squeeze %dma_wait3A_111 : memref<1x80x128xi32, #tpu.memory_space<hbm>> -> memref<80x128xi32, #tpu.memory_space<hbm>>
      %dma_wait3A_113 = arith.constant 0 : i32
      %dma_wait3A_114 = arith.constant 0 : i32
      %dma_wait3A_115 = tpu.memref_slice %arg2[%add3A, %dma_wait3A_113, %dma_wait3A_114] : memref<32x80x128xi32, #tpu.memory_space<hbm>> -> memref<1x80x128xi32, #tpu.memory_space<hbm>>
      %dma_wait3A_116 = tpu.memref_squeeze %dma_wait3A_115 : memref<1x80x128xi32, #tpu.memory_space<hbm>> -> memref<80x128xi32, #tpu.memory_space<hbm>>
      tpu.wait_dma2 semaphore(%run_scoped3A : memref<!tpu.dma_semaphore, #tpu.memory_space<semaphore_mem>>) src(%dma_wait3A_116 : memref<80x128xi32, #tpu.memory_space<hbm>>) dst(%arg5 : memref<80x128xi32, #tpu.memory_space<vmem>>)
      tpu.yield
    }) : () -> ()
    %broadcast_in_dim3A = arith.constant 1.000000e+00 : f32
    %broadcast_in_dim3A_3 = vector.broadcast %broadcast_in_dim3A : f32 to vector<16xf32>
    %swap3A = arith.constant 0 : index
    %swap3A_4 = tpu.vector_load %arg6[%swap3A] {strides = array<i32>} : memref<128xf32, #tpu.memory_space<vmem>>, vector<16xf32>,
    %swap3A_5 = vector.shape_cast %swap3A_4 : vector<16xf32> to vector<16xf32>
    %swap3A_6 = vector.shape_cast %broadcast_in_dim3A_3 : vector<16xf32> to vector<16xf32>
    tpu.vector_store %arg6[%swap3A], %swap3A_6 {strides = array<i32>} : memref<128xf32, #tpu.memory_space<vmem>>, vector<16xf32>,
    %broadcast_in_dim3A_7 = arith.constant 1.000000e+00 : f32
    %broadcast_in_dim3A_8 = vector.broadcast %broadcast_in_dim3A_7 : f32 to vector<16xf32>
    %swap3A_9 = arith.constant 16 : index
    %swap3A_10 = tpu.vector_load %arg6[%swap3A_9] {strides = array<i32>} : memref<128xf32, #tpu.memory_space<vmem>>, vector<16xf32>,
    %swap3A_11 = vector.shape_cast %swap3A_10 : vector<16xf32> to vector<16xf32>
    %swap3A_12 = vector.shape_cast %broadcast_in_dim3A_8 : vector<16xf32> to vector<16xf32>
    tpu.vector_store %arg6[%swap3A_9], %swap3A_12 {strides = array<i32>} : memref<128xf32, #tpu.memory_space<vmem>>, vector<16xf32>,
    %broadcast_in_dim3A_13 = arith.constant 1.000000e+00 : f32
    %broadcast_in_dim3A_14 = vector.broadcast %broadcast_in_dim3A_13 : f32 to vector<16xf32>
    %swap3A_15 = arith.constant 32 : index
    %swap3A_16 = tpu.vector_load %arg6[%swap3A_15] {strides = array<i32>} : memref<128xf32, #tpu.memory_space<vmem>>, vector<16xf32>,
    %swap3A_17 = vector.shape_cast %swap3A_16 : vector<16xf32> to vector<16xf32>
    %swap3A_18 = vector.shape_cast %broadcast_in_dim3A_14 : vector<16xf32> to vector<16xf32>
    tpu.vector_store %arg6[%swap3A_15], %swap3A_18 {strides = array<i32>} : memref<128xf32, #tpu.memory_space<vmem>>, vector<16xf32>,
    %broadcast_in_dim3A_19 = arith.constant 1.000000e+00 : f32
    %broadcast_in_dim3A_20 = vector.broadcast %broadcast_in_dim3A_19 : f32 to vector<16xf32>
    %swap3A_21 = arith.constant 48 : index
    %swap3A_22 = tpu.vector_load %arg6[%swap3A_21] {strides = array<i32>} : memref<128xf32, #tpu.memory_space<vmem>>, vector<16xf32>,
    %swap3A_23 = vector.shape_cast %swap3A_22 : vector<16xf32> to vector<16xf32>
    %swap3A_24 = vector.shape_cast %broadcast_in_dim3A_20 : vector<16xf32> to vector<16xf32>
    tpu.vector_store %arg6[%swap3A_21], %swap3A_24 {strides = array<i32>} : memref<128xf32, #tpu.memory_space<vmem>>, vector<16xf32>,
    %broadcast_in_dim3A_25 = arith.constant 1.000000e+00 : f32
    %broadcast_in_dim3A_26 = vector.broadcast %broadcast_in_dim3A_25 : f32 to vector<16xf32>
    %swap3A_27 = arith.constant 64 : index
    %swap3A_28 = tpu.vector_load %arg6[%swap3A_27] {strides = array<i32>} : memref<128xf32, #tpu.memory_space<vmem>>, vector<16xf32>,
    %swap3A_29 = vector.shape_cast %swap3A_28 : vector<16xf32> to vector<16xf32>
    %swap3A_30 = vector.shape_cast %broadcast_in_dim3A_26 : vector<16xf32> to vector<16xf32>
    tpu.vector_store %arg6[%swap3A_27], %swap3A_30 {strides = array<i32>} : memref<128xf32, #tpu.memory_space<vmem>>, vector<16xf32>,
    %broadcast_in_dim3A_31 = arith.constant 1.000000e+00 : f32
    %broadcast_in_dim3A_32 = vector.broadcast %broadcast_in_dim3A_31 : f32 to vector<16xf32>
    %swap3A_33 = arith.constant 80 : index
    %swap3A_34 = tpu.vector_load %arg6[%swap3A_33] {strides = array<i32>} : memref<128xf32, #tpu.memory_space<vmem>>, vector<16xf32>,
    %swap3A_35 = vector.shape_cast %swap3A_34 : vector<16xf32> to vector<16xf32>
    %swap3A_36 = vector.shape_cast %broadcast_in_dim3A_32 : vector<16xf32> to vector<16xf32>
    tpu.vector_store %arg6[%swap3A_33], %swap3A_36 {strides = array<i32>} : memref<128xf32, #tpu.memory_space<vmem>>, vector<16xf32>,
    %broadcast_in_dim3A_37 = arith.constant 1.000000e+00 : f32
    %broadcast_in_dim3A_38 = vector.broadcast %broadcast_in_dim3A_37 : f32 to vector<16xf32>
    %swap3A_39 = arith.constant 96 : index
    %swap3A_40 = tpu.vector_load %arg6[%swap3A_39] {strides = array<i32>} : memref<128xf32, #tpu.memory_space<vmem>>, vector<16xf32>,
    %swap3A_41 = vector.shape_cast %swap3A_40 : vector<16xf32> to vector<16xf32>
    %swap3A_42 = vector.shape_cast %broadcast_in_dim3A_38 : vector<16xf32> to vector<16xf32>
    tpu.vector_store %arg6[%swap3A_39], %swap3A_42 {strides = array<i32>} : memref<128xf32, #tpu.memory_space<vmem>>, vector<16xf32>,
    %broadcast_in_dim3A_43 = arith.constant 1.000000e+00 : f32
    %broadcast_in_dim3A_44 = vector.broadcast %broadcast_in_dim3A_43 : f32 to vector<16xf32>
    %swap3A_45 = arith.constant 112 : index
    %swap3A_46 = tpu.vector_load %arg6[%swap3A_45] {strides = array<i32>} : memref<128xf32, #tpu.memory_space<vmem>>, vector<16xf32>,
    %swap3A_47 = vector.shape_cast %swap3A_46 : vector<16xf32> to vector<16xf32>
    %swap3A_48 = vector.shape_cast %broadcast_in_dim3A_44 : vector<16xf32> to vector<16xf32>
    tpu.vector_store %arg6[%swap3A_45], %swap3A_48 {strides = array<i32>} : memref<128xf32, #tpu.memory_space<vmem>>, vector<16xf32>,
    %barrier3A = arith.constant 0 : index
    tpu.barrier barrier_id(%barrier3A)
    %dma_start3A = arith.constant 0 : i32
    %dma_start3A_49 = arith.constant 0 : i32
    %dma_start3A_50 = tpu.memref_slice %arg5[%dma_start3A, %dma_start3A_49] : memref<80x128xi32, #tpu.memory_space<vmem>> -> memref<1x128xi32, #tpu.memory_space<vmem>>
    %dma_start3A_51 = tpu.memref_squeeze %dma_start3A_50 : memref<1x128xi32, #tpu.memory_space<vmem>> -> memref<128xi32, #tpu.memory_space<vmem>>
    %dma_start3A_52 = arith.constant 0 : i32
    %dma_start3A_53 = tpu.memref_slice %arg7[%dma_start3A_52] : memref<10240xf32, #tpu.memory_space<vmem_shared>> -> memref<10240xf32, #tpu.memory_space<vmem_shared>>
    tpu.enqueue_indirect_dma source(%arg6 : memref<128xf32, #tpu.memory_space<vmem>>) target(%dma_start3A_53 : memref<10240xf32, #tpu.memory_space<vmem_shared>>) offsets(%dma_start3A_51 : memref<128xi32, #tpu.memory_space<vmem>>) semaphore(%arg8 : memref<!tpu.dma_semaphore, #tpu.memory_space<semaphore_mem>>) {add = true}
    %dma_start3A_54 = arith.constant 1 : i32
    %dma_start3A_55 = arith.constant 0 : i32
    %dma_start3A_56 = tpu.memref_slice %arg5[%dma_start3A_54, %dma_start3A_55] : memref<80x128xi32, #tpu.memory_space<vmem>> -> memref<1x128xi32, #tpu.memory_space<vmem>>
    %dma_start3A_57 = tpu.memref_squeeze %dma_start3A_56 : memref<1x128xi32, #tpu.memory_space<vmem>> -> memref<128xi32, #tpu.memory_space<vmem>>
    %dma_start3A_58 = arith.constant 0 : i32
    %dma_start3A_59 = tpu.memref_slice %arg7[%dma_start3A_58] : memref<10240xf32, #tpu.memory_space<vmem_shared>> -> memref<10240xf32, #tpu.memory_space<vmem_shared>>
    tpu.enqueue_indirect_dma source(%arg6 : memref<128xf32, #tpu.memory_space<vmem>>) target(%dma_start3A_59 : memref<10240xf32, #tpu.memory_space<vmem_shared>>) offsets(%dma_start3A_57 : memref<128xi32, #tpu.memory_space<vmem>>) semaphore(%arg9 : memref<!tpu.dma_semaphore, #tpu.memory_space<semaphore_mem>>) {add = true}
    %dma_start3A_60 = arith.constant 2 : i32
    %dma_start3A_61 = arith.constant 0 : i32
    %dma_start3A_62 = tpu.memref_slice %arg5[%dma_start3A_60, %dma_start3A_61] : memref<80x128xi32, #tpu.memory_space<vmem>> -> memref<1x128xi32, #tpu.memory_space<vmem>>
    %dma_start3A_63 = tpu.memref_squeeze %dma_start3A_62 : memref<1x128xi32, #tpu.memory_space<vmem>> -> memref<128xi32, #tpu.memory_space<vmem>>
    %dma_start3A_64 = arith.constant 0 : i32
    %dma_start3A_65 = tpu.memref_slice %arg7[%dma_start3A_64] : memref<10240xf32, #tpu.memory_space<vmem_shared>> -> memref<10240xf32, #tpu.memory_space<vmem_shared>>
    tpu.enqueue_indirect_dma source(%arg6 : memref<128xf32, #tpu.memory_space<vmem>>) target(%dma_start3A_65 : memref<10240xf32, #tpu.memory_space<vmem_shared>>) offsets(%dma_start3A_63 : memref<128xi32, #tpu.memory_space<vmem>>) semaphore(%arg10 : memref<!tpu.dma_semaphore, #tpu.memory_space<semaphore_mem>>) {add = true}
    %dma_start3A_66 = arith.constant 3 : i32
    %dma_start3A_67 = arith.constant 0 : i32
    %dma_start3A_68 = tpu.memref_slice %arg5[%dma_start3A_66, %dma_start3A_67] : memref<80x128xi32, #tpu.memory_space<vmem>> -> memref<1x128xi32, #tpu.memory_space<vmem>>
    %dma_start3A_69 = tpu.memref_squeeze %dma_start3A_68 : memref<1x128xi32, #tpu.memory_space<vmem>> -> memref<128xi32, #tpu.memory_space<vmem>>
    %dma_start3A_70 = arith.constant 0 : i32
    %dma_start3A_71 = tpu.memref_slice %arg7[%dma_start3A_70] : memref<10240xf32, #tpu.memory_space<vmem_shared>> -> memref<10240xf32, #tpu.memory_space<vmem_shared>>
    tpu.enqueue_indirect_dma source(%arg6 : memref<128xf32, #tpu.memory_space<vmem>>) target(%dma_start3A_71 : memref<10240xf32, #tpu.memory_space<vmem_shared>>) offsets(%dma_start3A_69 : memref<128xi32, #tpu.memory_space<vmem>>) semaphore(%arg11 : memref<!tpu.dma_semaphore, #tpu.memory_space<semaphore_mem>>) {add = true}
    %scan3A = arith.constant 0 : i32
    %scan3A_72 = arith.constant 0 : i32
    %scan3A_73 = arith.constant 19 : i32
    %scan3A_74 = arith.addi %scan3A_72, %scan3A_73 : i32
    %scan3A_75 = arith.constant 1 : i32
    scf.for %scan3A_101 = %scan3A_72 to %scan3A_74 step %scan3A_75  : i32 {
      %mul3A_102 = arith.constant 4 : i32
      %mul3A_103 = arith.muli %mul3A_102, %scan3A_101 : i32
      %dma_wait3A_104 = arith.constant 0 : i32
      %dma_wait3A_105 = arith.constant 0 : i32
      %dma_wait3A_106 = tpu.memref_slice %arg5[%dma_wait3A_104, %dma_wait3A_105] : memref<80x128xi32, #tpu.memory_space<vmem>> -> memref<1x128xi32, #tpu.memory_space<vmem>>
      %dma_wait3A_107 = tpu.memref_squeeze %dma_wait3A_106 : memref<1x128xi32, #tpu.memory_space<vmem>> -> memref<128xi32, #tpu.memory_space<vmem>>
      %dma_wait3A_108 = arith.constant 0 : i32
      %dma_wait3A_109 = tpu.memref_slice %arg7[%dma_wait3A_108] : memref<10240xf32, #tpu.memory_space<vmem_shared>> -> memref<10240xf32, #tpu.memory_space<vmem_shared>>
      tpu.wait_indirect_dma semaphore(%arg8 : memref<!tpu.dma_semaphore, #tpu.memory_space<semaphore_mem>>) src(%arg6 : memref<128xf32, #tpu.memory_space<vmem>>) dst(%dma_wait3A_109 : memref<10240xf32, #tpu.memory_space<vmem_shared>>)
      %add3A_110 = arith.constant 4 : i32
      %add3A_111 = arith.addi %mul3A_103, %add3A_110 : i32
      %add3A_112 = arith.constant 0 : i32
      %add3A_113 = arith.addi %add3A_111, %add3A_112 : i32
      %dma_start3A_114 = arith.constant 0 : i32
      %dma_start3A_115 = tpu.memref_slice %arg5[%add3A_113, %dma_start3A_114] : memref<80x128xi32, #tpu.memory_space<vmem>> -> memref<1x128xi32, #tpu.memory_space<vmem>>
      %dma_start3A_116 = tpu.memref_squeeze %dma_start3A_115 : memref<1x128xi32, #tpu.memory_space<vmem>> -> memref<128xi32, #tpu.memory_space<vmem>>
      %dma_start3A_117 = arith.constant 0 : i32
      %dma_start3A_118 = tpu.memref_slice %arg7[%dma_start3A_117] : memref<10240xf32, #tpu.memory_space<vmem_shared>> -> memref<10240xf32, #tpu.memory_space<vmem_shared>>
      tpu.enqueue_indirect_dma source(%arg6 : memref<128xf32, #tpu.memory_space<vmem>>) target(%dma_start3A_118 : memref<10240xf32, #tpu.memory_space<vmem_shared>>) offsets(%dma_start3A_116 : memref<128xi32, #tpu.memory_space<vmem>>) semaphore(%arg8 : memref<!tpu.dma_semaphore, #tpu.memory_space<semaphore_mem>>) {add = true}
      %dma_wait3A_119 = arith.constant 0 : i32
      %dma_wait3A_120 = arith.constant 0 : i32
      %dma_wait3A_121 = tpu.memref_slice %arg5[%dma_wait3A_119, %dma_wait3A_120] : memref<80x128xi32, #tpu.memory_space<vmem>> -> memref<1x128xi32, #tpu.memory_space<vmem>>
      %dma_wait3A_122 = tpu.memref_squeeze %dma_wait3A_121 : memref<1x128xi32, #tpu.memory_space<vmem>> -> memref<128xi32, #tpu.memory_space<vmem>>
      %dma_wait3A_123 = arith.constant 0 : i32
      %dma_wait3A_124 = tpu.memref_slice %arg7[%dma_wait3A_123] : memref<10240xf32, #tpu.memory_space<vmem_shared>> -> memref<10240xf32, #tpu.memory_space<vmem_shared>>
      tpu.wait_indirect_dma semaphore(%arg9 : memref<!tpu.dma_semaphore, #tpu.memory_space<semaphore_mem>>) src(%arg6 : memref<128xf32, #tpu.memory_space<vmem>>) dst(%dma_wait3A_124 : memref<10240xf32, #tpu.memory_space<vmem_shared>>)
      %add3A_125 = arith.constant 4 : i32
      %add3A_126 = arith.addi %mul3A_103, %add3A_125 : i32
      %add3A_127 = arith.constant 1 : i32
      %add3A_128 = arith.addi %add3A_126, %add3A_127 : i32
      %dma_start3A_129 = arith.constant 0 : i32
      %dma_start3A_130 = tpu.memref_slice %arg5[%add3A_128, %dma_start3A_129] : memref<80x128xi32, #tpu.memory_space<vmem>> -> memref<1x128xi32, #tpu.memory_space<vmem>>
      %dma_start3A_131 = tpu.memref_squeeze %dma_start3A_130 : memref<1x128xi32, #tpu.memory_space<vmem>> -> memref<128xi32, #tpu.memory_space<vmem>>
      %dma_start3A_132 = arith.constant 0 : i32
      %dma_start3A_133 = tpu.memref_slice %arg7[%dma_start3A_132] : memref<10240xf32, #tpu.memory_space<vmem_shared>> -> memref<10240xf32, #tpu.memory_space<vmem_shared>>
      tpu.enqueue_indirect_dma source(%arg6 : memref<128xf32, #tpu.memory_space<vmem>>) target(%dma_start3A_133 : memref<10240xf32, #tpu.memory_space<vmem_shared>>) offsets(%dma_start3A_131 : memref<128xi32, #tpu.memory_space<vmem>>) semaphore(%arg9 : memref<!tpu.dma_semaphore, #tpu.memory_space<semaphore_mem>>) {add = true}
      %dma_wait3A_134 = arith.constant 0 : i32
      %dma_wait3A_135 = arith.constant 0 : i32
      %dma_wait3A_136 = tpu.memref_slice %arg5[%dma_wait3A_134, %dma_wait3A_135] : memref<80x128xi32, #tpu.memory_space<vmem>> -> memref<1x128xi32, #tpu.memory_space<vmem>>
      %dma_wait3A_137 = tpu.memref_squeeze %dma_wait3A_136 : memref<1x128xi32, #tpu.memory_space<vmem>> -> memref<128xi32, #tpu.memory_space<vmem>>
      %dma_wait3A_138 = arith.constant 0 : i32
      %dma_wait3A_139 = tpu.memref_slice %arg7[%dma_wait3A_138] : memref<10240xf32, #tpu.memory_space<vmem_shared>> -> memref<10240xf32, #tpu.memory_space<vmem_shared>>
      tpu.wait_indirect_dma semaphore(%arg10 : memref<!tpu.dma_semaphore, #tpu.memory_space<semaphore_mem>>) src(%arg6 : memref<128xf32, #tpu.memory_space<vmem>>) dst(%dma_wait3A_139 : memref<10240xf32, #tpu.memory_space<vmem_shared>>)
      %add3A_140 = arith.constant 4 : i32
      %add3A_141 = arith.addi %mul3A_103, %add3A_140 : i32
      %add3A_142 = arith.constant 2 : i32
      %add3A_143 = arith.addi %add3A_141, %add3A_142 : i32
      %dma_start3A_144 = arith.constant 0 : i32
      %dma_start3A_145 = tpu.memref_slice %arg5[%add3A_143, %dma_start3A_144] : memref<80x128xi32, #tpu.memory_space<vmem>> -> memref<1x128xi32, #tpu.memory_space<vmem>>
      %dma_start3A_146 = tpu.memref_squeeze %dma_start3A_145 : memref<1x128xi32, #tpu.memory_space<vmem>> -> memref<128xi32, #tpu.memory_space<vmem>>
      %dma_start3A_147 = arith.constant 0 : i32
      %dma_start3A_148 = tpu.memref_slice %arg7[%dma_start3A_147] : memref<10240xf32, #tpu.memory_space<vmem_shared>> -> memref<10240xf32, #tpu.memory_space<vmem_shared>>
      tpu.enqueue_indirect_dma source(%arg6 : memref<128xf32, #tpu.memory_space<vmem>>) target(%dma_start3A_148 : memref<10240xf32, #tpu.memory_space<vmem_shared>>) offsets(%dma_start3A_146 : memref<128xi32, #tpu.memory_space<vmem>>) semaphore(%arg10 : memref<!tpu.dma_semaphore, #tpu.memory_space<semaphore_mem>>) {add = true}
      %dma_wait3A_149 = arith.constant 0 : i32
      %dma_wait3A_150 = arith.constant 0 : i32
      %dma_wait3A_151 = tpu.memref_slice %arg5[%dma_wait3A_149, %dma_wait3A_150] : memref<80x128xi32, #tpu.memory_space<vmem>> -> memref<1x128xi32, #tpu.memory_space<vmem>>
      %dma_wait3A_152 = tpu.memref_squeeze %dma_wait3A_151 : memref<1x128xi32, #tpu.memory_space<vmem>> -> memref<128xi32, #tpu.memory_space<vmem>>
      %dma_wait3A_153 = arith.constant 0 : i32
      %dma_wait3A_154 = tpu.memref_slice %arg7[%dma_wait3A_153] : memref<10240xf32, #tpu.memory_space<vmem_shared>> -> memref<10240xf32, #tpu.memory_space<vmem_shared>>
      tpu.wait_indirect_dma semaphore(%arg11 : memref<!tpu.dma_semaphore, #tpu.memory_space<semaphore_mem>>) src(%arg6 : memref<128xf32, #tpu.memory_space<vmem>>) dst(%dma_wait3A_154 : memref<10240xf32, #tpu.memory_space<vmem_shared>>)
      %add3A_155 = arith.constant 4 : i32
      %add3A_156 = arith.addi %mul3A_103, %add3A_155 : i32
      %add3A_157 = arith.constant 3 : i32
      %add3A_158 = arith.addi %add3A_156, %add3A_157 : i32
      %dma_start3A_159 = arith.constant 0 : i32
      %dma_start3A_160 = tpu.memref_slice %arg5[%add3A_158, %dma_start3A_159] : memref<80x128xi32, #tpu.memory_space<vmem>> -> memref<1x128xi32, #tpu.memory_space<vmem>>
      %dma_start3A_161 = tpu.memref_squeeze %dma_start3A_160 : memref<1x128xi32, #tpu.memory_space<vmem>> -> memref<128xi32, #tpu.memory_space<vmem>>
      %dma_start3A_162 = arith.constant 0 : i32
      %dma_start3A_163 = tpu.memref_slice %arg7[%dma_start3A_162] : memref<10240xf32, #tpu.memory_space<vmem_shared>> -> memref<10240xf32, #tpu.memory_space<vmem_shared>>
      tpu.enqueue_indirect_dma source(%arg6 : memref<128xf32, #tpu.memory_space<vmem>>) target(%dma_start3A_163 : memref<10240xf32, #tpu.memory_space<vmem_shared>>) offsets(%dma_start3A_161 : memref<128xi32, #tpu.memory_space<vmem>>) semaphore(%arg11 : memref<!tpu.dma_semaphore, #tpu.memory_space<semaphore_mem>>) {add = true}
    }
    %scan3A_76 = arith.constant 19 : i32
    %dma_wait3A = arith.constant 0 : i32
    %dma_wait3A_77 = arith.constant 0 : i32
    %dma_wait3A_78 = tpu.memref_slice %arg5[%dma_wait3A, %dma_wait3A_77] : memref<80x128xi32, #tpu.memory_space<vmem>> -> memref<1x128xi32, #tpu.memory_space<vmem>>
    %dma_wait3A_79 = tpu.memref_squeeze %dma_wait3A_78 : memref<1x128xi32, #tpu.memory_space<vmem>> -> memref<128xi32, #tpu.memory_space<vmem>>
    %dma_wait3A_80 = arith.constant 0 : i32
    %dma_wait3A_81 = tpu.memref_slice %arg7[%dma_wait3A_80] : memref<10240xf32, #tpu.memory_space<vmem_shared>> -> memref<10240xf32, #tpu.memory_space<vmem_shared>>
    tpu.wait_indirect_dma semaphore(%arg8 : memref<!tpu.dma_semaphore, #tpu.memory_space<semaphore_mem>>) src(%arg6 : memref<128xf32, #tpu.memory_space<vmem>>) dst(%dma_wait3A_81 : memref<10240xf32, #tpu.memory_space<vmem_shared>>)
    %dma_wait3A_82 = arith.constant 0 : i32
    %dma_wait3A_83 = arith.constant 0 : i32
    %dma_wait3A_84 = tpu.memref_slice %arg5[%dma_wait3A_82, %dma_wait3A_83] : memref<80x128xi32, #tpu.memory_space<vmem>> -> memref<1x128xi32, #tpu.memory_space<vmem>>
    %dma_wait3A_85 = tpu.memref_squeeze %dma_wait3A_84 : memref<1x128xi32, #tpu.memory_space<vmem>> -> memref<128xi32, #tpu.memory_space<vmem>>
    %dma_wait3A_86 = arith.constant 0 : i32
    %dma_wait3A_87 = tpu.memref_slice %arg7[%dma_wait3A_86] : memref<10240xf32, #tpu.memory_space<vmem_shared>> -> memref<10240xf32, #tpu.memory_space<vmem_shared>>
    tpu.wait_indirect_dma semaphore(%arg9 : memref<!tpu.dma_semaphore, #tpu.memory_space<semaphore_mem>>) src(%arg6 : memref<128xf32, #tpu.memory_space<vmem>>) dst(%dma_wait3A_87 : memref<10240xf32, #tpu.memory_space<vmem_shared>>)
    %dma_wait3A_88 = arith.constant 0 : i32
    %dma_wait3A_89 = arith.constant 0 : i32
    %dma_wait3A_90 = tpu.memref_slice %arg5[%dma_wait3A_88, %dma_wait3A_89] : memref<80x128xi32, #tpu.memory_space<vmem>> -> memref<1x128xi32, #tpu.memory_space<vmem>>
    %dma_wait3A_91 = tpu.memref_squeeze %dma_wait3A_90 : memref<1x128xi32, #tpu.memory_space<vmem>> -> memref<128xi32, #tpu.memory_space<vmem>>
    %dma_wait3A_92 = arith.constant 0 : i32
    %dma_wait3A_93 = tpu.memref_slice %arg7[%dma_wait3A_92] : memref<10240xf32, #tpu.memory_space<vmem_shared>> -> memref<10240xf32, #tpu.memory_space<vmem_shared>>
    tpu.wait_indirect_dma semaphore(%arg10 : memref<!tpu.dma_semaphore, #tpu.memory_space<semaphore_mem>>) src(%arg6 : memref<128xf32, #tpu.memory_space<vmem>>) dst(%dma_wait3A_93 : memref<10240xf32, #tpu.memory_space<vmem_shared>>)
    %dma_wait3A_94 = arith.constant 0 : i32
    %dma_wait3A_95 = arith.constant 0 : i32
    %dma_wait3A_96 = tpu.memref_slice %arg5[%dma_wait3A_94, %dma_wait3A_95] : memref<80x128xi32, #tpu.memory_space<vmem>> -> memref<1x128xi32, #tpu.memory_space<vmem>>
    %dma_wait3A_97 = tpu.memref_squeeze %dma_wait3A_96 : memref<1x128xi32, #tpu.memory_space<vmem>> -> memref<128xi32, #tpu.memory_space<vmem>>
    %dma_wait3A_98 = arith.constant 0 : i32
    %dma_wait3A_99 = tpu.memref_slice %arg7[%dma_wait3A_98] : memref<10240xf32, #tpu.memory_space<vmem_shared>> -> memref<10240xf32, #tpu.memory_space<vmem_shared>>
    tpu.wait_indirect_dma semaphore(%arg11 : memref<!tpu.dma_semaphore, #tpu.memory_space<semaphore_mem>>) src(%arg6 : memref<128xf32, #tpu.memory_space<vmem>>) dst(%dma_wait3A_99 : memref<10240xf32, #tpu.memory_space<vmem_shared>>)
    %barrier3A_100 = arith.constant 0 : index
    tpu.barrier barrier_id(%barrier3A_100)
    "tpu.region"() ({
      %run_scoped3A = tpu.sem_alloc : memref<!tpu.dma_semaphore, #tpu.memory_space<semaphore_mem>>
      %dma_start3A_101 = tpu.memref_slice %arg4[%arg0, %mul3A_2] : memref<2x10240xf32, #tpu.memory_space<hbm>> -> memref<1x640xf32, #tpu.memory_space<hbm>>
      %dma_start3A_102 = tpu.memref_squeeze %dma_start3A_101 : memref<1x640xf32, #tpu.memory_space<hbm>> -> memref<640xf32, #tpu.memory_space<hbm>>
      %dma_start3A_103 = tpu.memref_slice %arg7[%mul3A_2] : memref<10240xf32, #tpu.memory_space<vmem_shared>> -> memref<640xf32, #tpu.memory_space<vmem_shared>>
      tpu.enqueue_dma source(%dma_start3A_103 : memref<640xf32, #tpu.memory_space<vmem_shared>>) target(%dma_start3A_102 : memref<640xf32, #tpu.memory_space<hbm>>) target_semaphore(%run_scoped3A : memref<!tpu.dma_semaphore, #tpu.memory_space<semaphore_mem>>)
      %dma_wait3A_104 = tpu.memref_slice %arg4[%arg0, %mul3A_2] : memref<2x10240xf32, #tpu.memory_space<hbm>> -> memref<1x640xf32, #tpu.memory_space<hbm>>
      %dma_wait3A_105 = tpu.memref_squeeze %dma_wait3A_104 : memref<1x640xf32, #tpu.memory_space<hbm>> -> memref<640xf32, #tpu.memory_space<hbm>>
      %dma_wait3A_106 = tpu.memref_slice %arg7[%mul3A_2] : memref<10240xf32, #tpu.memory_space<vmem_shared>> -> memref<640xf32, #tpu.memory_space<vmem_shared>>
      tpu.wait_dma2 semaphore(%run_scoped3A : memref<!tpu.dma_semaphore, #tpu.memory_space<semaphore_mem>>) src(%dma_wait3A_106 : memref<640xf32, #tpu.memory_space<vmem_shared>>) dst(%dma_wait3A_105 : memref<640xf32, #tpu.memory_space<hbm>>)
      tpu.yield
    }) : () -> ()
    return
  }
}

#map = affine_map<(d0, d1) -> (0, 0)>
#map1 = affine_map<(d0, d1) -> (0, 0, 0, 0)>
#map2 = affine_map<(d0, d1) -> (0, 0, 0)>
module attributes {stable_mosaic.version = 14 : i64} {
  func.func @_agg_kernel(%arg0: i32, %arg1: i32, %arg2: memref<10000x128xf32, #tpu.memory_space<hbm>>, %arg3: memref<32x80x2x128xi32, #tpu.memory_space<hbm>>, %arg4: memref<10240x128xf32, #tpu.memory_space<hbm>>, %arg5: memref<2x10240x128xf32, #tpu.memory_space<hbm>>, %arg6: memref<2x128xi32, #tpu.memory_space<vmem>>, %arg7: memref<2x128xi32, #tpu.memory_space<vmem>>, %arg8: memref<2x128xi32, #tpu.memory_space<vmem>>, %arg9: memref<2x128xi32, #tpu.memory_space<vmem>>, %arg10: memref<128x128xf32, #tpu.memory_space<vmem>>, %arg11: memref<128x128xf32, #tpu.memory_space<vmem>>, %arg12: memref<10240x128xf32, #tpu.memory_space<vmem_shared>>, %arg13: memref<!tpu.dma_semaphore, #tpu.memory_space<semaphore_mem>>, %arg14: memref<!tpu.dma_semaphore, #tpu.memory_space<semaphore_mem>>, %arg15: memref<!tpu.dma_semaphore, #tpu.memory_space<semaphore_mem>>, %arg16: memref<!tpu.dma_semaphore, #tpu.memory_space<semaphore_mem>>, %arg17: memref<!tpu.dma_semaphore, #tpu.memory_space<semaphore_mem>>, %arg18: memref<!tpu.dma_semaphore, #tpu.memory_space<semaphore_mem>>) attributes {dimension_semantics = [#tpu.dimension_semantics<core_parallel>, #tpu.dimension_semantics<subcore_parallel>], iteration_bounds = array<i64: 2, 16>, scalar_prefetch = 0 : i64, scratch_operands = 13 : i64, tpu.core_type = #tpu.core_type<sc_vector_subcore>, window_params = [{transform_indices = #map}, {transform_indices = #map1}, {transform_indices = #map}, {transform_indices = #map2}]} {
    %mul3A = arith.constant 2 : i32
    %mul3A_0 = arith.muli %arg1, %mul3A : i32
    %add3A = arith.addi %mul3A_0, %arg0 : i32
    %mul3A_1 = arith.constant 640 : i32
    %mul3A_2 = arith.muli %arg1, %mul3A_1 : i32
    "tpu.region"() ({
      %run_scoped3A_104 = tpu.sem_alloc : memref<!tpu.dma_semaphore, #tpu.memory_space<semaphore_mem>>
      %dma_start3A_105 = arith.constant 0 : i32
      %dma_start3A_106 = tpu.memref_slice %arg12[%mul3A_2, %dma_start3A_105] : memref<10240x128xf32, #tpu.memory_space<vmem_shared>> -> memref<640x128xf32, #tpu.memory_space<vmem_shared>>
      %dma_start3A_107 = arith.constant 0 : i32
      %dma_start3A_108 = tpu.memref_slice %arg4[%mul3A_2, %dma_start3A_107] : memref<10240x128xf32, #tpu.memory_space<hbm>> -> memref<640x128xf32, #tpu.memory_space<hbm>>
      tpu.enqueue_dma source(%dma_start3A_108 : memref<640x128xf32, #tpu.memory_space<hbm>>) target(%dma_start3A_106 : memref<640x128xf32, #tpu.memory_space<vmem_shared>>) target_semaphore(%run_scoped3A_104 : memref<!tpu.dma_semaphore, #tpu.memory_space<semaphore_mem>>)
      %dma_wait3A_109 = arith.constant 0 : i32
      %dma_wait3A_110 = tpu.memref_slice %arg12[%mul3A_2, %dma_wait3A_109] : memref<10240x128xf32, #tpu.memory_space<vmem_shared>> -> memref<640x128xf32, #tpu.memory_space<vmem_shared>>
      %dma_wait3A_111 = arith.constant 0 : i32
      %dma_wait3A_112 = tpu.memref_slice %arg4[%mul3A_2, %dma_wait3A_111] : memref<10240x128xf32, #tpu.memory_space<hbm>> -> memref<640x128xf32, #tpu.memory_space<hbm>>
      tpu.wait_dma2 semaphore(%run_scoped3A_104 : memref<!tpu.dma_semaphore, #tpu.memory_space<semaphore_mem>>) src(%dma_wait3A_112 : memref<640x128xf32, #tpu.memory_space<hbm>>) dst(%dma_wait3A_110 : memref<640x128xf32, #tpu.memory_space<vmem_shared>>)
      tpu.yield
    }) : () -> ()
    %run_scoped3A = arith.constant 0 : i32
    "tpu.region"() ({
      %run_scoped3A_104 = tpu.sem_alloc : memref<!tpu.dma_semaphore, #tpu.memory_space<semaphore_mem>>
      %dma_start3A_105 = arith.constant 0 : i32
      %dma_start3A_106 = arith.constant 0 : i32
      %dma_start3A_107 = tpu.memref_slice %arg3[%add3A, %run_scoped3A, %dma_start3A_105, %dma_start3A_106] : memref<32x80x2x128xi32, #tpu.memory_space<hbm>> -> memref<1x1x2x128xi32, #tpu.memory_space<hbm>>
      %dma_start3A_108 = tpu.memref_squeeze %dma_start3A_107 : memref<1x1x2x128xi32, #tpu.memory_space<hbm>> -> memref<2x128xi32, #tpu.memory_space<hbm>>
      %dma_start3A_109 = arith.constant 0 : i32
      %dma_start3A_110 = arith.constant 0 : i32
      %dma_start3A_111 = tpu.memref_slice %arg3[%add3A, %run_scoped3A, %dma_start3A_109, %dma_start3A_110] : memref<32x80x2x128xi32, #tpu.memory_space<hbm>> -> memref<1x1x2x128xi32, #tpu.memory_space<hbm>>
      %dma_start3A_112 = tpu.memref_squeeze %dma_start3A_111 : memref<1x1x2x128xi32, #tpu.memory_space<hbm>> -> memref<2x128xi32, #tpu.memory_space<hbm>>
      tpu.enqueue_dma source(%dma_start3A_112 : memref<2x128xi32, #tpu.memory_space<hbm>>) target(%arg6 : memref<2x128xi32, #tpu.memory_space<vmem>>) target_semaphore(%run_scoped3A_104 : memref<!tpu.dma_semaphore, #tpu.memory_space<semaphore_mem>>)
      %dma_wait3A_113 = arith.constant 0 : i32
      %dma_wait3A_114 = arith.constant 0 : i32
      %dma_wait3A_115 = tpu.memref_slice %arg3[%add3A, %run_scoped3A, %dma_wait3A_113, %dma_wait3A_114] : memref<32x80x2x128xi32, #tpu.memory_space<hbm>> -> memref<1x1x2x128xi32, #tpu.memory_space<hbm>>
      %dma_wait3A_116 = tpu.memref_squeeze %dma_wait3A_115 : memref<1x1x2x128xi32, #tpu.memory_space<hbm>> -> memref<2x128xi32, #tpu.memory_space<hbm>>
      %dma_wait3A_117 = arith.constant 0 : i32
      %dma_wait3A_118 = arith.constant 0 : i32
      %dma_wait3A_119 = tpu.memref_slice %arg3[%add3A, %run_scoped3A, %dma_wait3A_117, %dma_wait3A_118] : memref<32x80x2x128xi32, #tpu.memory_space<hbm>> -> memref<1x1x2x128xi32, #tpu.memory_space<hbm>>
      %dma_wait3A_120 = tpu.memref_squeeze %dma_wait3A_119 : memref<1x1x2x128xi32, #tpu.memory_space<hbm>> -> memref<2x128xi32, #tpu.memory_space<hbm>>
      tpu.wait_dma2 semaphore(%run_scoped3A_104 : memref<!tpu.dma_semaphore, #tpu.memory_space<semaphore_mem>>) src(%dma_wait3A_120 : memref<2x128xi32, #tpu.memory_space<hbm>>) dst(%arg6 : memref<2x128xi32, #tpu.memory_space<vmem>>)
      tpu.yield
    }) : () -> ()
    %run_scoped3A_3 = arith.constant 1 : i32
    "tpu.region"() ({
      %run_scoped3A_104 = tpu.sem_alloc : memref<!tpu.dma_semaphore, #tpu.memory_space<semaphore_mem>>
      %dma_start3A_105 = arith.constant 0 : i32
      %dma_start3A_106 = arith.constant 0 : i32
      %dma_start3A_107 = tpu.memref_slice %arg3[%add3A, %run_scoped3A_3, %dma_start3A_105, %dma_start3A_106] : memref<32x80x2x128xi32, #tpu.memory_space<hbm>> -> memref<1x1x2x128xi32, #tpu.memory_space<hbm>>
      %dma_start3A_108 = tpu.memref_squeeze %dma_start3A_107 : memref<1x1x2x128xi32, #tpu.memory_space<hbm>> -> memref<2x128xi32, #tpu.memory_space<hbm>>
      %dma_start3A_109 = arith.constant 0 : i32
      %dma_start3A_110 = arith.constant 0 : i32
      %dma_start3A_111 = tpu.memref_slice %arg3[%add3A, %run_scoped3A_3, %dma_start3A_109, %dma_start3A_110] : memref<32x80x2x128xi32, #tpu.memory_space<hbm>> -> memref<1x1x2x128xi32, #tpu.memory_space<hbm>>
      %dma_start3A_112 = tpu.memref_squeeze %dma_start3A_111 : memref<1x1x2x128xi32, #tpu.memory_space<hbm>> -> memref<2x128xi32, #tpu.memory_space<hbm>>
      tpu.enqueue_dma source(%dma_start3A_112 : memref<2x128xi32, #tpu.memory_space<hbm>>) target(%arg7 : memref<2x128xi32, #tpu.memory_space<vmem>>) target_semaphore(%run_scoped3A_104 : memref<!tpu.dma_semaphore, #tpu.memory_space<semaphore_mem>>)
      %dma_wait3A_113 = arith.constant 0 : i32
      %dma_wait3A_114 = arith.constant 0 : i32
      %dma_wait3A_115 = tpu.memref_slice %arg3[%add3A, %run_scoped3A_3, %dma_wait3A_113, %dma_wait3A_114] : memref<32x80x2x128xi32, #tpu.memory_space<hbm>> -> memref<1x1x2x128xi32, #tpu.memory_space<hbm>>
      %dma_wait3A_116 = tpu.memref_squeeze %dma_wait3A_115 : memref<1x1x2x128xi32, #tpu.memory_space<hbm>> -> memref<2x128xi32, #tpu.memory_space<hbm>>
      %dma_wait3A_117 = arith.constant 0 : i32
      %dma_wait3A_118 = arith.constant 0 : i32
      %dma_wait3A_119 = tpu.memref_slice %arg3[%add3A, %run_scoped3A_3, %dma_wait3A_117, %dma_wait3A_118] : memref<32x80x2x128xi32, #tpu.memory_space<hbm>> -> memref<1x1x2x128xi32, #tpu.memory_space<hbm>>
      %dma_wait3A_120 = tpu.memref_squeeze %dma_wait3A_119 : memref<1x1x2x128xi32, #tpu.memory_space<hbm>> -> memref<2x128xi32, #tpu.memory_space<hbm>>
      tpu.wait_dma2 semaphore(%run_scoped3A_104 : memref<!tpu.dma_semaphore, #tpu.memory_space<semaphore_mem>>) src(%dma_wait3A_120 : memref<2x128xi32, #tpu.memory_space<hbm>>) dst(%arg7 : memref<2x128xi32, #tpu.memory_space<vmem>>)
      tpu.yield
    }) : () -> ()
    %dma_start3A = arith.constant 2 : i32
    %dma_start3A_4 = arith.constant 0 : i32
    %dma_start3A_5 = arith.constant 0 : i32
    %dma_start3A_6 = tpu.memref_slice %arg3[%add3A, %dma_start3A, %dma_start3A_4, %dma_start3A_5] : memref<32x80x2x128xi32, #tpu.memory_space<hbm>> -> memref<1x1x2x128xi32, #tpu.memory_space<hbm>>
    %dma_start3A_7 = tpu.memref_squeeze %dma_start3A_6 : memref<1x1x2x128xi32, #tpu.memory_space<hbm>> -> memref<2x128xi32, #tpu.memory_space<hbm>>
    %dma_start3A_8 = arith.constant 0 : i32
    %dma_start3A_9 = arith.constant 0 : i32
    %dma_start3A_10 = tpu.memref_slice %arg3[%add3A, %dma_start3A, %dma_start3A_8, %dma_start3A_9] : memref<32x80x2x128xi32, #tpu.memory_space<hbm>> -> memref<1x1x2x128xi32, #tpu.memory_space<hbm>>
    %dma_start3A_11 = tpu.memref_squeeze %dma_start3A_10 : memref<1x1x2x128xi32, #tpu.memory_space<hbm>> -> memref<2x128xi32, #tpu.memory_space<hbm>>
    tpu.enqueue_dma source(%dma_start3A_11 : memref<2x128xi32, #tpu.memory_space<hbm>>) target(%arg8 : memref<2x128xi32, #tpu.memory_space<vmem>>) target_semaphore(%arg17 : memref<!tpu.dma_semaphore, #tpu.memory_space<semaphore_mem>>)
    %dma_start3A_12 = arith.constant 3 : i32
    %dma_start3A_13 = arith.constant 0 : i32
    %dma_start3A_14 = arith.constant 0 : i32
    %dma_start3A_15 = tpu.memref_slice %arg3[%add3A, %dma_start3A_12, %dma_start3A_13, %dma_start3A_14] : memref<32x80x2x128xi32, #tpu.memory_space<hbm>> -> memref<1x1x2x128xi32, #tpu.memory_space<hbm>>
    %dma_start3A_16 = tpu.memref_squeeze %dma_start3A_15 : memref<1x1x2x128xi32, #tpu.memory_space<hbm>> -> memref<2x128xi32, #tpu.memory_space<hbm>>
    %dma_start3A_17 = arith.constant 0 : i32
    %dma_start3A_18 = arith.constant 0 : i32
    %dma_start3A_19 = tpu.memref_slice %arg3[%add3A, %dma_start3A_12, %dma_start3A_17, %dma_start3A_18] : memref<32x80x2x128xi32, #tpu.memory_space<hbm>> -> memref<1x1x2x128xi32, #tpu.memory_space<hbm>>
    %dma_start3A_20 = tpu.memref_squeeze %dma_start3A_19 : memref<1x1x2x128xi32, #tpu.memory_space<hbm>> -> memref<2x128xi32, #tpu.memory_space<hbm>>
    tpu.enqueue_dma source(%dma_start3A_20 : memref<2x128xi32, #tpu.memory_space<hbm>>) target(%arg9 : memref<2x128xi32, #tpu.memory_space<vmem>>) target_semaphore(%arg18 : memref<!tpu.dma_semaphore, #tpu.memory_space<semaphore_mem>>)
    %dma_start3A_21 = arith.constant 0 : i32
    %dma_start3A_22 = arith.constant 0 : i32
    %dma_start3A_23 = tpu.memref_slice %arg6[%dma_start3A_21, %dma_start3A_22] : memref<2x128xi32, #tpu.memory_space<vmem>> -> memref<1x128xi32, #tpu.memory_space<vmem>>
    %dma_start3A_24 = tpu.memref_squeeze %dma_start3A_23 : memref<1x128xi32, #tpu.memory_space<vmem>> -> memref<128xi32, #tpu.memory_space<vmem>>
    %dma_start3A_25 = arith.constant 0 : i32
    %dma_start3A_26 = arith.constant 0 : i32
    %dma_start3A_27 = tpu.memref_slice %arg2[%dma_start3A_25, %dma_start3A_26] : memref<10000x128xf32, #tpu.memory_space<hbm>> -> memref<10000x128xf32, #tpu.memory_space<hbm>>
    tpu.enqueue_indirect_dma source(%dma_start3A_27 : memref<10000x128xf32, #tpu.memory_space<hbm>>) target(%arg10 : memref<128x128xf32, #tpu.memory_space<vmem>>) offsets(%dma_start3A_24 : memref<128xi32, #tpu.memory_space<vmem>>) semaphore(%arg13 : memref<!tpu.dma_semaphore, #tpu.memory_space<semaphore_mem>>)
    %barrier3A = arith.constant 0 : index
    tpu.barrier barrier_id(%barrier3A)
    %dma_start3A_28 = arith.constant 0 : i32
    %dma_start3A_29 = arith.constant 0 : i32
    %dma_start3A_30 = tpu.memref_slice %arg7[%dma_start3A_28, %dma_start3A_29] : memref<2x128xi32, #tpu.memory_space<vmem>> -> memref<1x128xi32, #tpu.memory_space<vmem>>
    %dma_start3A_31 = tpu.memref_squeeze %dma_start3A_30 : memref<1x128xi32, #tpu.memory_space<vmem>> -> memref<128xi32, #tpu.memory_space<vmem>>
    %dma_start3A_32 = arith.constant 0 : i32
    %dma_start3A_33 = arith.constant 0 : i32
    %dma_start3A_34 = tpu.memref_slice %arg2[%dma_start3A_32, %dma_start3A_33] : memref<10000x128xf32, #tpu.memory_space<hbm>> -> memref<10000x128xf32, #tpu.memory_space<hbm>>
    tpu.enqueue_indirect_dma source(%dma_start3A_34 : memref<10000x128xf32, #tpu.memory_space<hbm>>) target(%arg11 : memref<128x128xf32, #tpu.memory_space<vmem>>) offsets(%dma_start3A_31 : memref<128xi32, #tpu.memory_space<vmem>>) semaphore(%arg14 : memref<!tpu.dma_semaphore, #tpu.memory_space<semaphore_mem>>)
    %scan3A = arith.constant 0 : i32
    %scan3A_35 = arith.constant 0 : i32
    %scan3A_36 = arith.constant 19 : i32
    %scan3A_37 = arith.addi %scan3A_35, %scan3A_36 : i32
    %scan3A_38 = arith.constant 1 : i32
    scf.for %scan3A_104 = %scan3A_35 to %scan3A_37 step %scan3A_38  : i32 {
      %mul3A_105 = arith.constant 4 : i32
      %mul3A_106 = arith.muli %mul3A_105, %scan3A_104 : i32
      %dma_wait3A_107 = arith.constant 0 : i32
      %dma_wait3A_108 = arith.constant 0 : i32
      %dma_wait3A_109 = tpu.memref_slice %arg6[%dma_wait3A_107, %dma_wait3A_108] : memref<2x128xi32, #tpu.memory_space<vmem>> -> memref<1x128xi32, #tpu.memory_space<vmem>>
      %dma_wait3A_110 = tpu.memref_squeeze %dma_wait3A_109 : memref<1x128xi32, #tpu.memory_space<vmem>> -> memref<128xi32, #tpu.memory_space<vmem>>
      %dma_wait3A_111 = arith.constant 0 : i32
      %dma_wait3A_112 = arith.constant 0 : i32
      %dma_wait3A_113 = tpu.memref_slice %arg2[%dma_wait3A_111, %dma_wait3A_112] : memref<10000x128xf32, #tpu.memory_space<hbm>> -> memref<10000x128xf32, #tpu.memory_space<hbm>>
      tpu.wait_indirect_dma semaphore(%arg13 : memref<!tpu.dma_semaphore, #tpu.memory_space<semaphore_mem>>) src(%dma_wait3A_113 : memref<10000x128xf32, #tpu.memory_space<hbm>>) dst(%arg10 : memref<128x128xf32, #tpu.memory_space<vmem>>)
      %run_scoped3A_114 = arith.constant 1 : i32
      "tpu.region"() ({
        %run_scoped3A_243 = tpu.sem_alloc : memref<!tpu.dma_semaphore, #tpu.memory_space<semaphore_mem>>
        %dma_start3A_244 = arith.constant 0 : i32
        %dma_start3A_245 = tpu.memref_slice %arg6[%run_scoped3A_114, %dma_start3A_244] : memref<2x128xi32, #tpu.memory_space<vmem>> -> memref<1x128xi32, #tpu.memory_space<vmem>>
        %dma_start3A_246 = tpu.memref_squeeze %dma_start3A_245 : memref<1x128xi32, #tpu.memory_space<vmem>> -> memref<128xi32, #tpu.memory_space<vmem>>
        %dma_start3A_247 = arith.constant 0 : i32
        %dma_start3A_248 = arith.constant 0 : i32
        %dma_start3A_249 = tpu.memref_slice %arg12[%dma_start3A_247, %dma_start3A_248] : memref<10240x128xf32, #tpu.memory_space<vmem_shared>> -> memref<10240x128xf32, #tpu.memory_space<vmem_shared>>
        tpu.enqueue_indirect_dma source(%arg10 : memref<128x128xf32, #tpu.memory_space<vmem>>) target(%dma_start3A_249 : memref<10240x128xf32, #tpu.memory_space<vmem_shared>>) offsets(%dma_start3A_246 : memref<128xi32, #tpu.memory_space<vmem>>) semaphore(%run_scoped3A_243 : memref<!tpu.dma_semaphore, #tpu.memory_space<semaphore_mem>>) {add = true}
        %dma_wait3A_250 = arith.constant 0 : i32
        %dma_wait3A_251 = tpu.memref_slice %arg6[%run_scoped3A_114, %dma_wait3A_250] : memref<2x128xi32, #tpu.memory_space<vmem>> -> memref<1x128xi32, #tpu.memory_space<vmem>>
        %dma_wait3A_252 = tpu.memref_squeeze %dma_wait3A_251 : memref<1x128xi32, #tpu.memory_space<vmem>> -> memref<128xi32, #tpu.memory_space<vmem>>
        %dma_wait3A_253 = arith.constant 0 : i32
        %dma_wait3A_254 = arith.constant 0 : i32
        %dma_wait3A_255 = tpu.memref_slice %arg12[%dma_wait3A_253, %dma_wait3A_254] : memref<10240x128xf32, #tpu.memory_space<vmem_shared>> -> memref<10240x128xf32, #tpu.memory_space<vmem_shared>>
        tpu.wait_indirect_dma semaphore(%run_scoped3A_243 : memref<!tpu.dma_semaphore, #tpu.memory_space<semaphore_mem>>) src(%arg10 : memref<128x128xf32, #tpu.memory_space<vmem>>) dst(%dma_wait3A_255 : memref<10240x128xf32, #tpu.memory_space<vmem_shared>>)
        tpu.yield
      }) : () -> ()
      %add3A_115 = arith.constant 4 : i32
      %add3A_116 = arith.addi %mul3A_106, %add3A_115 : i32
      %dma_start3A_117 = arith.constant 0 : i32
      %dma_start3A_118 = arith.constant 0 : i32
      %dma_start3A_119 = tpu.memref_slice %arg3[%add3A, %add3A_116, %dma_start3A_117, %dma_start3A_118] : memref<32x80x2x128xi32, #tpu.memory_space<hbm>> -> memref<1x1x2x128xi32, #tpu.memory_space<hbm>>
      %dma_start3A_120 = tpu.memref_squeeze %dma_start3A_119 : memref<1x1x2x128xi32, #tpu.memory_space<hbm>> -> memref<2x128xi32, #tpu.memory_space<hbm>>
      %dma_start3A_121 = arith.constant 0 : i32
      %dma_start3A_122 = arith.constant 0 : i32
      %dma_start3A_123 = tpu.memref_slice %arg3[%add3A, %add3A_116, %dma_start3A_121, %dma_start3A_122] : memref<32x80x2x128xi32, #tpu.memory_space<hbm>> -> memref<1x1x2x128xi32, #tpu.memory_space<hbm>>
      %dma_start3A_124 = tpu.memref_squeeze %dma_start3A_123 : memref<1x1x2x128xi32, #tpu.memory_space<hbm>> -> memref<2x128xi32, #tpu.memory_space<hbm>>
      tpu.enqueue_dma source(%dma_start3A_124 : memref<2x128xi32, #tpu.memory_space<hbm>>) target(%arg6 : memref<2x128xi32, #tpu.memory_space<vmem>>) target_semaphore(%arg15 : memref<!tpu.dma_semaphore, #tpu.memory_space<semaphore_mem>>)
      %dma_wait3A_125 = arith.constant 0 : i32
      %dma_wait3A_126 = arith.constant 0 : i32
      %dma_wait3A_127 = tpu.memref_slice %arg7[%dma_wait3A_125, %dma_wait3A_126] : memref<2x128xi32, #tpu.memory_space<vmem>> -> memref<1x128xi32, #tpu.memory_space<vmem>>
      %dma_wait3A_128 = tpu.memref_squeeze %dma_wait3A_127 : memref<1x128xi32, #tpu.memory_space<vmem>> -> memref<128xi32, #tpu.memory_space<vmem>>
      %dma_wait3A_129 = arith.constant 0 : i32
      %dma_wait3A_130 = arith.constant 0 : i32
      %dma_wait3A_131 = tpu.memref_slice %arg2[%dma_wait3A_129, %dma_wait3A_130] : memref<10000x128xf32, #tpu.memory_space<hbm>> -> memref<10000x128xf32, #tpu.memory_space<hbm>>
      tpu.wait_indirect_dma semaphore(%arg14 : memref<!tpu.dma_semaphore, #tpu.memory_space<semaphore_mem>>) src(%dma_wait3A_131 : memref<10000x128xf32, #tpu.memory_space<hbm>>) dst(%arg11 : memref<128x128xf32, #tpu.memory_space<vmem>>)
      %dma_wait3A_132 = arith.constant 0 : i32
      %dma_wait3A_133 = arith.constant 0 : i32
      %dma_wait3A_134 = arith.constant 0 : i32
      %dma_wait3A_135 = tpu.memref_slice %arg3[%add3A, %dma_wait3A_132, %dma_wait3A_133, %dma_wait3A_134] : memref<32x80x2x128xi32, #tpu.memory_space<hbm>> -> memref<1x1x2x128xi32, #tpu.memory_space<hbm>>
      %dma_wait3A_136 = tpu.memref_squeeze %dma_wait3A_135 : memref<1x1x2x128xi32, #tpu.memory_space<hbm>> -> memref<2x128xi32, #tpu.memory_space<hbm>>
      %dma_wait3A_137 = arith.constant 0 : i32
      %dma_wait3A_138 = arith.constant 0 : i32
      %dma_wait3A_139 = tpu.memref_slice %arg3[%add3A, %dma_wait3A_132, %dma_wait3A_137, %dma_wait3A_138] : memref<32x80x2x128xi32, #tpu.memory_space<hbm>> -> memref<1x1x2x128xi32, #tpu.memory_space<hbm>>
      %dma_wait3A_140 = tpu.memref_squeeze %dma_wait3A_139 : memref<1x1x2x128xi32, #tpu.memory_space<hbm>> -> memref<2x128xi32, #tpu.memory_space<hbm>>
      tpu.wait_dma2 semaphore(%arg17 : memref<!tpu.dma_semaphore, #tpu.memory_space<semaphore_mem>>) src(%dma_wait3A_140 : memref<2x128xi32, #tpu.memory_space<hbm>>) dst(%arg8 : memref<2x128xi32, #tpu.memory_space<vmem>>)
      %dma_start3A_141 = arith.constant 0 : i32
      %dma_start3A_142 = arith.constant 0 : i32
      %dma_start3A_143 = tpu.memref_slice %arg8[%dma_start3A_141, %dma_start3A_142] : memref<2x128xi32, #tpu.memory_space<vmem>> -> memref<1x128xi32, #tpu.memory_space<vmem>>
      %dma_start3A_144 = tpu.memref_squeeze %dma_start3A_143 : memref<1x128xi32, #tpu.memory_space<vmem>> -> memref<128xi32, #tpu.memory_space<vmem>>
      %dma_start3A_145 = arith.constant 0 : i32
      %dma_start3A_146 = arith.constant 0 : i32
      %dma_start3A_147 = tpu.memref_slice %arg2[%dma_start3A_145, %dma_start3A_146] : memref<10000x128xf32, #tpu.memory_space<hbm>> -> memref<10000x128xf32, #tpu.memory_space<hbm>>
      tpu.enqueue_indirect_dma source(%dma_start3A_147 : memref<10000x128xf32, #tpu.memory_space<hbm>>) target(%arg10 : memref<128x128xf32, #tpu.memory_space<vmem>>) offsets(%dma_start3A_144 : memref<128xi32, #tpu.memory_space<vmem>>) semaphore(%arg13 : memref<!tpu.dma_semaphore, #tpu.memory_space<semaphore_mem>>)
      %run_scoped3A_148 = arith.constant 1 : i32
      "tpu.region"() ({
        %run_scoped3A_243 = tpu.sem_alloc : memref<!tpu.dma_semaphore, #tpu.memory_space<semaphore_mem>>
        %dma_start3A_244 = arith.constant 0 : i32
        %dma_start3A_245 = tpu.memref_slice %arg7[%run_scoped3A_148, %dma_start3A_244] : memref<2x128xi32, #tpu.memory_space<vmem>> -> memref<1x128xi32, #tpu.memory_space<vmem>>
        %dma_start3A_246 = tpu.memref_squeeze %dma_start3A_245 : memref<1x128xi32, #tpu.memory_space<vmem>> -> memref<128xi32, #tpu.memory_space<vmem>>
        %dma_start3A_247 = arith.constant 0 : i32
        %dma_start3A_248 = arith.constant 0 : i32
        %dma_start3A_249 = tpu.memref_slice %arg12[%dma_start3A_247, %dma_start3A_248] : memref<10240x128xf32, #tpu.memory_space<vmem_shared>> -> memref<10240x128xf32, #tpu.memory_space<vmem_shared>>
        tpu.enqueue_indirect_dma source(%arg11 : memref<128x128xf32, #tpu.memory_space<vmem>>) target(%dma_start3A_249 : memref<10240x128xf32, #tpu.memory_space<vmem_shared>>) offsets(%dma_start3A_246 : memref<128xi32, #tpu.memory_space<vmem>>) semaphore(%run_scoped3A_243 : memref<!tpu.dma_semaphore, #tpu.memory_space<semaphore_mem>>) {add = true}
        %dma_wait3A_250 = arith.constant 0 : i32
        %dma_wait3A_251 = tpu.memref_slice %arg7[%run_scoped3A_148, %dma_wait3A_250] : memref<2x128xi32, #tpu.memory_space<vmem>> -> memref<1x128xi32, #tpu.memory_space<vmem>>
        %dma_wait3A_252 = tpu.memref_squeeze %dma_wait3A_251 : memref<1x128xi32, #tpu.memory_space<vmem>> -> memref<128xi32, #tpu.memory_space<vmem>>
        %dma_wait3A_253 = arith.constant 0 : i32
        %dma_wait3A_254 = arith.constant 0 : i32
        %dma_wait3A_255 = tpu.memref_slice %arg12[%dma_wait3A_253, %dma_wait3A_254] : memref<10240x128xf32, #tpu.memory_space<vmem_shared>> -> memref<10240x128xf32, #tpu.memory_space<vmem_shared>>
        tpu.wait_indirect_dma semaphore(%run_scoped3A_243 : memref<!tpu.dma_semaphore, #tpu.memory_space<semaphore_mem>>) src(%arg11 : memref<128x128xf32, #tpu.memory_space<vmem>>) dst(%dma_wait3A_255 : memref<10240x128xf32, #tpu.memory_space<vmem_shared>>)
        tpu.yield
      }) : () -> ()
      %add3A_149 = arith.constant 5 : i32
      %add3A_150 = arith.addi %mul3A_106, %add3A_149 : i32
      %dma_start3A_151 = arith.constant 0 : i32
      %dma_start3A_152 = arith.constant 0 : i32
      %dma_start3A_153 = tpu.memref_slice %arg3[%add3A, %add3A_150, %dma_start3A_151, %dma_start3A_152] : memref<32x80x2x128xi32, #tpu.memory_space<hbm>> -> memref<1x1x2x128xi32, #tpu.memory_space<hbm>>
      %dma_start3A_154 = tpu.memref_squeeze %dma_start3A_153 : memref<1x1x2x128xi32, #tpu.memory_space<hbm>> -> memref<2x128xi32, #tpu.memory_space<hbm>>
      %dma_start3A_155 = arith.constant 0 : i32
      %dma_start3A_156 = arith.constant 0 : i32
      %dma_start3A_157 = tpu.memref_slice %arg3[%add3A, %add3A_150, %dma_start3A_155, %dma_start3A_156] : memref<32x80x2x128xi32, #tpu.memory_space<hbm>> -> memref<1x1x2x128xi32, #tpu.memory_space<hbm>>
      %dma_start3A_158 = tpu.memref_squeeze %dma_start3A_157 : memref<1x1x2x128xi32, #tpu.memory_space<hbm>> -> memref<2x128xi32, #tpu.memory_space<hbm>>
      tpu.enqueue_dma source(%dma_start3A_158 : memref<2x128xi32, #tpu.memory_space<hbm>>) target(%arg7 : memref<2x128xi32, #tpu.memory_space<vmem>>) target_semaphore(%arg16 : memref<!tpu.dma_semaphore, #tpu.memory_space<semaphore_mem>>)
      %dma_wait3A_159 = arith.constant 0 : i32
      %dma_wait3A_160 = arith.constant 0 : i32
      %dma_wait3A_161 = arith.constant 0 : i32
      %dma_wait3A_162 = tpu.memref_slice %arg3[%add3A, %dma_wait3A_159, %dma_wait3A_160, %dma_wait3A_161] : memref<32x80x2x128xi32, #tpu.memory_space<hbm>> -> memref<1x1x2x128xi32, #tpu.memory_space<hbm>>
      %dma_wait3A_163 = tpu.memref_squeeze %dma_wait3A_162 : memref<1x1x2x128xi32, #tpu.memory_space<hbm>> -> memref<2x128xi32, #tpu.memory_space<hbm>>
      %dma_wait3A_164 = arith.constant 0 : i32
      %dma_wait3A_165 = arith.constant 0 : i32
      %dma_wait3A_166 = tpu.memref_slice %arg3[%add3A, %dma_wait3A_159, %dma_wait3A_164, %dma_wait3A_165] : memref<32x80x2x128xi32, #tpu.memory_space<hbm>> -> memref<1x1x2x128xi32, #tpu.memory_space<hbm>>
      %dma_wait3A_167 = tpu.memref_squeeze %dma_wait3A_166 : memref<1x1x2x128xi32, #tpu.memory_space<hbm>> -> memref<2x128xi32, #tpu.memory_space<hbm>>
      tpu.wait_dma2 semaphore(%arg18 : memref<!tpu.dma_semaphore, #tpu.memory_space<semaphore_mem>>) src(%dma_wait3A_167 : memref<2x128xi32, #tpu.memory_space<hbm>>) dst(%arg9 : memref<2x128xi32, #tpu.memory_space<vmem>>)
      %dma_start3A_168 = arith.constant 0 : i32
      %dma_start3A_169 = arith.constant 0 : i32
      %dma_start3A_170 = tpu.memref_slice %arg9[%dma_start3A_168, %dma_start3A_169] : memref<2x128xi32, #tpu.memory_space<vmem>> -> memref<1x128xi32, #tpu.memory_space<vmem>>
      %dma_start3A_171 = tpu.memref_squeeze %dma_start3A_170 : memref<1x128xi32, #tpu.memory_space<vmem>> -> memref<128xi32, #tpu.memory_space<vmem>>
      %dma_start3A_172 = arith.constant 0 : i32
      %dma_start3A_173 = arith.constant 0 : i32
      %dma_start3A_174 = tpu.memref_slice %arg2[%dma_start3A_172, %dma_start3A_173] : memref<10000x128xf32, #tpu.memory_space<hbm>> -> memref<10000x128xf32, #tpu.memory_space<hbm>>
      tpu.enqueue_indirect_dma source(%dma_start3A_174 : memref<10000x128xf32, #tpu.memory_space<hbm>>) target(%arg11 : memref<128x128xf32, #tpu.memory_space<vmem>>) offsets(%dma_start3A_171 : memref<128xi32, #tpu.memory_space<vmem>>) semaphore(%arg14 : memref<!tpu.dma_semaphore, #tpu.memory_space<semaphore_mem>>)
      %dma_wait3A_175 = arith.constant 0 : i32
      %dma_wait3A_176 = arith.constant 0 : i32
      %dma_wait3A_177 = tpu.memref_slice %arg8[%dma_wait3A_175, %dma_wait3A_176] : memref<2x128xi32, #tpu.memory_space<vmem>> -> memref<1x128xi32, #tpu.memory_space<vmem>>
      %dma_wait3A_178 = tpu.memref_squeeze %dma_wait3A_177 : memref<1x128xi32, #tpu.memory_space<vmem>> -> memref<128xi32, #tpu.memory_space<vmem>>
      %dma_wait3A_179 = arith.constant 0 : i32
      %dma_wait3A_180 = arith.constant 0 : i32
      %dma_wait3A_181 = tpu.memref_slice %arg2[%dma_wait3A_179, %dma_wait3A_180] : memref<10000x128xf32, #tpu.memory_space<hbm>> -> memref<10000x128xf32, #tpu.memory_space<hbm>>
      tpu.wait_indirect_dma semaphore(%arg13 : memref<!tpu.dma_semaphore, #tpu.memory_space<semaphore_mem>>) src(%dma_wait3A_181 : memref<10000x128xf32, #tpu.memory_space<hbm>>) dst(%arg10 : memref<128x128xf32, #tpu.memory_space<vmem>>)
      %run_scoped3A_182 = arith.constant 1 : i32
      "tpu.region"() ({
        %run_scoped3A_243 = tpu.sem_alloc : memref<!tpu.dma_semaphore, #tpu.memory_space<semaphore_mem>>
        %dma_start3A_244 = arith.constant 0 : i32
        %dma_start3A_245 = tpu.memref_slice %arg8[%run_scoped3A_182, %dma_start3A_244] : memref<2x128xi32, #tpu.memory_space<vmem>> -> memref<1x128xi32, #tpu.memory_space<vmem>>
        %dma_start3A_246 = tpu.memref_squeeze %dma_start3A_245 : memref<1x128xi32, #tpu.memory_space<vmem>> -> memref<128xi32, #tpu.memory_space<vmem>>
        %dma_start3A_247 = arith.constant 0 : i32
        %dma_start3A_248 = arith.constant 0 : i32
        %dma_start3A_249 = tpu.memref_slice %arg12[%dma_start3A_247, %dma_start3A_248] : memref<10240x128xf32, #tpu.memory_space<vmem_shared>> -> memref<10240x128xf32, #tpu.memory_space<vmem_shared>>
        tpu.enqueue_indirect_dma source(%arg10 : memref<128x128xf32, #tpu.memory_space<vmem>>) target(%dma_start3A_249 : memref<10240x128xf32, #tpu.memory_space<vmem_shared>>) offsets(%dma_start3A_246 : memref<128xi32, #tpu.memory_space<vmem>>) semaphore(%run_scoped3A_243 : memref<!tpu.dma_semaphore, #tpu.memory_space<semaphore_mem>>) {add = true}
        %dma_wait3A_250 = arith.constant 0 : i32
        %dma_wait3A_251 = tpu.memref_slice %arg8[%run_scoped3A_182, %dma_wait3A_250] : memref<2x128xi32, #tpu.memory_space<vmem>> -> memref<1x128xi32, #tpu.memory_space<vmem>>
        %dma_wait3A_252 = tpu.memref_squeeze %dma_wait3A_251 : memref<1x128xi32, #tpu.memory_space<vmem>> -> memref<128xi32, #tpu.memory_space<vmem>>
        %dma_wait3A_253 = arith.constant 0 : i32
        %dma_wait3A_254 = arith.constant 0 : i32
        %dma_wait3A_255 = tpu.memref_slice %arg12[%dma_wait3A_253, %dma_wait3A_254] : memref<10240x128xf32, #tpu.memory_space<vmem_shared>> -> memref<10240x128xf32, #tpu.memory_space<vmem_shared>>
        tpu.wait_indirect_dma semaphore(%run_scoped3A_243 : memref<!tpu.dma_semaphore, #tpu.memory_space<semaphore_mem>>) src(%arg10 : memref<128x128xf32, #tpu.memory_space<vmem>>) dst(%dma_wait3A_255 : memref<10240x128xf32, #tpu.memory_space<vmem_shared>>)
        tpu.yield
      }) : () -> ()
      %add3A_183 = arith.constant 6 : i32
      %add3A_184 = arith.addi %mul3A_106, %add3A_183 : i32
      %dma_start3A_185 = arith.constant 0 : i32
      %dma_start3A_186 = arith.constant 0 : i32
      %dma_start3A_187 = tpu.memref_slice %arg3[%add3A, %add3A_184, %dma_start3A_185, %dma_start3A_186] : memref<32x80x2x128xi32, #tpu.memory_space<hbm>> -> memref<1x1x2x128xi32, #tpu.memory_space<hbm>>
      %dma_start3A_188 = tpu.memref_squeeze %dma_start3A_187 : memref<1x1x2x128xi32, #tpu.memory_space<hbm>> -> memref<2x128xi32, #tpu.memory_space<hbm>>
      %dma_start3A_189 = arith.constant 0 : i32
      %dma_start3A_190 = arith.constant 0 : i32
      %dma_start3A_191 = tpu.memref_slice %arg3[%add3A, %add3A_184, %dma_start3A_189, %dma_start3A_190] : memref<32x80x2x128xi32, #tpu.memory_space<hbm>> -> memref<1x1x2x128xi32, #tpu.memory_space<hbm>>
      %dma_start3A_192 = tpu.memref_squeeze %dma_start3A_191 : memref<1x1x2x128xi32, #tpu.memory_space<hbm>> -> memref<2x128xi32, #tpu.memory_space<hbm>>
      tpu.enqueue_dma source(%dma_start3A_192 : memref<2x128xi32, #tpu.memory_space<hbm>>) target(%arg8 : memref<2x128xi32, #tpu.memory_space<vmem>>) target_semaphore(%arg17 : memref<!tpu.dma_semaphore, #tpu.memory_space<semaphore_mem>>)
      %dma_wait3A_193 = arith.constant 0 : i32
      %dma_wait3A_194 = arith.constant 0 : i32
      %dma_wait3A_195 = tpu.memref_slice %arg9[%dma_wait3A_193, %dma_wait3A_194] : memref<2x128xi32, #tpu.memory_space<vmem>> -> memref<1x128xi32, #tpu.memory_space<vmem>>
      %dma_wait3A_196 = tpu.memref_squeeze %dma_wait3A_195 : memref<1x128xi32, #tpu.memory_space<vmem>> -> memref<128xi32, #tpu.memory_space<vmem>>
      %dma_wait3A_197 = arith.constant 0 : i32
      %dma_wait3A_198 = arith.constant 0 : i32
      %dma_wait3A_199 = tpu.memref_slice %arg2[%dma_wait3A_197, %dma_wait3A_198] : memref<10000x128xf32, #tpu.memory_space<hbm>> -> memref<10000x128xf32, #tpu.memory_space<hbm>>
      tpu.wait_indirect_dma semaphore(%arg14 : memref<!tpu.dma_semaphore, #tpu.memory_space<semaphore_mem>>) src(%dma_wait3A_199 : memref<10000x128xf32, #tpu.memory_space<hbm>>) dst(%arg11 : memref<128x128xf32, #tpu.memory_space<vmem>>)
      %dma_wait3A_200 = arith.constant 0 : i32
      %dma_wait3A_201 = arith.constant 0 : i32
      %dma_wait3A_202 = arith.constant 0 : i32
      %dma_wait3A_203 = tpu.memref_slice %arg3[%add3A, %dma_wait3A_200, %dma_wait3A_201, %dma_wait3A_202] : memref<32x80x2x128xi32, #tpu.memory_space<hbm>> -> memref<1x1x2x128xi32, #tpu.memory_space<hbm>>
      %dma_wait3A_204 = tpu.memref_squeeze %dma_wait3A_203 : memref<1x1x2x128xi32, #tpu.memory_space<hbm>> -> memref<2x128xi32, #tpu.memory_space<hbm>>
      %dma_wait3A_205 = arith.constant 0 : i32
      %dma_wait3A_206 = arith.constant 0 : i32
      %dma_wait3A_207 = tpu.memref_slice %arg3[%add3A, %dma_wait3A_200, %dma_wait3A_205, %dma_wait3A_206] : memref<32x80x2x128xi32, #tpu.memory_space<hbm>> -> memref<1x1x2x128xi32, #tpu.memory_space<hbm>>
      %dma_wait3A_208 = tpu.memref_squeeze %dma_wait3A_207 : memref<1x1x2x128xi32, #tpu.memory_space<hbm>> -> memref<2x128xi32, #tpu.memory_space<hbm>>
      tpu.wait_dma2 semaphore(%arg15 : memref<!tpu.dma_semaphore, #tpu.memory_space<semaphore_mem>>) src(%dma_wait3A_208 : memref<2x128xi32, #tpu.memory_space<hbm>>) dst(%arg6 : memref<2x128xi32, #tpu.memory_space<vmem>>)
      %dma_start3A_209 = arith.constant 0 : i32
      %dma_start3A_210 = arith.constant 0 : i32
      %dma_start3A_211 = tpu.memref_slice %arg6[%dma_start3A_209, %dma_start3A_210] : memref<2x128xi32, #tpu.memory_space<vmem>> -> memref<1x128xi32, #tpu.memory_space<vmem>>
      %dma_start3A_212 = tpu.memref_squeeze %dma_start3A_211 : memref<1x128xi32, #tpu.memory_space<vmem>> -> memref<128xi32, #tpu.memory_space<vmem>>
      %dma_start3A_213 = arith.constant 0 : i32
      %dma_start3A_214 = arith.constant 0 : i32
      %dma_start3A_215 = tpu.memref_slice %arg2[%dma_start3A_213, %dma_start3A_214] : memref<10000x128xf32, #tpu.memory_space<hbm>> -> memref<10000x128xf32, #tpu.memory_space<hbm>>
      tpu.enqueue_indirect_dma source(%dma_start3A_215 : memref<10000x128xf32, #tpu.memory_space<hbm>>) target(%arg10 : memref<128x128xf32, #tpu.memory_space<vmem>>) offsets(%dma_start3A_212 : memref<128xi32, #tpu.memory_space<vmem>>) semaphore(%arg13 : memref<!tpu.dma_semaphore, #tpu.memory_space<semaphore_mem>>)
      %run_scoped3A_216 = arith.constant 1 : i32
      "tpu.region"() ({
        %run_scoped3A_243 = tpu.sem_alloc : memref<!tpu.dma_semaphore, #tpu.memory_space<semaphore_mem>>
        %dma_start3A_244 = arith.constant 0 : i32
        %dma_start3A_245 = tpu.memref_slice %arg9[%run_scoped3A_216, %dma_start3A_244] : memref<2x128xi32, #tpu.memory_space<vmem>> -> memref<1x128xi32, #tpu.memory_space<vmem>>
        %dma_start3A_246 = tpu.memref_squeeze %dma_start3A_245 : memref<1x128xi32, #tpu.memory_space<vmem>> -> memref<128xi32, #tpu.memory_space<vmem>>
        %dma_start3A_247 = arith.constant 0 : i32
        %dma_start3A_248 = arith.constant 0 : i32
        %dma_start3A_249 = tpu.memref_slice %arg12[%dma_start3A_247, %dma_start3A_248] : memref<10240x128xf32, #tpu.memory_space<vmem_shared>> -> memref<10240x128xf32, #tpu.memory_space<vmem_shared>>
        tpu.enqueue_indirect_dma source(%arg11 : memref<128x128xf32, #tpu.memory_space<vmem>>) target(%dma_start3A_249 : memref<10240x128xf32, #tpu.memory_space<vmem_shared>>) offsets(%dma_start3A_246 : memref<128xi32, #tpu.memory_space<vmem>>) semaphore(%run_scoped3A_243 : memref<!tpu.dma_semaphore, #tpu.memory_space<semaphore_mem>>) {add = true}
        %dma_wait3A_250 = arith.constant 0 : i32
        %dma_wait3A_251 = tpu.memref_slice %arg9[%run_scoped3A_216, %dma_wait3A_250] : memref<2x128xi32, #tpu.memory_space<vmem>> -> memref<1x128xi32, #tpu.memory_space<vmem>>
        %dma_wait3A_252 = tpu.memref_squeeze %dma_wait3A_251 : memref<1x128xi32, #tpu.memory_space<vmem>> -> memref<128xi32, #tpu.memory_space<vmem>>
        %dma_wait3A_253 = arith.constant 0 : i32
        %dma_wait3A_254 = arith.constant 0 : i32
        %dma_wait3A_255 = tpu.memref_slice %arg12[%dma_wait3A_253, %dma_wait3A_254] : memref<10240x128xf32, #tpu.memory_space<vmem_shared>> -> memref<10240x128xf32, #tpu.memory_space<vmem_shared>>
        tpu.wait_indirect_dma semaphore(%run_scoped3A_243 : memref<!tpu.dma_semaphore, #tpu.memory_space<semaphore_mem>>) src(%arg11 : memref<128x128xf32, #tpu.memory_space<vmem>>) dst(%dma_wait3A_255 : memref<10240x128xf32, #tpu.memory_space<vmem_shared>>)
        tpu.yield
      }) : () -> ()
      %add3A_217 = arith.constant 7 : i32
      %add3A_218 = arith.addi %mul3A_106, %add3A_217 : i32
      %dma_start3A_219 = arith.constant 0 : i32
      %dma_start3A_220 = arith.constant 0 : i32
      %dma_start3A_221 = tpu.memref_slice %arg3[%add3A, %add3A_218, %dma_start3A_219, %dma_start3A_220] : memref<32x80x2x128xi32, #tpu.memory_space<hbm>> -> memref<1x1x2x128xi32, #tpu.memory_space<hbm>>
      %dma_start3A_222 = tpu.memref_squeeze %dma_start3A_221 : memref<1x1x2x128xi32, #tpu.memory_space<hbm>> -> memref<2x128xi32, #tpu.memory_space<hbm>>
      %dma_start3A_223 = arith.constant 0 : i32
      %dma_start3A_224 = arith.constant 0 : i32
      %dma_start3A_225 = tpu.memref_slice %arg3[%add3A, %add3A_218, %dma_start3A_223, %dma_start3A_224] : memref<32x80x2x128xi32, #tpu.memory_space<hbm>> -> memref<1x1x2x128xi32, #tpu.memory_space<hbm>>
      %dma_start3A_226 = tpu.memref_squeeze %dma_start3A_225 : memref<1x1x2x128xi32, #tpu.memory_space<hbm>> -> memref<2x128xi32, #tpu.memory_space<hbm>>
      tpu.enqueue_dma source(%dma_start3A_226 : memref<2x128xi32, #tpu.memory_space<hbm>>) target(%arg9 : memref<2x128xi32, #tpu.memory_space<vmem>>) target_semaphore(%arg18 : memref<!tpu.dma_semaphore, #tpu.memory_space<semaphore_mem>>)
      %dma_wait3A_227 = arith.constant 0 : i32
      %dma_wait3A_228 = arith.constant 0 : i32
      %dma_wait3A_229 = arith.constant 0 : i32
      %dma_wait3A_230 = tpu.memref_slice %arg3[%add3A, %dma_wait3A_227, %dma_wait3A_228, %dma_wait3A_229] : memref<32x80x2x128xi32, #tpu.memory_space<hbm>> -> memref<1x1x2x128xi32, #tpu.memory_space<hbm>>
      %dma_wait3A_231 = tpu.memref_squeeze %dma_wait3A_230 : memref<1x1x2x128xi32, #tpu.memory_space<hbm>> -> memref<2x128xi32, #tpu.memory_space<hbm>>
      %dma_wait3A_232 = arith.constant 0 : i32
      %dma_wait3A_233 = arith.constant 0 : i32
      %dma_wait3A_234 = tpu.memref_slice %arg3[%add3A, %dma_wait3A_227, %dma_wait3A_232, %dma_wait3A_233] : memref<32x80x2x128xi32, #tpu.memory_space<hbm>> -> memref<1x1x2x128xi32, #tpu.memory_space<hbm>>
      %dma_wait3A_235 = tpu.memref_squeeze %dma_wait3A_234 : memref<1x1x2x128xi32, #tpu.memory_space<hbm>> -> memref<2x128xi32, #tpu.memory_space<hbm>>
      tpu.wait_dma2 semaphore(%arg16 : memref<!tpu.dma_semaphore, #tpu.memory_space<semaphore_mem>>) src(%dma_wait3A_235 : memref<2x128xi32, #tpu.memory_space<hbm>>) dst(%arg7 : memref<2x128xi32, #tpu.memory_space<vmem>>)
      %dma_start3A_236 = arith.constant 0 : i32
      %dma_start3A_237 = arith.constant 0 : i32
      %dma_start3A_238 = tpu.memref_slice %arg7[%dma_start3A_236, %dma_start3A_237] : memref<2x128xi32, #tpu.memory_space<vmem>> -> memref<1x128xi32, #tpu.memory_space<vmem>>
      %dma_start3A_239 = tpu.memref_squeeze %dma_start3A_238 : memref<1x128xi32, #tpu.memory_space<vmem>> -> memref<128xi32, #tpu.memory_space<vmem>>
      %dma_start3A_240 = arith.constant 0 : i32
      %dma_start3A_241 = arith.constant 0 : i32
      %dma_start3A_242 = tpu.memref_slice %arg2[%dma_start3A_240, %dma_start3A_241] : memref<10000x128xf32, #tpu.memory_space<hbm>> -> memref<10000x128xf32, #tpu.memory_space<hbm>>
      tpu.enqueue_indirect_dma source(%dma_start3A_242 : memref<10000x128xf32, #tpu.memory_space<hbm>>) target(%arg11 : memref<128x128xf32, #tpu.memory_space<vmem>>) offsets(%dma_start3A_239 : memref<128xi32, #tpu.memory_space<vmem>>) semaphore(%arg14 : memref<!tpu.dma_semaphore, #tpu.memory_space<semaphore_mem>>)
    }
    %scan3A_39 = arith.constant 19 : i32
    %dma_wait3A = arith.constant 0 : i32
    %dma_wait3A_40 = arith.constant 0 : i32
    %dma_wait3A_41 = tpu.memref_slice %arg6[%dma_wait3A, %dma_wait3A_40] : memref<2x128xi32, #tpu.memory_space<vmem>> -> memref<1x128xi32, #tpu.memory_space<vmem>>
    %dma_wait3A_42 = tpu.memref_squeeze %dma_wait3A_41 : memref<1x128xi32, #tpu.memory_space<vmem>> -> memref<128xi32, #tpu.memory_space<vmem>>
    %dma_wait3A_43 = arith.constant 0 : i32
    %dma_wait3A_44 = arith.constant 0 : i32
    %dma_wait3A_45 = tpu.memref_slice %arg2[%dma_wait3A_43, %dma_wait3A_44] : memref<10000x128xf32, #tpu.memory_space<hbm>> -> memref<10000x128xf32, #tpu.memory_space<hbm>>
    tpu.wait_indirect_dma semaphore(%arg13 : memref<!tpu.dma_semaphore, #tpu.memory_space<semaphore_mem>>) src(%dma_wait3A_45 : memref<10000x128xf32, #tpu.memory_space<hbm>>) dst(%arg10 : memref<128x128xf32, #tpu.memory_space<vmem>>)
    %run_scoped3A_46 = arith.constant 1 : i32
    "tpu.region"() ({
      %run_scoped3A_104 = tpu.sem_alloc : memref<!tpu.dma_semaphore, #tpu.memory_space<semaphore_mem>>
      %dma_start3A_105 = arith.constant 0 : i32
      %dma_start3A_106 = tpu.memref_slice %arg6[%run_scoped3A_46, %dma_start3A_105] : memref<2x128xi32, #tpu.memory_space<vmem>> -> memref<1x128xi32, #tpu.memory_space<vmem>>
      %dma_start3A_107 = tpu.memref_squeeze %dma_start3A_106 : memref<1x128xi32, #tpu.memory_space<vmem>> -> memref<128xi32, #tpu.memory_space<vmem>>
      %dma_start3A_108 = arith.constant 0 : i32
      %dma_start3A_109 = arith.constant 0 : i32
      %dma_start3A_110 = tpu.memref_slice %arg12[%dma_start3A_108, %dma_start3A_109] : memref<10240x128xf32, #tpu.memory_space<vmem_shared>> -> memref<10240x128xf32, #tpu.memory_space<vmem_shared>>
      tpu.enqueue_indirect_dma source(%arg10 : memref<128x128xf32, #tpu.memory_space<vmem>>) target(%dma_start3A_110 : memref<10240x128xf32, #tpu.memory_space<vmem_shared>>) offsets(%dma_start3A_107 : memref<128xi32, #tpu.memory_space<vmem>>) semaphore(%run_scoped3A_104 : memref<!tpu.dma_semaphore, #tpu.memory_space<semaphore_mem>>) {add = true}
      %dma_wait3A_111 = arith.constant 0 : i32
      %dma_wait3A_112 = tpu.memref_slice %arg6[%run_scoped3A_46, %dma_wait3A_111] : memref<2x128xi32, #tpu.memory_space<vmem>> -> memref<1x128xi32, #tpu.memory_space<vmem>>
      %dma_wait3A_113 = tpu.memref_squeeze %dma_wait3A_112 : memref<1x128xi32, #tpu.memory_space<vmem>> -> memref<128xi32, #tpu.memory_space<vmem>>
      %dma_wait3A_114 = arith.constant 0 : i32
      %dma_wait3A_115 = arith.constant 0 : i32
      %dma_wait3A_116 = tpu.memref_slice %arg12[%dma_wait3A_114, %dma_wait3A_115] : memref<10240x128xf32, #tpu.memory_space<vmem_shared>> -> memref<10240x128xf32, #tpu.memory_space<vmem_shared>>
      tpu.wait_indirect_dma semaphore(%run_scoped3A_104 : memref<!tpu.dma_semaphore, #tpu.memory_space<semaphore_mem>>) src(%arg10 : memref<128x128xf32, #tpu.memory_space<vmem>>) dst(%dma_wait3A_116 : memref<10240x128xf32, #tpu.memory_space<vmem_shared>>)
      tpu.yield
    }) : () -> ()
    %dma_wait3A_47 = arith.constant 0 : i32
    %dma_wait3A_48 = arith.constant 0 : i32
    %dma_wait3A_49 = tpu.memref_slice %arg7[%dma_wait3A_47, %dma_wait3A_48] : memref<2x128xi32, #tpu.memory_space<vmem>> -> memref<1x128xi32, #tpu.memory_space<vmem>>
    %dma_wait3A_50 = tpu.memref_squeeze %dma_wait3A_49 : memref<1x128xi32, #tpu.memory_space<vmem>> -> memref<128xi32, #tpu.memory_space<vmem>>
    %dma_wait3A_51 = arith.constant 0 : i32
    %dma_wait3A_52 = arith.constant 0 : i32
    %dma_wait3A_53 = tpu.memref_slice %arg2[%dma_wait3A_51, %dma_wait3A_52] : memref<10000x128xf32, #tpu.memory_space<hbm>> -> memref<10000x128xf32, #tpu.memory_space<hbm>>
    tpu.wait_indirect_dma semaphore(%arg14 : memref<!tpu.dma_semaphore, #tpu.memory_space<semaphore_mem>>) src(%dma_wait3A_53 : memref<10000x128xf32, #tpu.memory_space<hbm>>) dst(%arg11 : memref<128x128xf32, #tpu.memory_space<vmem>>)
    %dma_wait3A_54 = arith.constant 0 : i32
    %dma_wait3A_55 = arith.constant 0 : i32
    %dma_wait3A_56 = arith.constant 0 : i32
    %dma_wait3A_57 = tpu.memref_slice %arg3[%add3A, %dma_wait3A_54, %dma_wait3A_55, %dma_wait3A_56] : memref<32x80x2x128xi32, #tpu.memory_space<hbm>> -> memref<1x1x2x128xi32, #tpu.memory_space<hbm>>
    %dma_wait3A_58 = tpu.memref_squeeze %dma_wait3A_57 : memref<1x1x2x128xi32, #tpu.memory_space<hbm>> -> memref<2x128xi32, #tpu.memory_space<hbm>>
    %dma_wait3A_59 = arith.constant 0 : i32
    %dma_wait3A_60 = arith.constant 0 : i32
    %dma_wait3A_61 = tpu.memref_slice %arg3[%add3A, %dma_wait3A_54, %dma_wait3A_59, %dma_wait3A_60] : memref<32x80x2x128xi32, #tpu.memory_space<hbm>> -> memref<1x1x2x128xi32, #tpu.memory_space<hbm>>
    %dma_wait3A_62 = tpu.memref_squeeze %dma_wait3A_61 : memref<1x1x2x128xi32, #tpu.memory_space<hbm>> -> memref<2x128xi32, #tpu.memory_space<hbm>>
    tpu.wait_dma2 semaphore(%arg17 : memref<!tpu.dma_semaphore, #tpu.memory_space<semaphore_mem>>) src(%dma_wait3A_62 : memref<2x128xi32, #tpu.memory_space<hbm>>) dst(%arg8 : memref<2x128xi32, #tpu.memory_space<vmem>>)
    %dma_start3A_63 = arith.constant 0 : i32
    %dma_start3A_64 = arith.constant 0 : i32
    %dma_start3A_65 = tpu.memref_slice %arg8[%dma_start3A_63, %dma_start3A_64] : memref<2x128xi32, #tpu.memory_space<vmem>> -> memref<1x128xi32, #tpu.memory_space<vmem>>
    %dma_start3A_66 = tpu.memref_squeeze %dma_start3A_65 : memref<1x128xi32, #tpu.memory_space<vmem>> -> memref<128xi32, #tpu.memory_space<vmem>>
    %dma_start3A_67 = arith.constant 0 : i32
    %dma_start3A_68 = arith.constant 0 : i32
    %dma_start3A_69 = tpu.memref_slice %arg2[%dma_start3A_67, %dma_start3A_68] : memref<10000x128xf32, #tpu.memory_space<hbm>> -> memref<10000x128xf32, #tpu.memory_space<hbm>>
    tpu.enqueue_indirect_dma source(%dma_start3A_69 : memref<10000x128xf32, #tpu.memory_space<hbm>>) target(%arg10 : memref<128x128xf32, #tpu.memory_space<vmem>>) offsets(%dma_start3A_66 : memref<128xi32, #tpu.memory_space<vmem>>) semaphore(%arg13 : memref<!tpu.dma_semaphore, #tpu.memory_space<semaphore_mem>>)
    %run_scoped3A_70 = arith.constant 1 : i32
    "tpu.region"() ({
      %run_scoped3A_104 = tpu.sem_alloc : memref<!tpu.dma_semaphore, #tpu.memory_space<semaphore_mem>>
      %dma_start3A_105 = arith.constant 0 : i32
      %dma_start3A_106 = tpu.memref_slice %arg7[%run_scoped3A_70, %dma_start3A_105] : memref<2x128xi32, #tpu.memory_space<vmem>> -> memref<1x128xi32, #tpu.memory_space<vmem>>
      %dma_start3A_107 = tpu.memref_squeeze %dma_start3A_106 : memref<1x128xi32, #tpu.memory_space<vmem>> -> memref<128xi32, #tpu.memory_space<vmem>>
      %dma_start3A_108 = arith.constant 0 : i32
      %dma_start3A_109 = arith.constant 0 : i32
      %dma_start3A_110 = tpu.memref_slice %arg12[%dma_start3A_108, %dma_start3A_109] : memref<10240x128xf32, #tpu.memory_space<vmem_shared>> -> memref<10240x128xf32, #tpu.memory_space<vmem_shared>>
      tpu.enqueue_indirect_dma source(%arg11 : memref<128x128xf32, #tpu.memory_space<vmem>>) target(%dma_start3A_110 : memref<10240x128xf32, #tpu.memory_space<vmem_shared>>) offsets(%dma_start3A_107 : memref<128xi32, #tpu.memory_space<vmem>>) semaphore(%run_scoped3A_104 : memref<!tpu.dma_semaphore, #tpu.memory_space<semaphore_mem>>) {add = true}
      %dma_wait3A_111 = arith.constant 0 : i32
      %dma_wait3A_112 = tpu.memref_slice %arg7[%run_scoped3A_70, %dma_wait3A_111] : memref<2x128xi32, #tpu.memory_space<vmem>> -> memref<1x128xi32, #tpu.memory_space<vmem>>
      %dma_wait3A_113 = tpu.memref_squeeze %dma_wait3A_112 : memref<1x128xi32, #tpu.memory_space<vmem>> -> memref<128xi32, #tpu.memory_space<vmem>>
      %dma_wait3A_114 = arith.constant 0 : i32
      %dma_wait3A_115 = arith.constant 0 : i32
      %dma_wait3A_116 = tpu.memref_slice %arg12[%dma_wait3A_114, %dma_wait3A_115] : memref<10240x128xf32, #tpu.memory_space<vmem_shared>> -> memref<10240x128xf32, #tpu.memory_space<vmem_shared>>
      tpu.wait_indirect_dma semaphore(%run_scoped3A_104 : memref<!tpu.dma_semaphore, #tpu.memory_space<semaphore_mem>>) src(%arg11 : memref<128x128xf32, #tpu.memory_space<vmem>>) dst(%dma_wait3A_116 : memref<10240x128xf32, #tpu.memory_space<vmem_shared>>)
      tpu.yield
    }) : () -> ()
    %dma_wait3A_71 = arith.constant 0 : i32
    %dma_wait3A_72 = arith.constant 0 : i32
    %dma_wait3A_73 = arith.constant 0 : i32
    %dma_wait3A_74 = tpu.memref_slice %arg3[%add3A, %dma_wait3A_71, %dma_wait3A_72, %dma_wait3A_73] : memref<32x80x2x128xi32, #tpu.memory_space<hbm>> -> memref<1x1x2x128xi32, #tpu.memory_space<hbm>>
    %dma_wait3A_75 = tpu.memref_squeeze %dma_wait3A_74 : memref<1x1x2x128xi32, #tpu.memory_space<hbm>> -> memref<2x128xi32, #tpu.memory_space<hbm>>
    %dma_wait3A_76 = arith.constant 0 : i32
    %dma_wait3A_77 = arith.constant 0 : i32
    %dma_wait3A_78 = tpu.memref_slice %arg3[%add3A, %dma_wait3A_71, %dma_wait3A_76, %dma_wait3A_77] : memref<32x80x2x128xi32, #tpu.memory_space<hbm>> -> memref<1x1x2x128xi32, #tpu.memory_space<hbm>>
    %dma_wait3A_79 = tpu.memref_squeeze %dma_wait3A_78 : memref<1x1x2x128xi32, #tpu.memory_space<hbm>> -> memref<2x128xi32, #tpu.memory_space<hbm>>
    tpu.wait_dma2 semaphore(%arg18 : memref<!tpu.dma_semaphore, #tpu.memory_space<semaphore_mem>>) src(%dma_wait3A_79 : memref<2x128xi32, #tpu.memory_space<hbm>>) dst(%arg9 : memref<2x128xi32, #tpu.memory_space<vmem>>)
    %dma_start3A_80 = arith.constant 0 : i32
    %dma_start3A_81 = arith.constant 0 : i32
    %dma_start3A_82 = tpu.memref_slice %arg9[%dma_start3A_80, %dma_start3A_81] : memref<2x128xi32, #tpu.memory_space<vmem>> -> memref<1x128xi32, #tpu.memory_space<vmem>>
    %dma_start3A_83 = tpu.memref_squeeze %dma_start3A_82 : memref<1x128xi32, #tpu.memory_space<vmem>> -> memref<128xi32, #tpu.memory_space<vmem>>
    %dma_start3A_84 = arith.constant 0 : i32
    %dma_start3A_85 = arith.constant 0 : i32
    %dma_start3A_86 = tpu.memref_slice %arg2[%dma_start3A_84, %dma_start3A_85] : memref<10000x128xf32, #tpu.memory_space<hbm>> -> memref<10000x128xf32, #tpu.memory_space<hbm>>
    tpu.enqueue_indirect_dma source(%dma_start3A_86 : memref<10000x128xf32, #tpu.memory_space<hbm>>) target(%arg11 : memref<128x128xf32, #tpu.memory_space<vmem>>) offsets(%dma_start3A_83 : memref<128xi32, #tpu.memory_space<vmem>>) semaphore(%arg14 : memref<!tpu.dma_semaphore, #tpu.memory_space<semaphore_mem>>)
    %dma_wait3A_87 = arith.constant 0 : i32
    %dma_wait3A_88 = arith.constant 0 : i32
    %dma_wait3A_89 = tpu.memref_slice %arg8[%dma_wait3A_87, %dma_wait3A_88] : memref<2x128xi32, #tpu.memory_space<vmem>> -> memref<1x128xi32, #tpu.memory_space<vmem>>
    %dma_wait3A_90 = tpu.memref_squeeze %dma_wait3A_89 : memref<1x128xi32, #tpu.memory_space<vmem>> -> memref<128xi32, #tpu.memory_space<vmem>>
    %dma_wait3A_91 = arith.constant 0 : i32
    %dma_wait3A_92 = arith.constant 0 : i32
    %dma_wait3A_93 = tpu.memref_slice %arg2[%dma_wait3A_91, %dma_wait3A_92] : memref<10000x128xf32, #tpu.memory_space<hbm>> -> memref<10000x128xf32, #tpu.memory_space<hbm>>
    tpu.wait_indirect_dma semaphore(%arg13 : memref<!tpu.dma_semaphore, #tpu.memory_space<semaphore_mem>>) src(%dma_wait3A_93 : memref<10000x128xf32, #tpu.memory_space<hbm>>) dst(%arg10 : memref<128x128xf32, #tpu.memory_space<vmem>>)
    %run_scoped3A_94 = arith.constant 1 : i32
    "tpu.region"() ({
      %run_scoped3A_104 = tpu.sem_alloc : memref<!tpu.dma_semaphore, #tpu.memory_space<semaphore_mem>>
      %dma_start3A_105 = arith.constant 0 : i32
      %dma_start3A_106 = tpu.memref_slice %arg8[%run_scoped3A_94, %dma_start3A_105] : memref<2x128xi32, #tpu.memory_space<vmem>> -> memref<1x128xi32, #tpu.memory_space<vmem>>
      %dma_start3A_107 = tpu.memref_squeeze %dma_start3A_106 : memref<1x128xi32, #tpu.memory_space<vmem>> -> memref<128xi32, #tpu.memory_space<vmem>>
      %dma_start3A_108 = arith.constant 0 : i32
      %dma_start3A_109 = arith.constant 0 : i32
      %dma_start3A_110 = tpu.memref_slice %arg12[%dma_start3A_108, %dma_start3A_109] : memref<10240x128xf32, #tpu.memory_space<vmem_shared>> -> memref<10240x128xf32, #tpu.memory_space<vmem_shared>>
      tpu.enqueue_indirect_dma source(%arg10 : memref<128x128xf32, #tpu.memory_space<vmem>>) target(%dma_start3A_110 : memref<10240x128xf32, #tpu.memory_space<vmem_shared>>) offsets(%dma_start3A_107 : memref<128xi32, #tpu.memory_space<vmem>>) semaphore(%run_scoped3A_104 : memref<!tpu.dma_semaphore, #tpu.memory_space<semaphore_mem>>) {add = true}
      %dma_wait3A_111 = arith.constant 0 : i32
      %dma_wait3A_112 = tpu.memref_slice %arg8[%run_scoped3A_94, %dma_wait3A_111] : memref<2x128xi32, #tpu.memory_space<vmem>> -> memref<1x128xi32, #tpu.memory_space<vmem>>
      %dma_wait3A_113 = tpu.memref_squeeze %dma_wait3A_112 : memref<1x128xi32, #tpu.memory_space<vmem>> -> memref<128xi32, #tpu.memory_space<vmem>>
      %dma_wait3A_114 = arith.constant 0 : i32
      %dma_wait3A_115 = arith.constant 0 : i32
      %dma_wait3A_116 = tpu.memref_slice %arg12[%dma_wait3A_114, %dma_wait3A_115] : memref<10240x128xf32, #tpu.memory_space<vmem_shared>> -> memref<10240x128xf32, #tpu.memory_space<vmem_shared>>
      tpu.wait_indirect_dma semaphore(%run_scoped3A_104 : memref<!tpu.dma_semaphore, #tpu.memory_space<semaphore_mem>>) src(%arg10 : memref<128x128xf32, #tpu.memory_space<vmem>>) dst(%dma_wait3A_116 : memref<10240x128xf32, #tpu.memory_space<vmem_shared>>)
      tpu.yield
    }) : () -> ()
    %dma_wait3A_95 = arith.constant 0 : i32
    %dma_wait3A_96 = arith.constant 0 : i32
    %dma_wait3A_97 = tpu.memref_slice %arg9[%dma_wait3A_95, %dma_wait3A_96] : memref<2x128xi32, #tpu.memory_space<vmem>> -> memref<1x128xi32, #tpu.memory_space<vmem>>
    %dma_wait3A_98 = tpu.memref_squeeze %dma_wait3A_97 : memref<1x128xi32, #tpu.memory_space<vmem>> -> memref<128xi32, #tpu.memory_space<vmem>>
    %dma_wait3A_99 = arith.constant 0 : i32
    %dma_wait3A_100 = arith.constant 0 : i32
    %dma_wait3A_101 = tpu.memref_slice %arg2[%dma_wait3A_99, %dma_wait3A_100] : memref<10000x128xf32, #tpu.memory_space<hbm>> -> memref<10000x128xf32, #tpu.memory_space<hbm>>
    tpu.wait_indirect_dma semaphore(%arg14 : memref<!tpu.dma_semaphore, #tpu.memory_space<semaphore_mem>>) src(%dma_wait3A_101 : memref<10000x128xf32, #tpu.memory_space<hbm>>) dst(%arg11 : memref<128x128xf32, #tpu.memory_space<vmem>>)
    %run_scoped3A_102 = arith.constant 1 : i32
    "tpu.region"() ({
      %run_scoped3A_104 = tpu.sem_alloc : memref<!tpu.dma_semaphore, #tpu.memory_space<semaphore_mem>>
      %dma_start3A_105 = arith.constant 0 : i32
      %dma_start3A_106 = tpu.memref_slice %arg9[%run_scoped3A_102, %dma_start3A_105] : memref<2x128xi32, #tpu.memory_space<vmem>> -> memref<1x128xi32, #tpu.memory_space<vmem>>
      %dma_start3A_107 = tpu.memref_squeeze %dma_start3A_106 : memref<1x128xi32, #tpu.memory_space<vmem>> -> memref<128xi32, #tpu.memory_space<vmem>>
      %dma_start3A_108 = arith.constant 0 : i32
      %dma_start3A_109 = arith.constant 0 : i32
      %dma_start3A_110 = tpu.memref_slice %arg12[%dma_start3A_108, %dma_start3A_109] : memref<10240x128xf32, #tpu.memory_space<vmem_shared>> -> memref<10240x128xf32, #tpu.memory_space<vmem_shared>>
      tpu.enqueue_indirect_dma source(%arg11 : memref<128x128xf32, #tpu.memory_space<vmem>>) target(%dma_start3A_110 : memref<10240x128xf32, #tpu.memory_space<vmem_shared>>) offsets(%dma_start3A_107 : memref<128xi32, #tpu.memory_space<vmem>>) semaphore(%run_scoped3A_104 : memref<!tpu.dma_semaphore, #tpu.memory_space<semaphore_mem>>) {add = true}
      %dma_wait3A_111 = arith.constant 0 : i32
      %dma_wait3A_112 = tpu.memref_slice %arg9[%run_scoped3A_102, %dma_wait3A_111] : memref<2x128xi32, #tpu.memory_space<vmem>> -> memref<1x128xi32, #tpu.memory_space<vmem>>
      %dma_wait3A_113 = tpu.memref_squeeze %dma_wait3A_112 : memref<1x128xi32, #tpu.memory_space<vmem>> -> memref<128xi32, #tpu.memory_space<vmem>>
      %dma_wait3A_114 = arith.constant 0 : i32
      %dma_wait3A_115 = arith.constant 0 : i32
      %dma_wait3A_116 = tpu.memref_slice %arg12[%dma_wait3A_114, %dma_wait3A_115] : memref<10240x128xf32, #tpu.memory_space<vmem_shared>> -> memref<10240x128xf32, #tpu.memory_space<vmem_shared>>
      tpu.wait_indirect_dma semaphore(%run_scoped3A_104 : memref<!tpu.dma_semaphore, #tpu.memory_space<semaphore_mem>>) src(%arg11 : memref<128x128xf32, #tpu.memory_space<vmem>>) dst(%dma_wait3A_116 : memref<10240x128xf32, #tpu.memory_space<vmem_shared>>)
      tpu.yield
    }) : () -> ()
    %barrier3A_103 = arith.constant 0 : index
    tpu.barrier barrier_id(%barrier3A_103)
    "tpu.region"() ({
      %run_scoped3A_104 = tpu.sem_alloc : memref<!tpu.dma_semaphore, #tpu.memory_space<semaphore_mem>>
      %dma_start3A_105 = arith.constant 0 : i32
      %dma_start3A_106 = tpu.memref_slice %arg5[%arg0, %mul3A_2, %dma_start3A_105] : memref<2x10240x128xf32, #tpu.memory_space<hbm>> -> memref<1x640x128xf32, #tpu.memory_space<hbm>>
      %dma_start3A_107 = tpu.memref_squeeze %dma_start3A_106 : memref<1x640x128xf32, #tpu.memory_space<hbm>> -> memref<640x128xf32, #tpu.memory_space<hbm>>
      %dma_start3A_108 = arith.constant 0 : i32
      %dma_start3A_109 = tpu.memref_slice %arg12[%mul3A_2, %dma_start3A_108] : memref<10240x128xf32, #tpu.memory_space<vmem_shared>> -> memref<640x128xf32, #tpu.memory_space<vmem_shared>>
      tpu.enqueue_dma source(%dma_start3A_109 : memref<640x128xf32, #tpu.memory_space<vmem_shared>>) target(%dma_start3A_107 : memref<640x128xf32, #tpu.memory_space<hbm>>) target_semaphore(%run_scoped3A_104 : memref<!tpu.dma_semaphore, #tpu.memory_space<semaphore_mem>>)
      %dma_wait3A_110 = arith.constant 0 : i32
      %dma_wait3A_111 = tpu.memref_slice %arg5[%arg0, %mul3A_2, %dma_wait3A_110] : memref<2x10240x128xf32, #tpu.memory_space<hbm>> -> memref<1x640x128xf32, #tpu.memory_space<hbm>>
      %dma_wait3A_112 = tpu.memref_squeeze %dma_wait3A_111 : memref<1x640x128xf32, #tpu.memory_space<hbm>> -> memref<640x128xf32, #tpu.memory_space<hbm>>
      %dma_wait3A_113 = arith.constant 0 : i32
      %dma_wait3A_114 = tpu.memref_slice %arg12[%mul3A_2, %dma_wait3A_113] : memref<10240x128xf32, #tpu.memory_space<vmem_shared>> -> memref<640x128xf32, #tpu.memory_space<vmem_shared>>
      tpu.wait_dma2 semaphore(%run_scoped3A_104 : memref<!tpu.dma_semaphore, #tpu.memory_space<semaphore_mem>>) src(%dma_wait3A_114 : memref<640x128xf32, #tpu.memory_space<vmem_shared>>) dst(%dma_wait3A_112 : memref<640x128xf32, #tpu.memory_space<hbm>>)
      tpu.yield
    }) : () -> ()
    return
  }
}

#map = affine_map<(d0, d1) -> (0, 0)>
#map1 = affine_map<(d0, d1) -> (0, 0, 0, 0)>
#map2 = affine_map<(d0, d1) -> (0, 0, 0)>
module attributes {stable_mosaic.version = 14 : i64} {
  func.func @_agg_kernel(%arg0: i32, %arg1: i32, %arg2: memref<10000x128xf32, #tpu.memory_space<hbm>>, %arg3: memref<32x80x2x128xi32, #tpu.memory_space<hbm>>, %arg4: memref<10240x128xf32, #tpu.memory_space<hbm>>, %arg5: memref<2x10240x128xf32, #tpu.memory_space<hbm>>, %arg6: memref<2x128xi32, #tpu.memory_space<vmem>>, %arg7: memref<2x128xi32, #tpu.memory_space<vmem>>, %arg8: memref<2x128xi32, #tpu.memory_space<vmem>>, %arg9: memref<2x128xi32, #tpu.memory_space<vmem>>, %arg10: memref<128x128xf32, #tpu.memory_space<vmem>>, %arg11: memref<128x128xf32, #tpu.memory_space<vmem>>, %arg12: memref<10240x128xf32, #tpu.memory_space<vmem_shared>>, %arg13: memref<!tpu.dma_semaphore, #tpu.memory_space<semaphore_mem>>, %arg14: memref<!tpu.dma_semaphore, #tpu.memory_space<semaphore_mem>>, %arg15: memref<!tpu.dma_semaphore, #tpu.memory_space<semaphore_mem>>, %arg16: memref<!tpu.dma_semaphore, #tpu.memory_space<semaphore_mem>>, %arg17: memref<!tpu.dma_semaphore, #tpu.memory_space<semaphore_mem>>, %arg18: memref<!tpu.dma_semaphore, #tpu.memory_space<semaphore_mem>>) attributes {dimension_semantics = [#tpu.dimension_semantics<core_parallel>, #tpu.dimension_semantics<subcore_parallel>], iteration_bounds = array<i64: 2, 16>, scalar_prefetch = 0 : i64, scratch_operands = 13 : i64, tpu.core_type = #tpu.core_type<sc_vector_subcore>, window_params = [{transform_indices = #map}, {transform_indices = #map1}, {transform_indices = #map}, {transform_indices = #map2}]} {
    %mul3A = arith.constant 2 : i32
    %mul3A_0 = arith.muli %arg1, %mul3A : i32
    %add3A = arith.addi %mul3A_0, %arg0 : i32
    %mul3A_1 = arith.constant 640 : i32
    %mul3A_2 = arith.muli %arg1, %mul3A_1 : i32
    "tpu.region"() ({
      %run_scoped3A_104 = tpu.sem_alloc : memref<!tpu.dma_semaphore, #tpu.memory_space<semaphore_mem>>
      %dma_start3A_105 = arith.constant 0 : i32
      %dma_start3A_106 = tpu.memref_slice %arg12[%mul3A_2, %dma_start3A_105] : memref<10240x128xf32, #tpu.memory_space<vmem_shared>> -> memref<640x128xf32, #tpu.memory_space<vmem_shared>>
      %dma_start3A_107 = arith.constant 0 : i32
      %dma_start3A_108 = tpu.memref_slice %arg4[%mul3A_2, %dma_start3A_107] : memref<10240x128xf32, #tpu.memory_space<hbm>> -> memref<640x128xf32, #tpu.memory_space<hbm>>
      tpu.enqueue_dma source(%dma_start3A_108 : memref<640x128xf32, #tpu.memory_space<hbm>>) target(%dma_start3A_106 : memref<640x128xf32, #tpu.memory_space<vmem_shared>>) target_semaphore(%run_scoped3A_104 : memref<!tpu.dma_semaphore, #tpu.memory_space<semaphore_mem>>)
      %dma_wait3A_109 = arith.constant 0 : i32
      %dma_wait3A_110 = tpu.memref_slice %arg12[%mul3A_2, %dma_wait3A_109] : memref<10240x128xf32, #tpu.memory_space<vmem_shared>> -> memref<640x128xf32, #tpu.memory_space<vmem_shared>>
      %dma_wait3A_111 = arith.constant 0 : i32
      %dma_wait3A_112 = tpu.memref_slice %arg4[%mul3A_2, %dma_wait3A_111] : memref<10240x128xf32, #tpu.memory_space<hbm>> -> memref<640x128xf32, #tpu.memory_space<hbm>>
      tpu.wait_dma2 semaphore(%run_scoped3A_104 : memref<!tpu.dma_semaphore, #tpu.memory_space<semaphore_mem>>) src(%dma_wait3A_112 : memref<640x128xf32, #tpu.memory_space<hbm>>) dst(%dma_wait3A_110 : memref<640x128xf32, #tpu.memory_space<vmem_shared>>)
      tpu.yield
    }) : () -> ()
    %run_scoped3A = arith.constant 0 : i32
    "tpu.region"() ({
      %run_scoped3A_104 = tpu.sem_alloc : memref<!tpu.dma_semaphore, #tpu.memory_space<semaphore_mem>>
      %dma_start3A_105 = arith.constant 0 : i32
      %dma_start3A_106 = arith.constant 0 : i32
      %dma_start3A_107 = tpu.memref_slice %arg3[%add3A, %run_scoped3A, %dma_start3A_105, %dma_start3A_106] : memref<32x80x2x128xi32, #tpu.memory_space<hbm>> -> memref<1x1x2x128xi32, #tpu.memory_space<hbm>>
      %dma_start3A_108 = tpu.memref_squeeze %dma_start3A_107 : memref<1x1x2x128xi32, #tpu.memory_space<hbm>> -> memref<2x128xi32, #tpu.memory_space<hbm>>
      %dma_start3A_109 = arith.constant 0 : i32
      %dma_start3A_110 = arith.constant 0 : i32
      %dma_start3A_111 = tpu.memref_slice %arg3[%add3A, %run_scoped3A, %dma_start3A_109, %dma_start3A_110] : memref<32x80x2x128xi32, #tpu.memory_space<hbm>> -> memref<1x1x2x128xi32, #tpu.memory_space<hbm>>
      %dma_start3A_112 = tpu.memref_squeeze %dma_start3A_111 : memref<1x1x2x128xi32, #tpu.memory_space<hbm>> -> memref<2x128xi32, #tpu.memory_space<hbm>>
      tpu.enqueue_dma source(%dma_start3A_112 : memref<2x128xi32, #tpu.memory_space<hbm>>) target(%arg6 : memref<2x128xi32, #tpu.memory_space<vmem>>) target_semaphore(%run_scoped3A_104 : memref<!tpu.dma_semaphore, #tpu.memory_space<semaphore_mem>>)
      %dma_wait3A_113 = arith.constant 0 : i32
      %dma_wait3A_114 = arith.constant 0 : i32
      %dma_wait3A_115 = tpu.memref_slice %arg3[%add3A, %run_scoped3A, %dma_wait3A_113, %dma_wait3A_114] : memref<32x80x2x128xi32, #tpu.memory_space<hbm>> -> memref<1x1x2x128xi32, #tpu.memory_space<hbm>>
      %dma_wait3A_116 = tpu.memref_squeeze %dma_wait3A_115 : memref<1x1x2x128xi32, #tpu.memory_space<hbm>> -> memref<2x128xi32, #tpu.memory_space<hbm>>
      %dma_wait3A_117 = arith.constant 0 : i32
      %dma_wait3A_118 = arith.constant 0 : i32
      %dma_wait3A_119 = tpu.memref_slice %arg3[%add3A, %run_scoped3A, %dma_wait3A_117, %dma_wait3A_118] : memref<32x80x2x128xi32, #tpu.memory_space<hbm>> -> memref<1x1x2x128xi32, #tpu.memory_space<hbm>>
      %dma_wait3A_120 = tpu.memref_squeeze %dma_wait3A_119 : memref<1x1x2x128xi32, #tpu.memory_space<hbm>> -> memref<2x128xi32, #tpu.memory_space<hbm>>
      tpu.wait_dma2 semaphore(%run_scoped3A_104 : memref<!tpu.dma_semaphore, #tpu.memory_space<semaphore_mem>>) src(%dma_wait3A_120 : memref<2x128xi32, #tpu.memory_space<hbm>>) dst(%arg6 : memref<2x128xi32, #tpu.memory_space<vmem>>)
      tpu.yield
    }) : () -> ()
    %run_scoped3A_3 = arith.constant 1 : i32
    "tpu.region"() ({
      %run_scoped3A_104 = tpu.sem_alloc : memref<!tpu.dma_semaphore, #tpu.memory_space<semaphore_mem>>
      %dma_start3A_105 = arith.constant 0 : i32
      %dma_start3A_106 = arith.constant 0 : i32
      %dma_start3A_107 = tpu.memref_slice %arg3[%add3A, %run_scoped3A_3, %dma_start3A_105, %dma_start3A_106] : memref<32x80x2x128xi32, #tpu.memory_space<hbm>> -> memref<1x1x2x128xi32, #tpu.memory_space<hbm>>
      %dma_start3A_108 = tpu.memref_squeeze %dma_start3A_107 : memref<1x1x2x128xi32, #tpu.memory_space<hbm>> -> memref<2x128xi32, #tpu.memory_space<hbm>>
      %dma_start3A_109 = arith.constant 0 : i32
      %dma_start3A_110 = arith.constant 0 : i32
      %dma_start3A_111 = tpu.memref_slice %arg3[%add3A, %run_scoped3A_3, %dma_start3A_109, %dma_start3A_110] : memref<32x80x2x128xi32, #tpu.memory_space<hbm>> -> memref<1x1x2x128xi32, #tpu.memory_space<hbm>>
      %dma_start3A_112 = tpu.memref_squeeze %dma_start3A_111 : memref<1x1x2x128xi32, #tpu.memory_space<hbm>> -> memref<2x128xi32, #tpu.memory_space<hbm>>
      tpu.enqueue_dma source(%dma_start3A_112 : memref<2x128xi32, #tpu.memory_space<hbm>>) target(%arg7 : memref<2x128xi32, #tpu.memory_space<vmem>>) target_semaphore(%run_scoped3A_104 : memref<!tpu.dma_semaphore, #tpu.memory_space<semaphore_mem>>)
      %dma_wait3A_113 = arith.constant 0 : i32
      %dma_wait3A_114 = arith.constant 0 : i32
      %dma_wait3A_115 = tpu.memref_slice %arg3[%add3A, %run_scoped3A_3, %dma_wait3A_113, %dma_wait3A_114] : memref<32x80x2x128xi32, #tpu.memory_space<hbm>> -> memref<1x1x2x128xi32, #tpu.memory_space<hbm>>
      %dma_wait3A_116 = tpu.memref_squeeze %dma_wait3A_115 : memref<1x1x2x128xi32, #tpu.memory_space<hbm>> -> memref<2x128xi32, #tpu.memory_space<hbm>>
      %dma_wait3A_117 = arith.constant 0 : i32
      %dma_wait3A_118 = arith.constant 0 : i32
      %dma_wait3A_119 = tpu.memref_slice %arg3[%add3A, %run_scoped3A_3, %dma_wait3A_117, %dma_wait3A_118] : memref<32x80x2x128xi32, #tpu.memory_space<hbm>> -> memref<1x1x2x128xi32, #tpu.memory_space<hbm>>
      %dma_wait3A_120 = tpu.memref_squeeze %dma_wait3A_119 : memref<1x1x2x128xi32, #tpu.memory_space<hbm>> -> memref<2x128xi32, #tpu.memory_space<hbm>>
      tpu.wait_dma2 semaphore(%run_scoped3A_104 : memref<!tpu.dma_semaphore, #tpu.memory_space<semaphore_mem>>) src(%dma_wait3A_120 : memref<2x128xi32, #tpu.memory_space<hbm>>) dst(%arg7 : memref<2x128xi32, #tpu.memory_space<vmem>>)
      tpu.yield
    }) : () -> ()
    %dma_start3A = arith.constant 2 : i32
    %dma_start3A_4 = arith.constant 0 : i32
    %dma_start3A_5 = arith.constant 0 : i32
    %dma_start3A_6 = tpu.memref_slice %arg3[%add3A, %dma_start3A, %dma_start3A_4, %dma_start3A_5] : memref<32x80x2x128xi32, #tpu.memory_space<hbm>> -> memref<1x1x2x128xi32, #tpu.memory_space<hbm>>
    %dma_start3A_7 = tpu.memref_squeeze %dma_start3A_6 : memref<1x1x2x128xi32, #tpu.memory_space<hbm>> -> memref<2x128xi32, #tpu.memory_space<hbm>>
    %dma_start3A_8 = arith.constant 0 : i32
    %dma_start3A_9 = arith.constant 0 : i32
    %dma_start3A_10 = tpu.memref_slice %arg3[%add3A, %dma_start3A, %dma_start3A_8, %dma_start3A_9] : memref<32x80x2x128xi32, #tpu.memory_space<hbm>> -> memref<1x1x2x128xi32, #tpu.memory_space<hbm>>
    %dma_start3A_11 = tpu.memref_squeeze %dma_start3A_10 : memref<1x1x2x128xi32, #tpu.memory_space<hbm>> -> memref<2x128xi32, #tpu.memory_space<hbm>>
    tpu.enqueue_dma source(%dma_start3A_11 : memref<2x128xi32, #tpu.memory_space<hbm>>) target(%arg8 : memref<2x128xi32, #tpu.memory_space<vmem>>) target_semaphore(%arg17 : memref<!tpu.dma_semaphore, #tpu.memory_space<semaphore_mem>>)
    %dma_start3A_12 = arith.constant 3 : i32
    %dma_start3A_13 = arith.constant 0 : i32
    %dma_start3A_14 = arith.constant 0 : i32
    %dma_start3A_15 = tpu.memref_slice %arg3[%add3A, %dma_start3A_12, %dma_start3A_13, %dma_start3A_14] : memref<32x80x2x128xi32, #tpu.memory_space<hbm>> -> memref<1x1x2x128xi32, #tpu.memory_space<hbm>>
    %dma_start3A_16 = tpu.memref_squeeze %dma_start3A_15 : memref<1x1x2x128xi32, #tpu.memory_space<hbm>> -> memref<2x128xi32, #tpu.memory_space<hbm>>
    %dma_start3A_17 = arith.constant 0 : i32
    %dma_start3A_18 = arith.constant 0 : i32
    %dma_start3A_19 = tpu.memref_slice %arg3[%add3A, %dma_start3A_12, %dma_start3A_17, %dma_start3A_18] : memref<32x80x2x128xi32, #tpu.memory_space<hbm>> -> memref<1x1x2x128xi32, #tpu.memory_space<hbm>>
    %dma_start3A_20 = tpu.memref_squeeze %dma_start3A_19 : memref<1x1x2x128xi32, #tpu.memory_space<hbm>> -> memref<2x128xi32, #tpu.memory_space<hbm>>
    tpu.enqueue_dma source(%dma_start3A_20 : memref<2x128xi32, #tpu.memory_space<hbm>>) target(%arg9 : memref<2x128xi32, #tpu.memory_space<vmem>>) target_semaphore(%arg18 : memref<!tpu.dma_semaphore, #tpu.memory_space<semaphore_mem>>)
    %dma_start3A_21 = arith.constant 0 : i32
    %dma_start3A_22 = arith.constant 0 : i32
    %dma_start3A_23 = tpu.memref_slice %arg6[%dma_start3A_21, %dma_start3A_22] : memref<2x128xi32, #tpu.memory_space<vmem>> -> memref<1x128xi32, #tpu.memory_space<vmem>>
    %dma_start3A_24 = tpu.memref_squeeze %dma_start3A_23 : memref<1x128xi32, #tpu.memory_space<vmem>> -> memref<128xi32, #tpu.memory_space<vmem>>
    %dma_start3A_25 = arith.constant 0 : i32
    %dma_start3A_26 = arith.constant 0 : i32
    %dma_start3A_27 = tpu.memref_slice %arg2[%dma_start3A_25, %dma_start3A_26] : memref<10000x128xf32, #tpu.memory_space<hbm>> -> memref<10000x128xf32, #tpu.memory_space<hbm>>
    tpu.enqueue_indirect_dma source(%dma_start3A_27 : memref<10000x128xf32, #tpu.memory_space<hbm>>) target(%arg10 : memref<128x128xf32, #tpu.memory_space<vmem>>) offsets(%dma_start3A_24 : memref<128xi32, #tpu.memory_space<vmem>>) semaphore(%arg13 : memref<!tpu.dma_semaphore, #tpu.memory_space<semaphore_mem>>)
    %barrier3A = arith.constant 0 : index
    tpu.barrier barrier_id(%barrier3A)
    %dma_start3A_28 = arith.constant 0 : i32
    %dma_start3A_29 = arith.constant 0 : i32
    %dma_start3A_30 = tpu.memref_slice %arg7[%dma_start3A_28, %dma_start3A_29] : memref<2x128xi32, #tpu.memory_space<vmem>> -> memref<1x128xi32, #tpu.memory_space<vmem>>
    %dma_start3A_31 = tpu.memref_squeeze %dma_start3A_30 : memref<1x128xi32, #tpu.memory_space<vmem>> -> memref<128xi32, #tpu.memory_space<vmem>>
    %dma_start3A_32 = arith.constant 0 : i32
    %dma_start3A_33 = arith.constant 0 : i32
    %dma_start3A_34 = tpu.memref_slice %arg2[%dma_start3A_32, %dma_start3A_33] : memref<10000x128xf32, #tpu.memory_space<hbm>> -> memref<10000x128xf32, #tpu.memory_space<hbm>>
    tpu.enqueue_indirect_dma source(%dma_start3A_34 : memref<10000x128xf32, #tpu.memory_space<hbm>>) target(%arg11 : memref<128x128xf32, #tpu.memory_space<vmem>>) offsets(%dma_start3A_31 : memref<128xi32, #tpu.memory_space<vmem>>) semaphore(%arg14 : memref<!tpu.dma_semaphore, #tpu.memory_space<semaphore_mem>>)
    %scan3A = arith.constant 0 : i32
    %scan3A_35 = arith.constant 0 : i32
    %scan3A_36 = arith.constant 19 : i32
    %scan3A_37 = arith.addi %scan3A_35, %scan3A_36 : i32
    %scan3A_38 = arith.constant 1 : i32
    scf.for %scan3A_104 = %scan3A_35 to %scan3A_37 step %scan3A_38  : i32 {
      %mul3A_105 = arith.constant 4 : i32
      %mul3A_106 = arith.muli %mul3A_105, %scan3A_104 : i32
      %dma_wait3A_107 = arith.constant 0 : i32
      %dma_wait3A_108 = arith.constant 0 : i32
      %dma_wait3A_109 = tpu.memref_slice %arg6[%dma_wait3A_107, %dma_wait3A_108] : memref<2x128xi32, #tpu.memory_space<vmem>> -> memref<1x128xi32, #tpu.memory_space<vmem>>
      %dma_wait3A_110 = tpu.memref_squeeze %dma_wait3A_109 : memref<1x128xi32, #tpu.memory_space<vmem>> -> memref<128xi32, #tpu.memory_space<vmem>>
      %dma_wait3A_111 = arith.constant 0 : i32
      %dma_wait3A_112 = arith.constant 0 : i32
      %dma_wait3A_113 = tpu.memref_slice %arg2[%dma_wait3A_111, %dma_wait3A_112] : memref<10000x128xf32, #tpu.memory_space<hbm>> -> memref<10000x128xf32, #tpu.memory_space<hbm>>
      tpu.wait_indirect_dma semaphore(%arg13 : memref<!tpu.dma_semaphore, #tpu.memory_space<semaphore_mem>>) src(%dma_wait3A_113 : memref<10000x128xf32, #tpu.memory_space<hbm>>) dst(%arg10 : memref<128x128xf32, #tpu.memory_space<vmem>>)
      %run_scoped3A_114 = arith.constant 1 : i32
      "tpu.region"() ({
        %run_scoped3A_243 = tpu.sem_alloc : memref<!tpu.dma_semaphore, #tpu.memory_space<semaphore_mem>>
        %dma_start3A_244 = arith.constant 0 : i32
        %dma_start3A_245 = tpu.memref_slice %arg6[%run_scoped3A_114, %dma_start3A_244] : memref<2x128xi32, #tpu.memory_space<vmem>> -> memref<1x128xi32, #tpu.memory_space<vmem>>
        %dma_start3A_246 = tpu.memref_squeeze %dma_start3A_245 : memref<1x128xi32, #tpu.memory_space<vmem>> -> memref<128xi32, #tpu.memory_space<vmem>>
        %dma_start3A_247 = arith.constant 0 : i32
        %dma_start3A_248 = arith.constant 0 : i32
        %dma_start3A_249 = tpu.memref_slice %arg12[%dma_start3A_247, %dma_start3A_248] : memref<10240x128xf32, #tpu.memory_space<vmem_shared>> -> memref<10240x128xf32, #tpu.memory_space<vmem_shared>>
        tpu.enqueue_indirect_dma source(%arg10 : memref<128x128xf32, #tpu.memory_space<vmem>>) target(%dma_start3A_249 : memref<10240x128xf32, #tpu.memory_space<vmem_shared>>) offsets(%dma_start3A_246 : memref<128xi32, #tpu.memory_space<vmem>>) semaphore(%run_scoped3A_243 : memref<!tpu.dma_semaphore, #tpu.memory_space<semaphore_mem>>) {add = true}
        %dma_wait3A_250 = arith.constant 0 : i32
        %dma_wait3A_251 = tpu.memref_slice %arg6[%run_scoped3A_114, %dma_wait3A_250] : memref<2x128xi32, #tpu.memory_space<vmem>> -> memref<1x128xi32, #tpu.memory_space<vmem>>
        %dma_wait3A_252 = tpu.memref_squeeze %dma_wait3A_251 : memref<1x128xi32, #tpu.memory_space<vmem>> -> memref<128xi32, #tpu.memory_space<vmem>>
        %dma_wait3A_253 = arith.constant 0 : i32
        %dma_wait3A_254 = arith.constant 0 : i32
        %dma_wait3A_255 = tpu.memref_slice %arg12[%dma_wait3A_253, %dma_wait3A_254] : memref<10240x128xf32, #tpu.memory_space<vmem_shared>> -> memref<10240x128xf32, #tpu.memory_space<vmem_shared>>
        tpu.wait_indirect_dma semaphore(%run_scoped3A_243 : memref<!tpu.dma_semaphore, #tpu.memory_space<semaphore_mem>>) src(%arg10 : memref<128x128xf32, #tpu.memory_space<vmem>>) dst(%dma_wait3A_255 : memref<10240x128xf32, #tpu.memory_space<vmem_shared>>)
        tpu.yield
      }) : () -> ()
      %add3A_115 = arith.constant 4 : i32
      %add3A_116 = arith.addi %mul3A_106, %add3A_115 : i32
      %dma_start3A_117 = arith.constant 0 : i32
      %dma_start3A_118 = arith.constant 0 : i32
      %dma_start3A_119 = tpu.memref_slice %arg3[%add3A, %add3A_116, %dma_start3A_117, %dma_start3A_118] : memref<32x80x2x128xi32, #tpu.memory_space<hbm>> -> memref<1x1x2x128xi32, #tpu.memory_space<hbm>>
      %dma_start3A_120 = tpu.memref_squeeze %dma_start3A_119 : memref<1x1x2x128xi32, #tpu.memory_space<hbm>> -> memref<2x128xi32, #tpu.memory_space<hbm>>
      %dma_start3A_121 = arith.constant 0 : i32
      %dma_start3A_122 = arith.constant 0 : i32
      %dma_start3A_123 = tpu.memref_slice %arg3[%add3A, %add3A_116, %dma_start3A_121, %dma_start3A_122] : memref<32x80x2x128xi32, #tpu.memory_space<hbm>> -> memref<1x1x2x128xi32, #tpu.memory_space<hbm>>
      %dma_start3A_124 = tpu.memref_squeeze %dma_start3A_123 : memref<1x1x2x128xi32, #tpu.memory_space<hbm>> -> memref<2x128xi32, #tpu.memory_space<hbm>>
      tpu.enqueue_dma source(%dma_start3A_124 : memref<2x128xi32, #tpu.memory_space<hbm>>) target(%arg6 : memref<2x128xi32, #tpu.memory_space<vmem>>) target_semaphore(%arg15 : memref<!tpu.dma_semaphore, #tpu.memory_space<semaphore_mem>>)
      %dma_wait3A_125 = arith.constant 0 : i32
      %dma_wait3A_126 = arith.constant 0 : i32
      %dma_wait3A_127 = tpu.memref_slice %arg7[%dma_wait3A_125, %dma_wait3A_126] : memref<2x128xi32, #tpu.memory_space<vmem>> -> memref<1x128xi32, #tpu.memory_space<vmem>>
      %dma_wait3A_128 = tpu.memref_squeeze %dma_wait3A_127 : memref<1x128xi32, #tpu.memory_space<vmem>> -> memref<128xi32, #tpu.memory_space<vmem>>
      %dma_wait3A_129 = arith.constant 0 : i32
      %dma_wait3A_130 = arith.constant 0 : i32
      %dma_wait3A_131 = tpu.memref_slice %arg2[%dma_wait3A_129, %dma_wait3A_130] : memref<10000x128xf32, #tpu.memory_space<hbm>> -> memref<10000x128xf32, #tpu.memory_space<hbm>>
      tpu.wait_indirect_dma semaphore(%arg14 : memref<!tpu.dma_semaphore, #tpu.memory_space<semaphore_mem>>) src(%dma_wait3A_131 : memref<10000x128xf32, #tpu.memory_space<hbm>>) dst(%arg11 : memref<128x128xf32, #tpu.memory_space<vmem>>)
      %dma_wait3A_132 = arith.constant 0 : i32
      %dma_wait3A_133 = arith.constant 0 : i32
      %dma_wait3A_134 = arith.constant 0 : i32
      %dma_wait3A_135 = tpu.memref_slice %arg3[%add3A, %dma_wait3A_132, %dma_wait3A_133, %dma_wait3A_134] : memref<32x80x2x128xi32, #tpu.memory_space<hbm>> -> memref<1x1x2x128xi32, #tpu.memory_space<hbm>>
      %dma_wait3A_136 = tpu.memref_squeeze %dma_wait3A_135 : memref<1x1x2x128xi32, #tpu.memory_space<hbm>> -> memref<2x128xi32, #tpu.memory_space<hbm>>
      %dma_wait3A_137 = arith.constant 0 : i32
      %dma_wait3A_138 = arith.constant 0 : i32
      %dma_wait3A_139 = tpu.memref_slice %arg3[%add3A, %dma_wait3A_132, %dma_wait3A_137, %dma_wait3A_138] : memref<32x80x2x128xi32, #tpu.memory_space<hbm>> -> memref<1x1x2x128xi32, #tpu.memory_space<hbm>>
      %dma_wait3A_140 = tpu.memref_squeeze %dma_wait3A_139 : memref<1x1x2x128xi32, #tpu.memory_space<hbm>> -> memref<2x128xi32, #tpu.memory_space<hbm>>
      tpu.wait_dma2 semaphore(%arg17 : memref<!tpu.dma_semaphore, #tpu.memory_space<semaphore_mem>>) src(%dma_wait3A_140 : memref<2x128xi32, #tpu.memory_space<hbm>>) dst(%arg8 : memref<2x128xi32, #tpu.memory_space<vmem>>)
      %dma_start3A_141 = arith.constant 0 : i32
      %dma_start3A_142 = arith.constant 0 : i32
      %dma_start3A_143 = tpu.memref_slice %arg8[%dma_start3A_141, %dma_start3A_142] : memref<2x128xi32, #tpu.memory_space<vmem>> -> memref<1x128xi32, #tpu.memory_space<vmem>>
      %dma_start3A_144 = tpu.memref_squeeze %dma_start3A_143 : memref<1x128xi32, #tpu.memory_space<vmem>> -> memref<128xi32, #tpu.memory_space<vmem>>
      %dma_start3A_145 = arith.constant 0 : i32
      %dma_start3A_146 = arith.constant 0 : i32
      %dma_start3A_147 = tpu.memref_slice %arg2[%dma_start3A_145, %dma_start3A_146] : memref<10000x128xf32, #tpu.memory_space<hbm>> -> memref<10000x128xf32, #tpu.memory_space<hbm>>
      tpu.enqueue_indirect_dma source(%dma_start3A_147 : memref<10000x128xf32, #tpu.memory_space<hbm>>) target(%arg10 : memref<128x128xf32, #tpu.memory_space<vmem>>) offsets(%dma_start3A_144 : memref<128xi32, #tpu.memory_space<vmem>>) semaphore(%arg13 : memref<!tpu.dma_semaphore, #tpu.memory_space<semaphore_mem>>)
      %run_scoped3A_148 = arith.constant 1 : i32
      "tpu.region"() ({
        %run_scoped3A_243 = tpu.sem_alloc : memref<!tpu.dma_semaphore, #tpu.memory_space<semaphore_mem>>
        %dma_start3A_244 = arith.constant 0 : i32
        %dma_start3A_245 = tpu.memref_slice %arg7[%run_scoped3A_148, %dma_start3A_244] : memref<2x128xi32, #tpu.memory_space<vmem>> -> memref<1x128xi32, #tpu.memory_space<vmem>>
        %dma_start3A_246 = tpu.memref_squeeze %dma_start3A_245 : memref<1x128xi32, #tpu.memory_space<vmem>> -> memref<128xi32, #tpu.memory_space<vmem>>
        %dma_start3A_247 = arith.constant 0 : i32
        %dma_start3A_248 = arith.constant 0 : i32
        %dma_start3A_249 = tpu.memref_slice %arg12[%dma_start3A_247, %dma_start3A_248] : memref<10240x128xf32, #tpu.memory_space<vmem_shared>> -> memref<10240x128xf32, #tpu.memory_space<vmem_shared>>
        tpu.enqueue_indirect_dma source(%arg11 : memref<128x128xf32, #tpu.memory_space<vmem>>) target(%dma_start3A_249 : memref<10240x128xf32, #tpu.memory_space<vmem_shared>>) offsets(%dma_start3A_246 : memref<128xi32, #tpu.memory_space<vmem>>) semaphore(%run_scoped3A_243 : memref<!tpu.dma_semaphore, #tpu.memory_space<semaphore_mem>>) {add = true}
        %dma_wait3A_250 = arith.constant 0 : i32
        %dma_wait3A_251 = tpu.memref_slice %arg7[%run_scoped3A_148, %dma_wait3A_250] : memref<2x128xi32, #tpu.memory_space<vmem>> -> memref<1x128xi32, #tpu.memory_space<vmem>>
        %dma_wait3A_252 = tpu.memref_squeeze %dma_wait3A_251 : memref<1x128xi32, #tpu.memory_space<vmem>> -> memref<128xi32, #tpu.memory_space<vmem>>
        %dma_wait3A_253 = arith.constant 0 : i32
        %dma_wait3A_254 = arith.constant 0 : i32
        %dma_wait3A_255 = tpu.memref_slice %arg12[%dma_wait3A_253, %dma_wait3A_254] : memref<10240x128xf32, #tpu.memory_space<vmem_shared>> -> memref<10240x128xf32, #tpu.memory_space<vmem_shared>>
        tpu.wait_indirect_dma semaphore(%run_scoped3A_243 : memref<!tpu.dma_semaphore, #tpu.memory_space<semaphore_mem>>) src(%arg11 : memref<128x128xf32, #tpu.memory_space<vmem>>) dst(%dma_wait3A_255 : memref<10240x128xf32, #tpu.memory_space<vmem_shared>>)
        tpu.yield
      }) : () -> ()
      %add3A_149 = arith.constant 5 : i32
      %add3A_150 = arith.addi %mul3A_106, %add3A_149 : i32
      %dma_start3A_151 = arith.constant 0 : i32
      %dma_start3A_152 = arith.constant 0 : i32
      %dma_start3A_153 = tpu.memref_slice %arg3[%add3A, %add3A_150, %dma_start3A_151, %dma_start3A_152] : memref<32x80x2x128xi32, #tpu.memory_space<hbm>> -> memref<1x1x2x128xi32, #tpu.memory_space<hbm>>
      %dma_start3A_154 = tpu.memref_squeeze %dma_start3A_153 : memref<1x1x2x128xi32, #tpu.memory_space<hbm>> -> memref<2x128xi32, #tpu.memory_space<hbm>>
      %dma_start3A_155 = arith.constant 0 : i32
      %dma_start3A_156 = arith.constant 0 : i32
      %dma_start3A_157 = tpu.memref_slice %arg3[%add3A, %add3A_150, %dma_start3A_155, %dma_start3A_156] : memref<32x80x2x128xi32, #tpu.memory_space<hbm>> -> memref<1x1x2x128xi32, #tpu.memory_space<hbm>>
      %dma_start3A_158 = tpu.memref_squeeze %dma_start3A_157 : memref<1x1x2x128xi32, #tpu.memory_space<hbm>> -> memref<2x128xi32, #tpu.memory_space<hbm>>
      tpu.enqueue_dma source(%dma_start3A_158 : memref<2x128xi32, #tpu.memory_space<hbm>>) target(%arg7 : memref<2x128xi32, #tpu.memory_space<vmem>>) target_semaphore(%arg16 : memref<!tpu.dma_semaphore, #tpu.memory_space<semaphore_mem>>)
      %dma_wait3A_159 = arith.constant 0 : i32
      %dma_wait3A_160 = arith.constant 0 : i32
      %dma_wait3A_161 = arith.constant 0 : i32
      %dma_wait3A_162 = tpu.memref_slice %arg3[%add3A, %dma_wait3A_159, %dma_wait3A_160, %dma_wait3A_161] : memref<32x80x2x128xi32, #tpu.memory_space<hbm>> -> memref<1x1x2x128xi32, #tpu.memory_space<hbm>>
      %dma_wait3A_163 = tpu.memref_squeeze %dma_wait3A_162 : memref<1x1x2x128xi32, #tpu.memory_space<hbm>> -> memref<2x128xi32, #tpu.memory_space<hbm>>
      %dma_wait3A_164 = arith.constant 0 : i32
      %dma_wait3A_165 = arith.constant 0 : i32
      %dma_wait3A_166 = tpu.memref_slice %arg3[%add3A, %dma_wait3A_159, %dma_wait3A_164, %dma_wait3A_165] : memref<32x80x2x128xi32, #tpu.memory_space<hbm>> -> memref<1x1x2x128xi32, #tpu.memory_space<hbm>>
      %dma_wait3A_167 = tpu.memref_squeeze %dma_wait3A_166 : memref<1x1x2x128xi32, #tpu.memory_space<hbm>> -> memref<2x128xi32, #tpu.memory_space<hbm>>
      tpu.wait_dma2 semaphore(%arg18 : memref<!tpu.dma_semaphore, #tpu.memory_space<semaphore_mem>>) src(%dma_wait3A_167 : memref<2x128xi32, #tpu.memory_space<hbm>>) dst(%arg9 : memref<2x128xi32, #tpu.memory_space<vmem>>)
      %dma_start3A_168 = arith.constant 0 : i32
      %dma_start3A_169 = arith.constant 0 : i32
      %dma_start3A_170 = tpu.memref_slice %arg9[%dma_start3A_168, %dma_start3A_169] : memref<2x128xi32, #tpu.memory_space<vmem>> -> memref<1x128xi32, #tpu.memory_space<vmem>>
      %dma_start3A_171 = tpu.memref_squeeze %dma_start3A_170 : memref<1x128xi32, #tpu.memory_space<vmem>> -> memref<128xi32, #tpu.memory_space<vmem>>
      %dma_start3A_172 = arith.constant 0 : i32
      %dma_start3A_173 = arith.constant 0 : i32
      %dma_start3A_174 = tpu.memref_slice %arg2[%dma_start3A_172, %dma_start3A_173] : memref<10000x128xf32, #tpu.memory_space<hbm>> -> memref<10000x128xf32, #tpu.memory_space<hbm>>
      tpu.enqueue_indirect_dma source(%dma_start3A_174 : memref<10000x128xf32, #tpu.memory_space<hbm>>) target(%arg11 : memref<128x128xf32, #tpu.memory_space<vmem>>) offsets(%dma_start3A_171 : memref<128xi32, #tpu.memory_space<vmem>>) semaphore(%arg14 : memref<!tpu.dma_semaphore, #tpu.memory_space<semaphore_mem>>)
      %dma_wait3A_175 = arith.constant 0 : i32
      %dma_wait3A_176 = arith.constant 0 : i32
      %dma_wait3A_177 = tpu.memref_slice %arg8[%dma_wait3A_175, %dma_wait3A_176] : memref<2x128xi32, #tpu.memory_space<vmem>> -> memref<1x128xi32, #tpu.memory_space<vmem>>
      %dma_wait3A_178 = tpu.memref_squeeze %dma_wait3A_177 : memref<1x128xi32, #tpu.memory_space<vmem>> -> memref<128xi32, #tpu.memory_space<vmem>>
      %dma_wait3A_179 = arith.constant 0 : i32
      %dma_wait3A_180 = arith.constant 0 : i32
      %dma_wait3A_181 = tpu.memref_slice %arg2[%dma_wait3A_179, %dma_wait3A_180] : memref<10000x128xf32, #tpu.memory_space<hbm>> -> memref<10000x128xf32, #tpu.memory_space<hbm>>
      tpu.wait_indirect_dma semaphore(%arg13 : memref<!tpu.dma_semaphore, #tpu.memory_space<semaphore_mem>>) src(%dma_wait3A_181 : memref<10000x128xf32, #tpu.memory_space<hbm>>) dst(%arg10 : memref<128x128xf32, #tpu.memory_space<vmem>>)
      %run_scoped3A_182 = arith.constant 1 : i32
      "tpu.region"() ({
        %run_scoped3A_243 = tpu.sem_alloc : memref<!tpu.dma_semaphore, #tpu.memory_space<semaphore_mem>>
        %dma_start3A_244 = arith.constant 0 : i32
        %dma_start3A_245 = tpu.memref_slice %arg8[%run_scoped3A_182, %dma_start3A_244] : memref<2x128xi32, #tpu.memory_space<vmem>> -> memref<1x128xi32, #tpu.memory_space<vmem>>
        %dma_start3A_246 = tpu.memref_squeeze %dma_start3A_245 : memref<1x128xi32, #tpu.memory_space<vmem>> -> memref<128xi32, #tpu.memory_space<vmem>>
        %dma_start3A_247 = arith.constant 0 : i32
        %dma_start3A_248 = arith.constant 0 : i32
        %dma_start3A_249 = tpu.memref_slice %arg12[%dma_start3A_247, %dma_start3A_248] : memref<10240x128xf32, #tpu.memory_space<vmem_shared>> -> memref<10240x128xf32, #tpu.memory_space<vmem_shared>>
        tpu.enqueue_indirect_dma source(%arg10 : memref<128x128xf32, #tpu.memory_space<vmem>>) target(%dma_start3A_249 : memref<10240x128xf32, #tpu.memory_space<vmem_shared>>) offsets(%dma_start3A_246 : memref<128xi32, #tpu.memory_space<vmem>>) semaphore(%run_scoped3A_243 : memref<!tpu.dma_semaphore, #tpu.memory_space<semaphore_mem>>) {add = true}
        %dma_wait3A_250 = arith.constant 0 : i32
        %dma_wait3A_251 = tpu.memref_slice %arg8[%run_scoped3A_182, %dma_wait3A_250] : memref<2x128xi32, #tpu.memory_space<vmem>> -> memref<1x128xi32, #tpu.memory_space<vmem>>
        %dma_wait3A_252 = tpu.memref_squeeze %dma_wait3A_251 : memref<1x128xi32, #tpu.memory_space<vmem>> -> memref<128xi32, #tpu.memory_space<vmem>>
        %dma_wait3A_253 = arith.constant 0 : i32
        %dma_wait3A_254 = arith.constant 0 : i32
        %dma_wait3A_255 = tpu.memref_slice %arg12[%dma_wait3A_253, %dma_wait3A_254] : memref<10240x128xf32, #tpu.memory_space<vmem_shared>> -> memref<10240x128xf32, #tpu.memory_space<vmem_shared>>
        tpu.wait_indirect_dma semaphore(%run_scoped3A_243 : memref<!tpu.dma_semaphore, #tpu.memory_space<semaphore_mem>>) src(%arg10 : memref<128x128xf32, #tpu.memory_space<vmem>>) dst(%dma_wait3A_255 : memref<10240x128xf32, #tpu.memory_space<vmem_shared>>)
        tpu.yield
      }) : () -> ()
      %add3A_183 = arith.constant 6 : i32
      %add3A_184 = arith.addi %mul3A_106, %add3A_183 : i32
      %dma_start3A_185 = arith.constant 0 : i32
      %dma_start3A_186 = arith.constant 0 : i32
      %dma_start3A_187 = tpu.memref_slice %arg3[%add3A, %add3A_184, %dma_start3A_185, %dma_start3A_186] : memref<32x80x2x128xi32, #tpu.memory_space<hbm>> -> memref<1x1x2x128xi32, #tpu.memory_space<hbm>>
      %dma_start3A_188 = tpu.memref_squeeze %dma_start3A_187 : memref<1x1x2x128xi32, #tpu.memory_space<hbm>> -> memref<2x128xi32, #tpu.memory_space<hbm>>
      %dma_start3A_189 = arith.constant 0 : i32
      %dma_start3A_190 = arith.constant 0 : i32
      %dma_start3A_191 = tpu.memref_slice %arg3[%add3A, %add3A_184, %dma_start3A_189, %dma_start3A_190] : memref<32x80x2x128xi32, #tpu.memory_space<hbm>> -> memref<1x1x2x128xi32, #tpu.memory_space<hbm>>
      %dma_start3A_192 = tpu.memref_squeeze %dma_start3A_191 : memref<1x1x2x128xi32, #tpu.memory_space<hbm>> -> memref<2x128xi32, #tpu.memory_space<hbm>>
      tpu.enqueue_dma source(%dma_start3A_192 : memref<2x128xi32, #tpu.memory_space<hbm>>) target(%arg8 : memref<2x128xi32, #tpu.memory_space<vmem>>) target_semaphore(%arg17 : memref<!tpu.dma_semaphore, #tpu.memory_space<semaphore_mem>>)
      %dma_wait3A_193 = arith.constant 0 : i32
      %dma_wait3A_194 = arith.constant 0 : i32
      %dma_wait3A_195 = tpu.memref_slice %arg9[%dma_wait3A_193, %dma_wait3A_194] : memref<2x128xi32, #tpu.memory_space<vmem>> -> memref<1x128xi32, #tpu.memory_space<vmem>>
      %dma_wait3A_196 = tpu.memref_squeeze %dma_wait3A_195 : memref<1x128xi32, #tpu.memory_space<vmem>> -> memref<128xi32, #tpu.memory_space<vmem>>
      %dma_wait3A_197 = arith.constant 0 : i32
      %dma_wait3A_198 = arith.constant 0 : i32
      %dma_wait3A_199 = tpu.memref_slice %arg2[%dma_wait3A_197, %dma_wait3A_198] : memref<10000x128xf32, #tpu.memory_space<hbm>> -> memref<10000x128xf32, #tpu.memory_space<hbm>>
      tpu.wait_indirect_dma semaphore(%arg14 : memref<!tpu.dma_semaphore, #tpu.memory_space<semaphore_mem>>) src(%dma_wait3A_199 : memref<10000x128xf32, #tpu.memory_space<hbm>>) dst(%arg11 : memref<128x128xf32, #tpu.memory_space<vmem>>)
      %dma_wait3A_200 = arith.constant 0 : i32
      %dma_wait3A_201 = arith.constant 0 : i32
      %dma_wait3A_202 = arith.constant 0 : i32
      %dma_wait3A_203 = tpu.memref_slice %arg3[%add3A, %dma_wait3A_200, %dma_wait3A_201, %dma_wait3A_202] : memref<32x80x2x128xi32, #tpu.memory_space<hbm>> -> memref<1x1x2x128xi32, #tpu.memory_space<hbm>>
      %dma_wait3A_204 = tpu.memref_squeeze %dma_wait3A_203 : memref<1x1x2x128xi32, #tpu.memory_space<hbm>> -> memref<2x128xi32, #tpu.memory_space<hbm>>
      %dma_wait3A_205 = arith.constant 0 : i32
      %dma_wait3A_206 = arith.constant 0 : i32
      %dma_wait3A_207 = tpu.memref_slice %arg3[%add3A, %dma_wait3A_200, %dma_wait3A_205, %dma_wait3A_206] : memref<32x80x2x128xi32, #tpu.memory_space<hbm>> -> memref<1x1x2x128xi32, #tpu.memory_space<hbm>>
      %dma_wait3A_208 = tpu.memref_squeeze %dma_wait3A_207 : memref<1x1x2x128xi32, #tpu.memory_space<hbm>> -> memref<2x128xi32, #tpu.memory_space<hbm>>
      tpu.wait_dma2 semaphore(%arg15 : memref<!tpu.dma_semaphore, #tpu.memory_space<semaphore_mem>>) src(%dma_wait3A_208 : memref<2x128xi32, #tpu.memory_space<hbm>>) dst(%arg6 : memref<2x128xi32, #tpu.memory_space<vmem>>)
      %dma_start3A_209 = arith.constant 0 : i32
      %dma_start3A_210 = arith.constant 0 : i32
      %dma_start3A_211 = tpu.memref_slice %arg6[%dma_start3A_209, %dma_start3A_210] : memref<2x128xi32, #tpu.memory_space<vmem>> -> memref<1x128xi32, #tpu.memory_space<vmem>>
      %dma_start3A_212 = tpu.memref_squeeze %dma_start3A_211 : memref<1x128xi32, #tpu.memory_space<vmem>> -> memref<128xi32, #tpu.memory_space<vmem>>
      %dma_start3A_213 = arith.constant 0 : i32
      %dma_start3A_214 = arith.constant 0 : i32
      %dma_start3A_215 = tpu.memref_slice %arg2[%dma_start3A_213, %dma_start3A_214] : memref<10000x128xf32, #tpu.memory_space<hbm>> -> memref<10000x128xf32, #tpu.memory_space<hbm>>
      tpu.enqueue_indirect_dma source(%dma_start3A_215 : memref<10000x128xf32, #tpu.memory_space<hbm>>) target(%arg10 : memref<128x128xf32, #tpu.memory_space<vmem>>) offsets(%dma_start3A_212 : memref<128xi32, #tpu.memory_space<vmem>>) semaphore(%arg13 : memref<!tpu.dma_semaphore, #tpu.memory_space<semaphore_mem>>)
      %run_scoped3A_216 = arith.constant 1 : i32
      "tpu.region"() ({
        %run_scoped3A_243 = tpu.sem_alloc : memref<!tpu.dma_semaphore, #tpu.memory_space<semaphore_mem>>
        %dma_start3A_244 = arith.constant 0 : i32
        %dma_start3A_245 = tpu.memref_slice %arg9[%run_scoped3A_216, %dma_start3A_244] : memref<2x128xi32, #tpu.memory_space<vmem>> -> memref<1x128xi32, #tpu.memory_space<vmem>>
        %dma_start3A_246 = tpu.memref_squeeze %dma_start3A_245 : memref<1x128xi32, #tpu.memory_space<vmem>> -> memref<128xi32, #tpu.memory_space<vmem>>
        %dma_start3A_247 = arith.constant 0 : i32
        %dma_start3A_248 = arith.constant 0 : i32
        %dma_start3A_249 = tpu.memref_slice %arg12[%dma_start3A_247, %dma_start3A_248] : memref<10240x128xf32, #tpu.memory_space<vmem_shared>> -> memref<10240x128xf32, #tpu.memory_space<vmem_shared>>
        tpu.enqueue_indirect_dma source(%arg11 : memref<128x128xf32, #tpu.memory_space<vmem>>) target(%dma_start3A_249 : memref<10240x128xf32, #tpu.memory_space<vmem_shared>>) offsets(%dma_start3A_246 : memref<128xi32, #tpu.memory_space<vmem>>) semaphore(%run_scoped3A_243 : memref<!tpu.dma_semaphore, #tpu.memory_space<semaphore_mem>>) {add = true}
        %dma_wait3A_250 = arith.constant 0 : i32
        %dma_wait3A_251 = tpu.memref_slice %arg9[%run_scoped3A_216, %dma_wait3A_250] : memref<2x128xi32, #tpu.memory_space<vmem>> -> memref<1x128xi32, #tpu.memory_space<vmem>>
        %dma_wait3A_252 = tpu.memref_squeeze %dma_wait3A_251 : memref<1x128xi32, #tpu.memory_space<vmem>> -> memref<128xi32, #tpu.memory_space<vmem>>
        %dma_wait3A_253 = arith.constant 0 : i32
        %dma_wait3A_254 = arith.constant 0 : i32
        %dma_wait3A_255 = tpu.memref_slice %arg12[%dma_wait3A_253, %dma_wait3A_254] : memref<10240x128xf32, #tpu.memory_space<vmem_shared>> -> memref<10240x128xf32, #tpu.memory_space<vmem_shared>>
        tpu.wait_indirect_dma semaphore(%run_scoped3A_243 : memref<!tpu.dma_semaphore, #tpu.memory_space<semaphore_mem>>) src(%arg11 : memref<128x128xf32, #tpu.memory_space<vmem>>) dst(%dma_wait3A_255 : memref<10240x128xf32, #tpu.memory_space<vmem_shared>>)
        tpu.yield
      }) : () -> ()
      %add3A_217 = arith.constant 7 : i32
      %add3A_218 = arith.addi %mul3A_106, %add3A_217 : i32
      %dma_start3A_219 = arith.constant 0 : i32
      %dma_start3A_220 = arith.constant 0 : i32
      %dma_start3A_221 = tpu.memref_slice %arg3[%add3A, %add3A_218, %dma_start3A_219, %dma_start3A_220] : memref<32x80x2x128xi32, #tpu.memory_space<hbm>> -> memref<1x1x2x128xi32, #tpu.memory_space<hbm>>
      %dma_start3A_222 = tpu.memref_squeeze %dma_start3A_221 : memref<1x1x2x128xi32, #tpu.memory_space<hbm>> -> memref<2x128xi32, #tpu.memory_space<hbm>>
      %dma_start3A_223 = arith.constant 0 : i32
      %dma_start3A_224 = arith.constant 0 : i32
      %dma_start3A_225 = tpu.memref_slice %arg3[%add3A, %add3A_218, %dma_start3A_223, %dma_start3A_224] : memref<32x80x2x128xi32, #tpu.memory_space<hbm>> -> memref<1x1x2x128xi32, #tpu.memory_space<hbm>>
      %dma_start3A_226 = tpu.memref_squeeze %dma_start3A_225 : memref<1x1x2x128xi32, #tpu.memory_space<hbm>> -> memref<2x128xi32, #tpu.memory_space<hbm>>
      tpu.enqueue_dma source(%dma_start3A_226 : memref<2x128xi32, #tpu.memory_space<hbm>>) target(%arg9 : memref<2x128xi32, #tpu.memory_space<vmem>>) target_semaphore(%arg18 : memref<!tpu.dma_semaphore, #tpu.memory_space<semaphore_mem>>)
      %dma_wait3A_227 = arith.constant 0 : i32
      %dma_wait3A_228 = arith.constant 0 : i32
      %dma_wait3A_229 = arith.constant 0 : i32
      %dma_wait3A_230 = tpu.memref_slice %arg3[%add3A, %dma_wait3A_227, %dma_wait3A_228, %dma_wait3A_229] : memref<32x80x2x128xi32, #tpu.memory_space<hbm>> -> memref<1x1x2x128xi32, #tpu.memory_space<hbm>>
      %dma_wait3A_231 = tpu.memref_squeeze %dma_wait3A_230 : memref<1x1x2x128xi32, #tpu.memory_space<hbm>> -> memref<2x128xi32, #tpu.memory_space<hbm>>
      %dma_wait3A_232 = arith.constant 0 : i32
      %dma_wait3A_233 = arith.constant 0 : i32
      %dma_wait3A_234 = tpu.memref_slice %arg3[%add3A, %dma_wait3A_227, %dma_wait3A_232, %dma_wait3A_233] : memref<32x80x2x128xi32, #tpu.memory_space<hbm>> -> memref<1x1x2x128xi32, #tpu.memory_space<hbm>>
      %dma_wait3A_235 = tpu.memref_squeeze %dma_wait3A_234 : memref<1x1x2x128xi32, #tpu.memory_space<hbm>> -> memref<2x128xi32, #tpu.memory_space<hbm>>
      tpu.wait_dma2 semaphore(%arg16 : memref<!tpu.dma_semaphore, #tpu.memory_space<semaphore_mem>>) src(%dma_wait3A_235 : memref<2x128xi32, #tpu.memory_space<hbm>>) dst(%arg7 : memref<2x128xi32, #tpu.memory_space<vmem>>)
      %dma_start3A_236 = arith.constant 0 : i32
      %dma_start3A_237 = arith.constant 0 : i32
      %dma_start3A_238 = tpu.memref_slice %arg7[%dma_start3A_236, %dma_start3A_237] : memref<2x128xi32, #tpu.memory_space<vmem>> -> memref<1x128xi32, #tpu.memory_space<vmem>>
      %dma_start3A_239 = tpu.memref_squeeze %dma_start3A_238 : memref<1x128xi32, #tpu.memory_space<vmem>> -> memref<128xi32, #tpu.memory_space<vmem>>
      %dma_start3A_240 = arith.constant 0 : i32
      %dma_start3A_241 = arith.constant 0 : i32
      %dma_start3A_242 = tpu.memref_slice %arg2[%dma_start3A_240, %dma_start3A_241] : memref<10000x128xf32, #tpu.memory_space<hbm>> -> memref<10000x128xf32, #tpu.memory_space<hbm>>
      tpu.enqueue_indirect_dma source(%dma_start3A_242 : memref<10000x128xf32, #tpu.memory_space<hbm>>) target(%arg11 : memref<128x128xf32, #tpu.memory_space<vmem>>) offsets(%dma_start3A_239 : memref<128xi32, #tpu.memory_space<vmem>>) semaphore(%arg14 : memref<!tpu.dma_semaphore, #tpu.memory_space<semaphore_mem>>)
    }
    %scan3A_39 = arith.constant 19 : i32
    %dma_wait3A = arith.constant 0 : i32
    %dma_wait3A_40 = arith.constant 0 : i32
    %dma_wait3A_41 = tpu.memref_slice %arg6[%dma_wait3A, %dma_wait3A_40] : memref<2x128xi32, #tpu.memory_space<vmem>> -> memref<1x128xi32, #tpu.memory_space<vmem>>
    %dma_wait3A_42 = tpu.memref_squeeze %dma_wait3A_41 : memref<1x128xi32, #tpu.memory_space<vmem>> -> memref<128xi32, #tpu.memory_space<vmem>>
    %dma_wait3A_43 = arith.constant 0 : i32
    %dma_wait3A_44 = arith.constant 0 : i32
    %dma_wait3A_45 = tpu.memref_slice %arg2[%dma_wait3A_43, %dma_wait3A_44] : memref<10000x128xf32, #tpu.memory_space<hbm>> -> memref<10000x128xf32, #tpu.memory_space<hbm>>
    tpu.wait_indirect_dma semaphore(%arg13 : memref<!tpu.dma_semaphore, #tpu.memory_space<semaphore_mem>>) src(%dma_wait3A_45 : memref<10000x128xf32, #tpu.memory_space<hbm>>) dst(%arg10 : memref<128x128xf32, #tpu.memory_space<vmem>>)
    %run_scoped3A_46 = arith.constant 1 : i32
    "tpu.region"() ({
      %run_scoped3A_104 = tpu.sem_alloc : memref<!tpu.dma_semaphore, #tpu.memory_space<semaphore_mem>>
      %dma_start3A_105 = arith.constant 0 : i32
      %dma_start3A_106 = tpu.memref_slice %arg6[%run_scoped3A_46, %dma_start3A_105] : memref<2x128xi32, #tpu.memory_space<vmem>> -> memref<1x128xi32, #tpu.memory_space<vmem>>
      %dma_start3A_107 = tpu.memref_squeeze %dma_start3A_106 : memref<1x128xi32, #tpu.memory_space<vmem>> -> memref<128xi32, #tpu.memory_space<vmem>>
      %dma_start3A_108 = arith.constant 0 : i32
      %dma_start3A_109 = arith.constant 0 : i32
      %dma_start3A_110 = tpu.memref_slice %arg12[%dma_start3A_108, %dma_start3A_109] : memref<10240x128xf32, #tpu.memory_space<vmem_shared>> -> memref<10240x128xf32, #tpu.memory_space<vmem_shared>>
      tpu.enqueue_indirect_dma source(%arg10 : memref<128x128xf32, #tpu.memory_space<vmem>>) target(%dma_start3A_110 : memref<10240x128xf32, #tpu.memory_space<vmem_shared>>) offsets(%dma_start3A_107 : memref<128xi32, #tpu.memory_space<vmem>>) semaphore(%run_scoped3A_104 : memref<!tpu.dma_semaphore, #tpu.memory_space<semaphore_mem>>) {add = true}
      %dma_wait3A_111 = arith.constant 0 : i32
      %dma_wait3A_112 = tpu.memref_slice %arg6[%run_scoped3A_46, %dma_wait3A_111] : memref<2x128xi32, #tpu.memory_space<vmem>> -> memref<1x128xi32, #tpu.memory_space<vmem>>
      %dma_wait3A_113 = tpu.memref_squeeze %dma_wait3A_112 : memref<1x128xi32, #tpu.memory_space<vmem>> -> memref<128xi32, #tpu.memory_space<vmem>>
      %dma_wait3A_114 = arith.constant 0 : i32
      %dma_wait3A_115 = arith.constant 0 : i32
      %dma_wait3A_116 = tpu.memref_slice %arg12[%dma_wait3A_114, %dma_wait3A_115] : memref<10240x128xf32, #tpu.memory_space<vmem_shared>> -> memref<10240x128xf32, #tpu.memory_space<vmem_shared>>
      tpu.wait_indirect_dma semaphore(%run_scoped3A_104 : memref<!tpu.dma_semaphore, #tpu.memory_space<semaphore_mem>>) src(%arg10 : memref<128x128xf32, #tpu.memory_space<vmem>>) dst(%dma_wait3A_116 : memref<10240x128xf32, #tpu.memory_space<vmem_shared>>)
      tpu.yield
    }) : () -> ()
    %dma_wait3A_47 = arith.constant 0 : i32
    %dma_wait3A_48 = arith.constant 0 : i32
    %dma_wait3A_49 = tpu.memref_slice %arg7[%dma_wait3A_47, %dma_wait3A_48] : memref<2x128xi32, #tpu.memory_space<vmem>> -> memref<1x128xi32, #tpu.memory_space<vmem>>
    %dma_wait3A_50 = tpu.memref_squeeze %dma_wait3A_49 : memref<1x128xi32, #tpu.memory_space<vmem>> -> memref<128xi32, #tpu.memory_space<vmem>>
    %dma_wait3A_51 = arith.constant 0 : i32
    %dma_wait3A_52 = arith.constant 0 : i32
    %dma_wait3A_53 = tpu.memref_slice %arg2[%dma_wait3A_51, %dma_wait3A_52] : memref<10000x128xf32, #tpu.memory_space<hbm>> -> memref<10000x128xf32, #tpu.memory_space<hbm>>
    tpu.wait_indirect_dma semaphore(%arg14 : memref<!tpu.dma_semaphore, #tpu.memory_space<semaphore_mem>>) src(%dma_wait3A_53 : memref<10000x128xf32, #tpu.memory_space<hbm>>) dst(%arg11 : memref<128x128xf32, #tpu.memory_space<vmem>>)
    %dma_wait3A_54 = arith.constant 0 : i32
    %dma_wait3A_55 = arith.constant 0 : i32
    %dma_wait3A_56 = arith.constant 0 : i32
    %dma_wait3A_57 = tpu.memref_slice %arg3[%add3A, %dma_wait3A_54, %dma_wait3A_55, %dma_wait3A_56] : memref<32x80x2x128xi32, #tpu.memory_space<hbm>> -> memref<1x1x2x128xi32, #tpu.memory_space<hbm>>
    %dma_wait3A_58 = tpu.memref_squeeze %dma_wait3A_57 : memref<1x1x2x128xi32, #tpu.memory_space<hbm>> -> memref<2x128xi32, #tpu.memory_space<hbm>>
    %dma_wait3A_59 = arith.constant 0 : i32
    %dma_wait3A_60 = arith.constant 0 : i32
    %dma_wait3A_61 = tpu.memref_slice %arg3[%add3A, %dma_wait3A_54, %dma_wait3A_59, %dma_wait3A_60] : memref<32x80x2x128xi32, #tpu.memory_space<hbm>> -> memref<1x1x2x128xi32, #tpu.memory_space<hbm>>
    %dma_wait3A_62 = tpu.memref_squeeze %dma_wait3A_61 : memref<1x1x2x128xi32, #tpu.memory_space<hbm>> -> memref<2x128xi32, #tpu.memory_space<hbm>>
    tpu.wait_dma2 semaphore(%arg17 : memref<!tpu.dma_semaphore, #tpu.memory_space<semaphore_mem>>) src(%dma_wait3A_62 : memref<2x128xi32, #tpu.memory_space<hbm>>) dst(%arg8 : memref<2x128xi32, #tpu.memory_space<vmem>>)
    %dma_start3A_63 = arith.constant 0 : i32
    %dma_start3A_64 = arith.constant 0 : i32
    %dma_start3A_65 = tpu.memref_slice %arg8[%dma_start3A_63, %dma_start3A_64] : memref<2x128xi32, #tpu.memory_space<vmem>> -> memref<1x128xi32, #tpu.memory_space<vmem>>
    %dma_start3A_66 = tpu.memref_squeeze %dma_start3A_65 : memref<1x128xi32, #tpu.memory_space<vmem>> -> memref<128xi32, #tpu.memory_space<vmem>>
    %dma_start3A_67 = arith.constant 0 : i32
    %dma_start3A_68 = arith.constant 0 : i32
    %dma_start3A_69 = tpu.memref_slice %arg2[%dma_start3A_67, %dma_start3A_68] : memref<10000x128xf32, #tpu.memory_space<hbm>> -> memref<10000x128xf32, #tpu.memory_space<hbm>>
    tpu.enqueue_indirect_dma source(%dma_start3A_69 : memref<10000x128xf32, #tpu.memory_space<hbm>>) target(%arg10 : memref<128x128xf32, #tpu.memory_space<vmem>>) offsets(%dma_start3A_66 : memref<128xi32, #tpu.memory_space<vmem>>) semaphore(%arg13 : memref<!tpu.dma_semaphore, #tpu.memory_space<semaphore_mem>>)
    %run_scoped3A_70 = arith.constant 1 : i32
    "tpu.region"() ({
      %run_scoped3A_104 = tpu.sem_alloc : memref<!tpu.dma_semaphore, #tpu.memory_space<semaphore_mem>>
      %dma_start3A_105 = arith.constant 0 : i32
      %dma_start3A_106 = tpu.memref_slice %arg7[%run_scoped3A_70, %dma_start3A_105] : memref<2x128xi32, #tpu.memory_space<vmem>> -> memref<1x128xi32, #tpu.memory_space<vmem>>
      %dma_start3A_107 = tpu.memref_squeeze %dma_start3A_106 : memref<1x128xi32, #tpu.memory_space<vmem>> -> memref<128xi32, #tpu.memory_space<vmem>>
      %dma_start3A_108 = arith.constant 0 : i32
      %dma_start3A_109 = arith.constant 0 : i32
      %dma_start3A_110 = tpu.memref_slice %arg12[%dma_start3A_108, %dma_start3A_109] : memref<10240x128xf32, #tpu.memory_space<vmem_shared>> -> memref<10240x128xf32, #tpu.memory_space<vmem_shared>>
      tpu.enqueue_indirect_dma source(%arg11 : memref<128x128xf32, #tpu.memory_space<vmem>>) target(%dma_start3A_110 : memref<10240x128xf32, #tpu.memory_space<vmem_shared>>) offsets(%dma_start3A_107 : memref<128xi32, #tpu.memory_space<vmem>>) semaphore(%run_scoped3A_104 : memref<!tpu.dma_semaphore, #tpu.memory_space<semaphore_mem>>) {add = true}
      %dma_wait3A_111 = arith.constant 0 : i32
      %dma_wait3A_112 = tpu.memref_slice %arg7[%run_scoped3A_70, %dma_wait3A_111] : memref<2x128xi32, #tpu.memory_space<vmem>> -> memref<1x128xi32, #tpu.memory_space<vmem>>
      %dma_wait3A_113 = tpu.memref_squeeze %dma_wait3A_112 : memref<1x128xi32, #tpu.memory_space<vmem>> -> memref<128xi32, #tpu.memory_space<vmem>>
      %dma_wait3A_114 = arith.constant 0 : i32
      %dma_wait3A_115 = arith.constant 0 : i32
      %dma_wait3A_116 = tpu.memref_slice %arg12[%dma_wait3A_114, %dma_wait3A_115] : memref<10240x128xf32, #tpu.memory_space<vmem_shared>> -> memref<10240x128xf32, #tpu.memory_space<vmem_shared>>
      tpu.wait_indirect_dma semaphore(%run_scoped3A_104 : memref<!tpu.dma_semaphore, #tpu.memory_space<semaphore_mem>>) src(%arg11 : memref<128x128xf32, #tpu.memory_space<vmem>>) dst(%dma_wait3A_116 : memref<10240x128xf32, #tpu.memory_space<vmem_shared>>)
      tpu.yield
    }) : () -> ()
    %dma_wait3A_71 = arith.constant 0 : i32
    %dma_wait3A_72 = arith.constant 0 : i32
    %dma_wait3A_73 = arith.constant 0 : i32
    %dma_wait3A_74 = tpu.memref_slice %arg3[%add3A, %dma_wait3A_71, %dma_wait3A_72, %dma_wait3A_73] : memref<32x80x2x128xi32, #tpu.memory_space<hbm>> -> memref<1x1x2x128xi32, #tpu.memory_space<hbm>>
    %dma_wait3A_75 = tpu.memref_squeeze %dma_wait3A_74 : memref<1x1x2x128xi32, #tpu.memory_space<hbm>> -> memref<2x128xi32, #tpu.memory_space<hbm>>
    %dma_wait3A_76 = arith.constant 0 : i32
    %dma_wait3A_77 = arith.constant 0 : i32
    %dma_wait3A_78 = tpu.memref_slice %arg3[%add3A, %dma_wait3A_71, %dma_wait3A_76, %dma_wait3A_77] : memref<32x80x2x128xi32, #tpu.memory_space<hbm>> -> memref<1x1x2x128xi32, #tpu.memory_space<hbm>>
    %dma_wait3A_79 = tpu.memref_squeeze %dma_wait3A_78 : memref<1x1x2x128xi32, #tpu.memory_space<hbm>> -> memref<2x128xi32, #tpu.memory_space<hbm>>
    tpu.wait_dma2 semaphore(%arg18 : memref<!tpu.dma_semaphore, #tpu.memory_space<semaphore_mem>>) src(%dma_wait3A_79 : memref<2x128xi32, #tpu.memory_space<hbm>>) dst(%arg9 : memref<2x128xi32, #tpu.memory_space<vmem>>)
    %dma_start3A_80 = arith.constant 0 : i32
    %dma_start3A_81 = arith.constant 0 : i32
    %dma_start3A_82 = tpu.memref_slice %arg9[%dma_start3A_80, %dma_start3A_81] : memref<2x128xi32, #tpu.memory_space<vmem>> -> memref<1x128xi32, #tpu.memory_space<vmem>>
    %dma_start3A_83 = tpu.memref_squeeze %dma_start3A_82 : memref<1x128xi32, #tpu.memory_space<vmem>> -> memref<128xi32, #tpu.memory_space<vmem>>
    %dma_start3A_84 = arith.constant 0 : i32
    %dma_start3A_85 = arith.constant 0 : i32
    %dma_start3A_86 = tpu.memref_slice %arg2[%dma_start3A_84, %dma_start3A_85] : memref<10000x128xf32, #tpu.memory_space<hbm>> -> memref<10000x128xf32, #tpu.memory_space<hbm>>
    tpu.enqueue_indirect_dma source(%dma_start3A_86 : memref<10000x128xf32, #tpu.memory_space<hbm>>) target(%arg11 : memref<128x128xf32, #tpu.memory_space<vmem>>) offsets(%dma_start3A_83 : memref<128xi32, #tpu.memory_space<vmem>>) semaphore(%arg14 : memref<!tpu.dma_semaphore, #tpu.memory_space<semaphore_mem>>)
    %dma_wait3A_87 = arith.constant 0 : i32
    %dma_wait3A_88 = arith.constant 0 : i32
    %dma_wait3A_89 = tpu.memref_slice %arg8[%dma_wait3A_87, %dma_wait3A_88] : memref<2x128xi32, #tpu.memory_space<vmem>> -> memref<1x128xi32, #tpu.memory_space<vmem>>
    %dma_wait3A_90 = tpu.memref_squeeze %dma_wait3A_89 : memref<1x128xi32, #tpu.memory_space<vmem>> -> memref<128xi32, #tpu.memory_space<vmem>>
    %dma_wait3A_91 = arith.constant 0 : i32
    %dma_wait3A_92 = arith.constant 0 : i32
    %dma_wait3A_93 = tpu.memref_slice %arg2[%dma_wait3A_91, %dma_wait3A_92] : memref<10000x128xf32, #tpu.memory_space<hbm>> -> memref<10000x128xf32, #tpu.memory_space<hbm>>
    tpu.wait_indirect_dma semaphore(%arg13 : memref<!tpu.dma_semaphore, #tpu.memory_space<semaphore_mem>>) src(%dma_wait3A_93 : memref<10000x128xf32, #tpu.memory_space<hbm>>) dst(%arg10 : memref<128x128xf32, #tpu.memory_space<vmem>>)
    %run_scoped3A_94 = arith.constant 1 : i32
    "tpu.region"() ({
      %run_scoped3A_104 = tpu.sem_alloc : memref<!tpu.dma_semaphore, #tpu.memory_space<semaphore_mem>>
      %dma_start3A_105 = arith.constant 0 : i32
      %dma_start3A_106 = tpu.memref_slice %arg8[%run_scoped3A_94, %dma_start3A_105] : memref<2x128xi32, #tpu.memory_space<vmem>> -> memref<1x128xi32, #tpu.memory_space<vmem>>
      %dma_start3A_107 = tpu.memref_squeeze %dma_start3A_106 : memref<1x128xi32, #tpu.memory_space<vmem>> -> memref<128xi32, #tpu.memory_space<vmem>>
      %dma_start3A_108 = arith.constant 0 : i32
      %dma_start3A_109 = arith.constant 0 : i32
      %dma_start3A_110 = tpu.memref_slice %arg12[%dma_start3A_108, %dma_start3A_109] : memref<10240x128xf32, #tpu.memory_space<vmem_shared>> -> memref<10240x128xf32, #tpu.memory_space<vmem_shared>>
      tpu.enqueue_indirect_dma source(%arg10 : memref<128x128xf32, #tpu.memory_space<vmem>>) target(%dma_start3A_110 : memref<10240x128xf32, #tpu.memory_space<vmem_shared>>) offsets(%dma_start3A_107 : memref<128xi32, #tpu.memory_space<vmem>>) semaphore(%run_scoped3A_104 : memref<!tpu.dma_semaphore, #tpu.memory_space<semaphore_mem>>) {add = true}
      %dma_wait3A_111 = arith.constant 0 : i32
      %dma_wait3A_112 = tpu.memref_slice %arg8[%run_scoped3A_94, %dma_wait3A_111] : memref<2x128xi32, #tpu.memory_space<vmem>> -> memref<1x128xi32, #tpu.memory_space<vmem>>
      %dma_wait3A_113 = tpu.memref_squeeze %dma_wait3A_112 : memref<1x128xi32, #tpu.memory_space<vmem>> -> memref<128xi32, #tpu.memory_space<vmem>>
      %dma_wait3A_114 = arith.constant 0 : i32
      %dma_wait3A_115 = arith.constant 0 : i32
      %dma_wait3A_116 = tpu.memref_slice %arg12[%dma_wait3A_114, %dma_wait3A_115] : memref<10240x128xf32, #tpu.memory_space<vmem_shared>> -> memref<10240x128xf32, #tpu.memory_space<vmem_shared>>
      tpu.wait_indirect_dma semaphore(%run_scoped3A_104 : memref<!tpu.dma_semaphore, #tpu.memory_space<semaphore_mem>>) src(%arg10 : memref<128x128xf32, #tpu.memory_space<vmem>>) dst(%dma_wait3A_116 : memref<10240x128xf32, #tpu.memory_space<vmem_shared>>)
      tpu.yield
    }) : () -> ()
    %dma_wait3A_95 = arith.constant 0 : i32
    %dma_wait3A_96 = arith.constant 0 : i32
    %dma_wait3A_97 = tpu.memref_slice %arg9[%dma_wait3A_95, %dma_wait3A_96] : memref<2x128xi32, #tpu.memory_space<vmem>> -> memref<1x128xi32, #tpu.memory_space<vmem>>
    %dma_wait3A_98 = tpu.memref_squeeze %dma_wait3A_97 : memref<1x128xi32, #tpu.memory_space<vmem>> -> memref<128xi32, #tpu.memory_space<vmem>>
    %dma_wait3A_99 = arith.constant 0 : i32
    %dma_wait3A_100 = arith.constant 0 : i32
    %dma_wait3A_101 = tpu.memref_slice %arg2[%dma_wait3A_99, %dma_wait3A_100] : memref<10000x128xf32, #tpu.memory_space<hbm>> -> memref<10000x128xf32, #tpu.memory_space<hbm>>
    tpu.wait_indirect_dma semaphore(%arg14 : memref<!tpu.dma_semaphore, #tpu.memory_space<semaphore_mem>>) src(%dma_wait3A_101 : memref<10000x128xf32, #tpu.memory_space<hbm>>) dst(%arg11 : memref<128x128xf32, #tpu.memory_space<vmem>>)
    %run_scoped3A_102 = arith.constant 1 : i32
    "tpu.region"() ({
      %run_scoped3A_104 = tpu.sem_alloc : memref<!tpu.dma_semaphore, #tpu.memory_space<semaphore_mem>>
      %dma_start3A_105 = arith.constant 0 : i32
      %dma_start3A_106 = tpu.memref_slice %arg9[%run_scoped3A_102, %dma_start3A_105] : memref<2x128xi32, #tpu.memory_space<vmem>> -> memref<1x128xi32, #tpu.memory_space<vmem>>
      %dma_start3A_107 = tpu.memref_squeeze %dma_start3A_106 : memref<1x128xi32, #tpu.memory_space<vmem>> -> memref<128xi32, #tpu.memory_space<vmem>>
      %dma_start3A_108 = arith.constant 0 : i32
      %dma_start3A_109 = arith.constant 0 : i32
      %dma_start3A_110 = tpu.memref_slice %arg12[%dma_start3A_108, %dma_start3A_109] : memref<10240x128xf32, #tpu.memory_space<vmem_shared>> -> memref<10240x128xf32, #tpu.memory_space<vmem_shared>>
      tpu.enqueue_indirect_dma source(%arg11 : memref<128x128xf32, #tpu.memory_space<vmem>>) target(%dma_start3A_110 : memref<10240x128xf32, #tpu.memory_space<vmem_shared>>) offsets(%dma_start3A_107 : memref<128xi32, #tpu.memory_space<vmem>>) semaphore(%run_scoped3A_104 : memref<!tpu.dma_semaphore, #tpu.memory_space<semaphore_mem>>) {add = true}
      %dma_wait3A_111 = arith.constant 0 : i32
      %dma_wait3A_112 = tpu.memref_slice %arg9[%run_scoped3A_102, %dma_wait3A_111] : memref<2x128xi32, #tpu.memory_space<vmem>> -> memref<1x128xi32, #tpu.memory_space<vmem>>
      %dma_wait3A_113 = tpu.memref_squeeze %dma_wait3A_112 : memref<1x128xi32, #tpu.memory_space<vmem>> -> memref<128xi32, #tpu.memory_space<vmem>>
      %dma_wait3A_114 = arith.constant 0 : i32
      %dma_wait3A_115 = arith.constant 0 : i32
      %dma_wait3A_116 = tpu.memref_slice %arg12[%dma_wait3A_114, %dma_wait3A_115] : memref<10240x128xf32, #tpu.memory_space<vmem_shared>> -> memref<10240x128xf32, #tpu.memory_space<vmem_shared>>
      tpu.wait_indirect_dma semaphore(%run_scoped3A_104 : memref<!tpu.dma_semaphore, #tpu.memory_space<semaphore_mem>>) src(%arg11 : memref<128x128xf32, #tpu.memory_space<vmem>>) dst(%dma_wait3A_116 : memref<10240x128xf32, #tpu.memory_space<vmem_shared>>)
      tpu.yield
    }) : () -> ()
    %barrier3A_103 = arith.constant 0 : index
    tpu.barrier barrier_id(%barrier3A_103)
    "tpu.region"() ({
      %run_scoped3A_104 = tpu.sem_alloc : memref<!tpu.dma_semaphore, #tpu.memory_space<semaphore_mem>>
      %dma_start3A_105 = arith.constant 0 : i32
      %dma_start3A_106 = tpu.memref_slice %arg5[%arg0, %mul3A_2, %dma_start3A_105] : memref<2x10240x128xf32, #tpu.memory_space<hbm>> -> memref<1x640x128xf32, #tpu.memory_space<hbm>>
      %dma_start3A_107 = tpu.memref_squeeze %dma_start3A_106 : memref<1x640x128xf32, #tpu.memory_space<hbm>> -> memref<640x128xf32, #tpu.memory_space<hbm>>
      %dma_start3A_108 = arith.constant 0 : i32
      %dma_start3A_109 = tpu.memref_slice %arg12[%mul3A_2, %dma_start3A_108] : memref<10240x128xf32, #tpu.memory_space<vmem_shared>> -> memref<640x128xf32, #tpu.memory_space<vmem_shared>>
      tpu.enqueue_dma source(%dma_start3A_109 : memref<640x128xf32, #tpu.memory_space<vmem_shared>>) target(%dma_start3A_107 : memref<640x128xf32, #tpu.memory_space<hbm>>) target_semaphore(%run_scoped3A_104 : memref<!tpu.dma_semaphore, #tpu.memory_space<semaphore_mem>>)
      %dma_wait3A_110 = arith.constant 0 : i32
      %dma_wait3A_111 = tpu.memref_slice %arg5[%arg0, %mul3A_2, %dma_wait3A_110] : memref<2x10240x128xf32, #tpu.memory_space<hbm>> -> memref<1x640x128xf32, #tpu.memory_space<hbm>>
      %dma_wait3A_112 = tpu.memref_squeeze %dma_wait3A_111 : memref<1x640x128xf32, #tpu.memory_space<hbm>> -> memref<640x128xf32, #tpu.memory_space<hbm>>
      %dma_wait3A_113 = arith.constant 0 : i32
      %dma_wait3A_114 = tpu.memref_slice %arg12[%mul3A_2, %dma_wait3A_113] : memref<10240x128xf32, #tpu.memory_space<vmem_shared>> -> memref<640x128xf32, #tpu.memory_space<vmem_shared>>
      tpu.wait_dma2 semaphore(%run_scoped3A_104 : memref<!tpu.dma_semaphore, #tpu.memory_space<semaphore_mem>>) src(%dma_wait3A_114 : memref<640x128xf32, #tpu.memory_space<vmem_shared>>) dst(%dma_wait3A_112 : memref<640x128xf32, #tpu.memory_space<hbm>>)
      tpu.yield
    }) : () -> ()
    return
  }
}

module attributes {stable_mosaic.version = 14 : i64} {
  func.func @_tc1a_body(%arg0: i32, %arg1: memref<1000x128xf32, #tpu.memory_space<vmem>>, %arg2: memref<128x128xf32, #tpu.memory_space<vmem>>, %arg3: memref<1000x128xf32, #tpu.memory_space<vmem>>) attributes {dimension_semantics = [#tpu.dimension_semantics<arbitrary>], iteration_bounds = array<i64: 10>, scalar_prefetch = 0 : i64, scratch_operands = 0 : i64, tpu.core_type = #tpu.core_type<tc>, window_params = [{transform_indices = @transform_0, window_bounds = array<i64: 1000, 128>}, {pipeline_mode = #tpu.pipeline_mode<synchronous>, transform_indices = @transform_1, window_bounds = array<i64: 128, 128>}, {transform_indices = @transform_2, window_bounds = array<i64: 1000, 128>}]} {
    %get3A = arith.constant 0 : index
    %get3A_0 = arith.constant 0 : index
    %get3A_1 = vector.load %arg1[%get3A, %get3A_0] : memref<1000x128xf32, #tpu.memory_space<vmem>>, vector<1000x128xf32>
    %get3A_2 = arith.constant 0 : index
    %get3A_3 = arith.constant 0 : index
    %get3A_4 = vector.load %arg2[%get3A_2, %get3A_3] : memref<128x128xf32, #tpu.memory_space<vmem>>, vector<128x128xf32>
    %dot_general3A = arith.constant dense<0.000000e+00> : vector<1000x128xf32>
    %dot_general3A_5 = tpu.matmul %get3A_1, %get3A_4, %dot_general3A {dimension_numbers = #tpu.dot_dimension_numbers<[1], [0], [0], [1], [0, 0, 1, 1], [], []>, transpose_lhs_hint = false} : vector<1000x128xf32>, vector<128x128xf32>, vector<1000x128xf32> -> vector<1000x128xf32>
    %swap3A = arith.constant 0 : index
    %swap3A_6 = arith.constant 0 : index
    %swap3A_7 = vector.load %arg3[%swap3A, %swap3A_6] : memref<1000x128xf32, #tpu.memory_space<vmem>>, vector<1000x128xf32>
    tpu.vector_store %arg3[%swap3A, %swap3A_6], %dot_general3A_5 {strides = array<i32>} : memref<1000x128xf32, #tpu.memory_space<vmem>>, vector<1000x128xf32>,
    return
  }
  func.func @transform_0(%arg0: i32) -> (i32, i32) {
    %c0_i32 = arith.constant 0 : i32
    %c0_i32_0 = arith.constant 0 : i32
    return %arg0, %c0_i32 : i32, i32
  }
  func.func @transform_1(%arg0: i32) -> (i32, i32) {
    %c0_i32 = arith.constant 0 : i32
    %c0_i32_0 = arith.constant 0 : i32
    %c0_i32_1 = arith.constant 0 : i32
    return %c0_i32, %c0_i32_0 : i32, i32
  }
  func.func @transform_2(%arg0: i32) -> (i32, i32) {
    %c0_i32 = arith.constant 0 : i32
    %c0_i32_0 = arith.constant 0 : i32
    return %arg0, %c0_i32 : i32, i32
  }
}

module attributes {stable_mosaic.version = 14 : i64} {
  func.func @_tc1b_body(%arg0: i32, %arg1: memref<1000x128xf32, #tpu.memory_space<vmem>>, %arg2: memref<2x1000x1xf32, #tpu.memory_space<vmem>>, %arg3: memref<1000x128xf32, #tpu.memory_space<vmem>>, %arg4: memref<1000x1xf32, #tpu.memory_space<vmem>>) attributes {dimension_semantics = [#tpu.dimension_semantics<arbitrary>], iteration_bounds = array<i64: 10>, scalar_prefetch = 0 : i64, scratch_operands = 0 : i64, tpu.core_type = #tpu.core_type<tc>, window_params = [{transform_indices = @transform_0, window_bounds = array<i64: 1000, 128>}, {transform_indices = @transform_1, window_bounds = array<i64: 2, 1000, 1>}, {transform_indices = @transform_2, window_bounds = array<i64: 1000, 128>}, {transform_indices = @transform_3, window_bounds = array<i64: 1000, 1>}]} {
    %get3A = arith.constant 0 : index
    %get3A_0 = arith.constant 0 : index
    %get3A_1 = arith.constant 0 : index
    %get3A_2 = vector.load %arg2[%get3A, %get3A_0, %get3A_1] : memref<2x1000x1xf32, #tpu.memory_space<vmem>>, vector<1x1000x1xf32>
    %get3A_3 = vector.shape_cast %get3A_2 : vector<1x1000x1xf32> to vector<1000x1xf32>
    %get3A_4 = arith.constant 1 : index
    %get3A_5 = arith.constant 0 : index
    %get3A_6 = arith.constant 0 : index
    %get3A_7 = vector.load %arg2[%get3A_4, %get3A_5, %get3A_6] : memref<2x1000x1xf32, #tpu.memory_space<vmem>>, vector<1x1000x1xf32>
    %get3A_8 = vector.shape_cast %get3A_7 : vector<1x1000x1xf32> to vector<1000x1xf32>
    %add3A = arith.addf %get3A_3, %get3A_8 : vector<1000x1xf32>
    %add3A_9 = arith.constant 1.000000e+00 : f32
    %add3A_10 = vector.broadcast %add3A_9 : f32 to vector<1000x1xf32>
    %add3A_11 = arith.addf %add3A, %add3A_10 : vector<1000x1xf32>
    %rsqrt3A = math.rsqrt %add3A_11 : vector<1000x1xf32>
    %get3A_12 = arith.constant 0 : index
    %get3A_13 = arith.constant 0 : index
    %get3A_14 = vector.load %arg1[%get3A_12, %get3A_13] : memref<1000x128xf32, #tpu.memory_space<vmem>>, vector<1000x128xf32>
    %mul3A = vector.broadcast %rsqrt3A : vector<1000x1xf32> to vector<1000x128xf32>
    %mul3A_15 = arith.mulf %get3A_14, %mul3A : vector<1000x128xf32>
    %swap3A = arith.constant 0 : index
    %swap3A_16 = arith.constant 0 : index
    %swap3A_17 = vector.load %arg3[%swap3A, %swap3A_16] : memref<1000x128xf32, #tpu.memory_space<vmem>>, vector<1000x128xf32>
    tpu.vector_store %arg3[%swap3A, %swap3A_16], %mul3A_15 {strides = array<i32>} : memref<1000x128xf32, #tpu.memory_space<vmem>>, vector<1000x128xf32>,
    %swap3A_18 = arith.constant 0 : index
    %swap3A_19 = arith.constant 0 : index
    %swap3A_20 = vector.load %arg4[%swap3A_18, %swap3A_19] : memref<1000x1xf32, #tpu.memory_space<vmem>>, vector<1000x1xf32>
    tpu.vector_store %arg4[%swap3A_18, %swap3A_19], %rsqrt3A {strides = array<i32>} : memref<1000x1xf32, #tpu.memory_space<vmem>>, vector<1000x1xf32>,
    return
  }
  func.func @transform_0(%arg0: i32) -> (i32, i32) {
    %c0_i32 = arith.constant 0 : i32
    %c0_i32_0 = arith.constant 0 : i32
    return %arg0, %c0_i32 : i32, i32
  }
  func.func @transform_1(%arg0: i32) -> (i32, i32, i32) {
    %c0_i32 = arith.constant 0 : i32
    %c0_i32_0 = arith.constant 0 : i32
    %c0_i32_1 = arith.constant 0 : i32
    return %c0_i32, %arg0, %c0_i32_0 : i32, i32, i32
  }
  func.func @transform_2(%arg0: i32) -> (i32, i32) {
    %c0_i32 = arith.constant 0 : i32
    %c0_i32_0 = arith.constant 0 : i32
    return %arg0, %c0_i32 : i32, i32
  }
  func.func @transform_3(%arg0: i32) -> (i32, i32) {
    %c0_i32 = arith.constant 0 : i32
    %c0_i32_0 = arith.constant 0 : i32
    return %arg0, %c0_i32 : i32, i32
  }
}

module attributes {stable_mosaic.version = 14 : i64} {
  func.func @_tc2_body(%arg0: i32, %arg1: memref<2x1000x128xf32, #tpu.memory_space<vmem>>, %arg2: memref<1000x128xf32, #tpu.memory_space<vmem>>, %arg3: memref<1000x1xf32, #tpu.memory_space<vmem>>, %arg4: memref<1x128xf32, #tpu.memory_space<vmem>>, %arg5: memref<128x128xf32, #tpu.memory_space<vmem>>, %arg6: memref<1000x128xf32, #tpu.memory_space<vmem>>) attributes {dimension_semantics = [#tpu.dimension_semantics<arbitrary>], iteration_bounds = array<i64: 10>, scalar_prefetch = 0 : i64, scratch_operands = 0 : i64, tpu.core_type = #tpu.core_type<tc>, window_params = [{transform_indices = @transform_0, window_bounds = array<i64: 2, 1000, 128>}, {transform_indices = @transform_1, window_bounds = array<i64: 1000, 128>}, {transform_indices = @transform_2, window_bounds = array<i64: 1000, 1>}, {pipeline_mode = #tpu.pipeline_mode<synchronous>, transform_indices = @transform_3, window_bounds = array<i64: 1, 128>}, {pipeline_mode = #tpu.pipeline_mode<synchronous>, transform_indices = @transform_4, window_bounds = array<i64: 128, 128>}, {transform_indices = @transform_5, window_bounds = array<i64: 1000, 128>}]} {
    %get3A = arith.constant 0 : index
    %get3A_0 = arith.constant 0 : index
    %get3A_1 = vector.load %arg3[%get3A, %get3A_0] : memref<1000x1xf32, #tpu.memory_space<vmem>>, vector<1000x1xf32>
    %get3A_2 = arith.constant 0 : index
    %get3A_3 = arith.constant 0 : index
    %get3A_4 = arith.constant 0 : index
    %get3A_5 = vector.load %arg1[%get3A_2, %get3A_3, %get3A_4] : memref<2x1000x128xf32, #tpu.memory_space<vmem>>, vector<1x1000x128xf32>
    %get3A_6 = vector.shape_cast %get3A_5 : vector<1x1000x128xf32> to vector<1000x128xf32>
    %get3A_7 = arith.constant 1 : index
    %get3A_8 = arith.constant 0 : index
    %get3A_9 = arith.constant 0 : index
    %get3A_10 = vector.load %arg1[%get3A_7, %get3A_8, %get3A_9] : memref<2x1000x128xf32, #tpu.memory_space<vmem>>, vector<1x1000x128xf32>
    %get3A_11 = vector.shape_cast %get3A_10 : vector<1x1000x128xf32> to vector<1000x128xf32>
    %add3A = arith.addf %get3A_6, %get3A_11 : vector<1000x128xf32>
    %get3A_12 = arith.constant 0 : index
    %get3A_13 = arith.constant 0 : index
    %get3A_14 = vector.load %arg2[%get3A_12, %get3A_13] : memref<1000x128xf32, #tpu.memory_space<vmem>>, vector<1000x128xf32>
    %add3A_15 = arith.addf %add3A, %get3A_14 : vector<1000x128xf32>
    %mul3A = vector.broadcast %get3A_1 : vector<1000x1xf32> to vector<1000x128xf32>
    %mul3A_16 = arith.mulf %add3A_15, %mul3A : vector<1000x128xf32>
    %get3A_17 = arith.constant 0 : index
    %get3A_18 = arith.constant 0 : index
    %get3A_19 = vector.load %arg4[%get3A_17, %get3A_18] : memref<1x128xf32, #tpu.memory_space<vmem>>, vector<1x128xf32>
    %add3A_20 = vector.broadcast %get3A_19 : vector<1x128xf32> to vector<1000x128xf32>
    %add3A_21 = arith.addf %mul3A_16, %add3A_20 : vector<1000x128xf32>
    %max3A = arith.constant 0.000000e+00 : f32
    %max3A_22 = vector.broadcast %max3A : f32 to vector<1000x128xf32>
    %max3A_23 = arith.maximumf %add3A_21, %max3A_22 : vector<1000x128xf32>
    %get3A_24 = arith.constant 0 : index
    %get3A_25 = arith.constant 0 : index
    %get3A_26 = vector.load %arg5[%get3A_24, %get3A_25] : memref<128x128xf32, #tpu.memory_space<vmem>>, vector<128x128xf32>
    %dot_general3A = arith.constant dense<0.000000e+00> : vector<1000x128xf32>
    %dot_general3A_27 = tpu.matmul %max3A_23, %get3A_26, %dot_general3A {dimension_numbers = #tpu.dot_dimension_numbers<[1], [0], [0], [1], [0, 0, 1, 1], [], []>, transpose_lhs_hint = false} : vector<1000x128xf32>, vector<128x128xf32>, vector<1000x128xf32> -> vector<1000x128xf32>
    %mul3A_28 = vector.broadcast %get3A_1 : vector<1000x1xf32> to vector<1000x128xf32>
    %mul3A_29 = arith.mulf %dot_general3A_27, %mul3A_28 : vector<1000x128xf32>
    %swap3A = arith.constant 0 : index
    %swap3A_30 = arith.constant 0 : index
    %swap3A_31 = vector.load %arg6[%swap3A, %swap3A_30] : memref<1000x128xf32, #tpu.memory_space<vmem>>, vector<1000x128xf32>
    tpu.vector_store %arg6[%swap3A, %swap3A_30], %mul3A_29 {strides = array<i32>} : memref<1000x128xf32, #tpu.memory_space<vmem>>, vector<1000x128xf32>,
    return
  }
  func.func @transform_0(%arg0: i32) -> (i32, i32, i32) {
    %c0_i32 = arith.constant 0 : i32
    %c0_i32_0 = arith.constant 0 : i32
    %c0_i32_1 = arith.constant 0 : i32
    return %c0_i32, %arg0, %c0_i32_0 : i32, i32, i32
  }
  func.func @transform_1(%arg0: i32) -> (i32, i32) {
    %c0_i32 = arith.constant 0 : i32
    %c0_i32_0 = arith.constant 0 : i32
    return %arg0, %c0_i32 : i32, i32
  }
  func.func @transform_2(%arg0: i32) -> (i32, i32) {
    %c0_i32 = arith.constant 0 : i32
    %c0_i32_0 = arith.constant 0 : i32
    return %arg0, %c0_i32 : i32, i32
  }
  func.func @transform_3(%arg0: i32) -> (i32, i32) {
    %c0_i32 = arith.constant 0 : i32
    %c0_i32_0 = arith.constant 0 : i32
    %c0_i32_1 = arith.constant 0 : i32
    return %c0_i32, %c0_i32_0 : i32, i32
  }
  func.func @transform_4(%arg0: i32) -> (i32, i32) {
    %c0_i32 = arith.constant 0 : i32
    %c0_i32_0 = arith.constant 0 : i32
    %c0_i32_1 = arith.constant 0 : i32
    return %c0_i32, %c0_i32_0 : i32, i32
  }
  func.func @transform_5(%arg0: i32) -> (i32, i32) {
    %c0_i32 = arith.constant 0 : i32
    %c0_i32_0 = arith.constant 0 : i32
    return %arg0, %c0_i32 : i32, i32
  }
}

module attributes {stable_mosaic.version = 14 : i64} {
  func.func @_tc3_body(%arg0: i32, %arg1: memref<2x1000x128xf32, #tpu.memory_space<vmem>>, %arg2: memref<1000x128xf32, #tpu.memory_space<vmem>>, %arg3: memref<1000x1xf32, #tpu.memory_space<vmem>>, %arg4: memref<1x128xf32, #tpu.memory_space<vmem>>, %arg5: memref<1x1x1000xi32, #tpu.memory_space<vmem>>, %arg6: memref<128x128xf32, #tpu.memory_space<vmem>>, %arg7: memref<1x128xf32, #tpu.memory_space<vmem>>, %arg8: memref<64x128xf32, #tpu.memory_space<vmem>>, %arg9: memref<64x128xf32, #tpu.memory_space<vmem>>, %arg10: memref<64x1xf32, #tpu.memory_space<vmem>>) attributes {dimension_semantics = [#tpu.dimension_semantics<arbitrary>], iteration_bounds = array<i64: 10>, scalar_prefetch = 0 : i64, scratch_operands = 2 : i64, tpu.core_type = #tpu.core_type<tc>, window_params = [{transform_indices = @transform_0, window_bounds = array<i64: 2, 1000, 128>}, {transform_indices = @transform_1, window_bounds = array<i64: 1000, 128>}, {transform_indices = @transform_2, window_bounds = array<i64: 1000, 1>}, {pipeline_mode = #tpu.pipeline_mode<synchronous>, transform_indices = @transform_3, window_bounds = array<i64: 1, 128>}, {transform_indices = @transform_4, window_bounds = array<i64: 1, 1, 1000>}, {pipeline_mode = #tpu.pipeline_mode<synchronous>, transform_indices = @transform_5, window_bounds = array<i64: 128, 128>}, {pipeline_mode = #tpu.pipeline_mode<synchronous>, transform_indices = @transform_6, window_bounds = array<i64: 1, 128>}, {pipeline_mode = #tpu.pipeline_mode<synchronous>, transform_indices = @transform_7, window_bounds = array<i64: 64, 128>}]} {
    %eq3A = arith.constant 0 : i32
    %eq3A_0 = arith.cmpi eq, %arg0, %eq3A : i32
    %convert_element_type3A = arith.extui %eq3A_0 : i1 to i32
    %cond3A = arith.constant 0 : i32
    %cond3A_1 = arith.cmpi ne, %convert_element_type3A, %cond3A : i32
    scf.if %cond3A_1 {
      %broadcast_in_dim3A_55 = arith.constant 0.000000e+00 : f32
      %broadcast_in_dim3A_56 = vector.broadcast %broadcast_in_dim3A_55 : f32 to vector<64x128xf32>
      %swap3A_57 = arith.constant 0 : index
      %swap3A_58 = arith.constant 0 : index
      %swap3A_59 = vector.load %arg9[%swap3A_57, %swap3A_58] : memref<64x128xf32, #tpu.memory_space<vmem>>, vector<64x128xf32>
      tpu.vector_store %arg9[%swap3A_57, %swap3A_58], %broadcast_in_dim3A_56 {strides = array<i32>} : memref<64x128xf32, #tpu.memory_space<vmem>>, vector<64x128xf32>,
      %broadcast_in_dim3A_60 = arith.constant 0.000000e+00 : f32
      %broadcast_in_dim3A_61 = vector.broadcast %broadcast_in_dim3A_60 : f32 to vector<64x1xf32>
      %swap3A_62 = arith.constant 0 : index
      %swap3A_63 = arith.constant 0 : index
      %swap3A_64 = vector.load %arg10[%swap3A_62, %swap3A_63] : memref<64x1xf32, #tpu.memory_space<vmem>>, vector<64x1xf32>
      tpu.vector_store %arg10[%swap3A_62, %swap3A_63], %broadcast_in_dim3A_61 {strides = array<i32>} : memref<64x1xf32, #tpu.memory_space<vmem>>, vector<64x1xf32>,
    } else {
    }
    %get3A = arith.constant 0 : index
    %get3A_2 = arith.constant 0 : index
    %get3A_3 = vector.load %arg3[%get3A, %get3A_2] : memref<1000x1xf32, #tpu.memory_space<vmem>>, vector<1000x1xf32>
    %get3A_4 = arith.constant 0 : index
    %get3A_5 = arith.constant 0 : index
    %get3A_6 = arith.constant 0 : index
    %get3A_7 = vector.load %arg1[%get3A_4, %get3A_5, %get3A_6] : memref<2x1000x128xf32, #tpu.memory_space<vmem>>, vector<1x1000x128xf32>
    %get3A_8 = vector.shape_cast %get3A_7 : vector<1x1000x128xf32> to vector<1000x128xf32>
    %get3A_9 = arith.constant 1 : index
    %get3A_10 = arith.constant 0 : index
    %get3A_11 = arith.constant 0 : index
    %get3A_12 = vector.load %arg1[%get3A_9, %get3A_10, %get3A_11] : memref<2x1000x128xf32, #tpu.memory_space<vmem>>, vector<1x1000x128xf32>
    %get3A_13 = vector.shape_cast %get3A_12 : vector<1x1000x128xf32> to vector<1000x128xf32>
    %add3A = arith.addf %get3A_8, %get3A_13 : vector<1000x128xf32>
    %get3A_14 = arith.constant 0 : index
    %get3A_15 = arith.constant 0 : index
    %get3A_16 = vector.load %arg2[%get3A_14, %get3A_15] : memref<1000x128xf32, #tpu.memory_space<vmem>>, vector<1000x128xf32>
    %add3A_17 = arith.addf %add3A, %get3A_16 : vector<1000x128xf32>
    %mul3A = vector.broadcast %get3A_3 : vector<1000x1xf32> to vector<1000x128xf32>
    %mul3A_18 = arith.mulf %add3A_17, %mul3A : vector<1000x128xf32>
    %get3A_19 = arith.constant 0 : index
    %get3A_20 = arith.constant 0 : index
    %get3A_21 = vector.load %arg4[%get3A_19, %get3A_20] : memref<1x128xf32, #tpu.memory_space<vmem>>, vector<1x128xf32>
    %add3A_22 = vector.broadcast %get3A_21 : vector<1x128xf32> to vector<1000x128xf32>
    %add3A_23 = arith.addf %mul3A_18, %add3A_22 : vector<1000x128xf32>
    %max3A = arith.constant 0.000000e+00 : f32
    %max3A_24 = vector.broadcast %max3A : f32 to vector<1000x128xf32>
    %max3A_25 = arith.maximumf %add3A_23, %max3A_24 : vector<1000x128xf32>
    %iota3A = tpu.iota {dimensions = array<i32: 0>} : vector<64x1000xi32>
    %get3A_26 = arith.constant 0 : index
    %get3A_27 = arith.constant 0 : index
    %get3A_28 = arith.constant 0 : index
    %get3A_29 = vector.load %arg5[%get3A_26, %get3A_27, %get3A_28] : memref<1x1x1000xi32, #tpu.memory_space<vmem>>, vector<1x1x1000xi32>
    %get3A_30 = vector.shape_cast %get3A_29 : vector<1x1x1000xi32> to vector<1x1000xi32>
    %eq3A_31 = vector.broadcast %get3A_30 : vector<1x1000xi32> to vector<64x1000xi32>
    %eq3A_32 = arith.cmpi eq, %iota3A, %eq3A_31 : vector<64x1000xi32>
    %convert_element_type3A_33 = arith.extui %eq3A_32 : vector<64x1000xi1> to vector<64x1000xi32>
    %convert_element_type3A_34 = arith.sitofp %convert_element_type3A_33 : vector<64x1000xi32> to vector<64x1000xf32>
    %get3A_35 = arith.constant 0 : index
    %get3A_36 = arith.constant 0 : index
    %get3A_37 = vector.load %arg9[%get3A_35, %get3A_36] : memref<64x128xf32, #tpu.memory_space<vmem>>, vector<64x128xf32>
    %dot_general3A = arith.constant dense<0.000000e+00> : vector<64x128xf32>
    %dot_general3A_38 = tpu.matmul %convert_element_type3A_34, %max3A_25, %dot_general3A {dimension_numbers = #tpu.dot_dimension_numbers<[1], [0], [0], [1], [0, 0, 1, 1], [], []>, transpose_lhs_hint = false} : vector<64x1000xf32>, vector<1000x128xf32>, vector<64x128xf32> -> vector<64x128xf32>
    %add3A_39 = arith.addf %get3A_37, %dot_general3A_38 : vector<64x128xf32>
    %swap3A = arith.constant 0 : index
    %swap3A_40 = arith.constant 0 : index
    %swap3A_41 = vector.load %arg9[%swap3A, %swap3A_40] : memref<64x128xf32, #tpu.memory_space<vmem>>, vector<64x128xf32>
    tpu.vector_store %arg9[%swap3A, %swap3A_40], %add3A_39 {strides = array<i32>} : memref<64x128xf32, #tpu.memory_space<vmem>>, vector<64x128xf32>,
    %get3A_42 = arith.constant 0 : index
    %get3A_43 = arith.constant 0 : index
    %get3A_44 = vector.load %arg10[%get3A_42, %get3A_43] : memref<64x1xf32, #tpu.memory_space<vmem>>, vector<64x1xf32>
    %reduce_sum3A = arith.constant dense<0.000000e+00> : vector<64xf32>
    %reduce_sum3A_45 = vector.multi_reduction <add>, %convert_element_type3A_34, %reduce_sum3A [1] : vector<64x1000xf32> to vector<64xf32>
    %broadcast_in_dim3A = vector.shape_cast %reduce_sum3A_45 : vector<64xf32> to vector<64x1xf32>
    %add3A_46 = arith.addf %get3A_44, %broadcast_in_dim3A : vector<64x1xf32>
    %swap3A_47 = arith.constant 0 : index
    %swap3A_48 = arith.constant 0 : index
    %swap3A_49 = vector.load %arg10[%swap3A_47, %swap3A_48] : memref<64x1xf32, #tpu.memory_space<vmem>>, vector<64x1xf32>
    tpu.vector_store %arg10[%swap3A_47, %swap3A_48], %add3A_46 {strides = array<i32>} : memref<64x1xf32, #tpu.memory_space<vmem>>, vector<64x1xf32>,
    %eq3A_50 = arith.constant 9 : i32
    %eq3A_51 = arith.cmpi eq, %arg0, %eq3A_50 : i32
    %convert_element_type3A_52 = arith.extui %eq3A_51 : i1 to i32
    %cond3A_53 = arith.constant 0 : i32
    %cond3A_54 = arith.cmpi ne, %convert_element_type3A_52, %cond3A_53 : i32
    scf.if %cond3A_54 {
      %get3A_55 = arith.constant 0 : index
      %get3A_56 = arith.constant 0 : index
      %get3A_57 = vector.load %arg9[%get3A_55, %get3A_56] : memref<64x128xf32, #tpu.memory_space<vmem>>, vector<64x128xf32>
      %get3A_58 = arith.constant 0 : index
      %get3A_59 = arith.constant 0 : index
      %get3A_60 = vector.load %arg10[%get3A_58, %get3A_59] : memref<64x1xf32, #tpu.memory_space<vmem>>, vector<64x1xf32>
      %max3A_61 = arith.constant 1.000000e+00 : f32
      %max3A_62 = vector.broadcast %max3A_61 : f32 to vector<64x1xf32>
      %max3A_63 = arith.maximumf %get3A_60, %max3A_62 : vector<64x1xf32>
      %div3A = vector.broadcast %max3A_63 : vector<64x1xf32> to vector<64x128xf32>
      %div3A_64 = arith.divf %get3A_57, %div3A : vector<64x128xf32>
      %get3A_65 = arith.constant 0 : index
      %get3A_66 = arith.constant 0 : index
      %get3A_67 = vector.load %arg6[%get3A_65, %get3A_66] : memref<128x128xf32, #tpu.memory_space<vmem>>, vector<128x128xf32>
      %dot_general3A_68 = arith.constant dense<0.000000e+00> : vector<64x128xf32>
      %dot_general3A_69 = tpu.matmul %div3A_64, %get3A_67, %dot_general3A_68 {dimension_numbers = #tpu.dot_dimension_numbers<[1], [0], [0], [1], [0, 0, 1, 1], [], []>, transpose_lhs_hint = false} : vector<64x128xf32>, vector<128x128xf32>, vector<64x128xf32> -> vector<64x128xf32>
      %get3A_70 = arith.constant 0 : index
      %get3A_71 = arith.constant 0 : index
      %get3A_72 = vector.load %arg7[%get3A_70, %get3A_71] : memref<1x128xf32, #tpu.memory_space<vmem>>, vector<1x128xf32>
      %add3A_73 = vector.broadcast %get3A_72 : vector<1x128xf32> to vector<64x128xf32>
      %add3A_74 = arith.addf %dot_general3A_69, %add3A_73 : vector<64x128xf32>
      %iota3A_75 = tpu.iota {dimensions = array<i32: 1>} : vector<64x128xi32>
      %lt3A = arith.constant 10 : i32
      %lt3A_76 = vector.broadcast %lt3A : i32 to vector<64x128xi32>
      %lt3A_77 = arith.cmpi slt, %iota3A_75, %lt3A_76 : vector<64x128xi32>
      %jit3A = arith.constant -1.000000e+30 : f32
      %broadcast_in_dim3A_78 = vector.broadcast %jit3A : f32 to vector<64x128xf32>
      %select_n3A = arith.select %lt3A_77, %add3A_74, %broadcast_in_dim3A_78 : vector<64x128xi1>, vector<64x128xf32>
      %reduce_max3A = arith.constant dense<0xFF800000> : vector<64xf32>
      %reduce_max3A_79 = vector.multi_reduction <maximumf>, %select_n3A, %reduce_max3A [1] : vector<64x128xf32> to vector<64xf32>
      %broadcast_in_dim3A_80 = vector.shape_cast %reduce_max3A_79 : vector<64xf32> to vector<64x1xf32>
      %sub3A = vector.broadcast %broadcast_in_dim3A_80 : vector<64x1xf32> to vector<64x128xf32>
      %sub3A_81 = arith.subf %select_n3A, %sub3A : vector<64x128xf32>
      %exp3A = math.exp %sub3A_81 : vector<64x128xf32>
      %jit3A_82 = arith.constant 0.000000e+00 : f32
      %broadcast_in_dim3A_83 = vector.broadcast %jit3A_82 : f32 to vector<64x128xf32>
      %select_n3A_84 = arith.select %lt3A_77, %exp3A, %broadcast_in_dim3A_83 : vector<64x128xi1>, vector<64x128xf32>
      %reduce_sum3A_85 = arith.constant dense<0.000000e+00> : vector<64xf32>
      %reduce_sum3A_86 = vector.multi_reduction <add>, %select_n3A_84, %reduce_sum3A_85 [1] : vector<64x128xf32> to vector<64xf32>
      %broadcast_in_dim3A_87 = vector.shape_cast %reduce_sum3A_86 : vector<64xf32> to vector<64x1xf32>
      %log3A = math.log %broadcast_in_dim3A_87 : vector<64x1xf32>
      %add3A_88 = arith.addf %log3A, %broadcast_in_dim3A_80 : vector<64x1xf32>
      %sub3A_89 = vector.broadcast %add3A_88 : vector<64x1xf32> to vector<64x128xf32>
      %sub3A_90 = arith.subf %add3A_74, %sub3A_89 : vector<64x128xf32>
      %swap3A_91 = arith.constant 0 : index
      %swap3A_92 = arith.constant 0 : index
      %swap3A_93 = vector.load %arg8[%swap3A_91, %swap3A_92] : memref<64x128xf32, #tpu.memory_space<vmem>>, vector<64x128xf32>
      tpu.vector_store %arg8[%swap3A_91, %swap3A_92], %sub3A_90 {strides = array<i32>} : memref<64x128xf32, #tpu.memory_space<vmem>>, vector<64x128xf32>,
    } else {
    }
    return
  }
  func.func @transform_0(%arg0: i32) -> (i32, i32, i32) {
    %c0_i32 = arith.constant 0 : i32
    %c0_i32_0 = arith.constant 0 : i32
    %c0_i32_1 = arith.constant 0 : i32
    return %c0_i32, %arg0, %c0_i32_0 : i32, i32, i32
  }
  func.func @transform_1(%arg0: i32) -> (i32, i32) {
    %c0_i32 = arith.constant 0 : i32
    %c0_i32_0 = arith.constant 0 : i32
    return %arg0, %c0_i32 : i32, i32
  }
  func.func @transform_2(%arg0: i32) -> (i32, i32) {
    %c0_i32 = arith.constant 0 : i32
    %c0_i32_0 = arith.constant 0 : i32
    return %arg0, %c0_i32 : i32, i32
  }
  func.func @transform_3(%arg0: i32) -> (i32, i32) {
    %c0_i32 = arith.constant 0 : i32
    %c0_i32_0 = arith.constant 0 : i32
    %c0_i32_1 = arith.constant 0 : i32
    return %c0_i32, %c0_i32_0 : i32, i32
  }
  func.func @transform_4(%arg0: i32) -> (i32, i32, i32) {
    %c0_i32 = arith.constant 0 : i32
    %c0_i32_0 = arith.constant 0 : i32
    %c0_i32_1 = arith.constant 0 : i32
    return %arg0, %c0_i32, %c0_i32_0 : i32, i32, i32
  }
  func.func @transform_5(%arg0: i32) -> (i32, i32) {
    %c0_i32 = arith.constant 0 : i32
    %c0_i32_0 = arith.constant 0 : i32
    %c0_i32_1 = arith.constant 0 : i32
    return %c0_i32, %c0_i32_0 : i32, i32
  }
  func.func @transform_6(%arg0: i32) -> (i32, i32) {
    %c0_i32 = arith.constant 0 : i32
    %c0_i32_0 = arith.constant 0 : i32
    %c0_i32_1 = arith.constant 0 : i32
    return %c0_i32, %c0_i32_0 : i32, i32
  }
  func.func @transform_7(%arg0: i32) -> (i32, i32) {
    %c0_i32 = arith.constant 0 : i32
    %c0_i32_0 = arith.constant 0 : i32
    %c0_i32_1 = arith.constant 0 : i32
    return %c0_i32, %c0_i32_0 : i32, i32
  }
}

</mosaic_0001>

<sc_bundles>
// kernel: _run.12.cloned.1.call-start
scs
__scs_entry_jumppad:
0x0: {  	(pc) =	sbr.rel $0x88, $3  }
0x1: {  	(tag) =	ssettag $0x0;
	lr =	simm.s32 $0x1  }
0x2: {  	[smem:$0x3F97] =	sst lr;
	_ =	strace $0xD0000000  }
0x3: {  	_ = 	snop  }
0x4: {  	_ = 	snop  }
0x5: {  	_ = 	snop  }
0x6: {  	_ = 	snop  }
0x7: {  	_ = 	snop  }
__scs_overlays_trampoline_lowered:
0x8: {  	[smem:$0x3FA6] =	sst s0  }
0x9: {  	[smem:$0x3FA7] =	sst s1  }
0xa: {  	[smem:$0x3FA8] =	sst s2  }
0xb: {  	[smem:$0x3FA9] =	sst s3  }
0xc: {  	[smem:$0x3FAA] =	sst s4  }
0xd: {  	[smem:$0x3FAB] =	sst s5  }
0xe: {  	[smem:$0x3FAC] =	sst s6  }
0xf: {  	[smem:$0x3FAD] =	sst s7  }
0x10: {  	[smem:$0x3FAE] =	sst s8  }
0x11: {  	[smem:$0x3FAF] =	sst s9;
	s0 =	simm.s32 @!p0 $0x0  }
0x12: {  	s1 =	sld [smem:$0x3F95];
	s0 =	simm.s32 @p0 $0x1  }
0x13: {  	[smem:$0x3FB0] =	sst s0;
	s0 =	simm.s32 @!p1 $0x0  }
0x14: {  	s2 =	sld [smem:$0x3F94];
	s0 =	simm.s32 @p1 $0x1  }
0x15: {  	[smem:$0x3FB1] =	sst s0;
	s0 =	simm.s32 @!p2 $0x0  }
0x16: {  	s3 =	sld [smem:$0x3FDB];
	s0 =	simm.s32 @p2 $0x1  }
0x17: {  	s4 =	simm.s32 $0x1BF5;
	[smem:$0x3FB3] =	sst s0  }
0x18: {  	s0 =	sld [smem:$0x3F96];
	_ =	swait.ge [sflag:s4], $0x0  }
0x19: {  	s7 =	sld [smem:$0x3F97]  }
0x1a: {  	s8 =	sadd.s32 $0xFFFFE003, lr  }
0x1b: {  	s9 =	sadd.s32 $0xFFFFFEF7, lr;
	s5 =	simm.s32 $0xFFFFFFFF;
	p2 =	slt.u32 s8, $0xFFFFF086  }
0x1c: {  	p1 =	slt.u32 s9, $0xF7A;
	s5 =	simm.s32 @!p2 $0x0  }
0x1d: {  	s5 =	simm.s32 @p1 $0x1;
	p0 =	seq.s32 s7, s2  }
0x1e: {  	s7 =	smul.u32 @!p0 $0xF7A, s2;
	p2 =	seq.s32 @!p0 s5, $0x0  }
0x1f: {  	s9 =	smul.u32 $0xF7A, s1;
	s8 =	simm.s32 @!p0 $0x1BF5;
	p2 =	por !p2, p0  }
0x20: {  	[sflag:s8] =	ssyncset.s32 @!p0 $0xFFFFF086;
	s6 =	sadd.s32 @!p0 s3, s7;
	s7 =	simm.s32 @!p0 $0x108  }
0x21: {  	s3 =	sadd.s32 s3, s9;
	s6 =	sadd.s32 @!p0 $0x88, s6;
	s7 =	simm.s32 @p2 $0x1082  }
0x22: {  	[simem:s7], [sflag:s8] =	dma.local @!p0 [hbm:s6], $0xF7A  }
0x23: {  	s9 =	sor.u32 $0xD0000000, s2;
	s6 =	simm.s32 $0x108;
	_ =	swait.ge @!p0 [sflag:s8], $0x0  }
0x24: {  	s3 =	sadd.s32 $0x88, s3;
	s6 =	simm.s32 @!p1 $0x1082;
	[sflag:s4] =	ssyncset.s32 $0xFFFFF086  }
0x25: {  	[simem:s6], [sflag:s4] =	dma.local [hbm:s3], $0xF7A  }
0x26: {  	[smem:$0x3F97] =	sst s1;
	(tag) =	ssettag s2;
	_ =	strace s9  }
0x27: {  	s1 =	sld [smem:$0x3FA7]  }
0x28: {  	s2 =	sld [smem:$0x3FA8]  }
0x29: {  	s4 =	sld [smem:$0x3FAA]  }
0x2a: {  	p0 =	seq.s32 s5, $0x0;
	s5 =	sld [smem:$0x3FAB]  }
0x2b: {  	s6 =	sld [smem:$0x3FAC]  }
0x2c: {  	s7 =	sld [smem:$0x3FAD]  }
0x2d: {  	s3 =	simm.s32 $0x108;
	s8 =	sld [smem:$0x3FAE]  }
0x2e: {  	s3 =	simm.s32 @!p0 $0x1082;
	s9 =	sld [smem:$0x3FAF]  }
0x2f: {  	lr =	sadd.s32 s0, s3;
	s0 =	sld [smem:$0x3FA6]  }
0x30: {  	s3 =	sld [smem:$0x3FA9]  }
0x31: {  	[smem:$0x3FB2] =	sst s10  }
0x32: {  	s10 =	sld [smem:$0x3FB0];
	_ =	sdelay $0x3  }
0x33: {  	p0 =	seq.s32 s10, $0x1;
	s10 =	sld [smem:$0x3FB2];
	_ =	sdelay $0x3  }
0x34: {  	[smem:$0x3FB2] =	sst s10  }
0x35: {  	s10 =	sld [smem:$0x3FB1];
	_ =	sdelay $0x3  }
0x36: {  	p1 =	seq.s32 s10, $0x1;
	s10 =	sld [smem:$0x3FB2];
	_ =	sdelay $0x3  }
0x37: {  	[smem:$0x3FB2] =	sst s10  }
0x38: {  	s10 =	sld [smem:$0x3FB3]  }
0x39: {  	_ = 	snop;
	(pc) =	sbr.ind lr, $3  }
0x3a: {  	_ = 	snop  }
0x3b: {  	_ = 	snop  }
0x3c: {  	p2 =	seq.s32 s10, $0x1;
	s10 =	sld [smem:$0x3FB2]  }
0x3d: {  	_ =	shalt  }
0x3e: {  	_ =	shalt  }
0x3f: {  	_ =	shalt  }
0x40: {  	_ =	shalt  }
0x41: {  	_ =	shalt  }
0x42: {  	_ =	shalt  }
0x43: {  	_ =	shalt  }
0x44: {  	_ =	shalt  }
0x45: {  	_ =	shalt  }
0x46: {  	_ =	shalt  }
0x47: {  	_ =	shalt  }
0x48: {  	_ =	shalt  }
0x49: {  	_ =	shalt  }
0x4a: {  	_ =	shalt  }
0x4b: {  	_ =	shalt  }
0x4c: {  	_ =	shalt  }
0x4d: {  	_ =	shalt  }
0x4e: {  	_ =	shalt  }
0x4f: {  	_ =	shalt  }
0x50: {  	_ =	shalt  }
0x51: {  	_ =	shalt  }
0x52: {  	_ =	shalt  }
0x53: {  	_ =	shalt  }
0x54: {  	_ =	shalt  }
0x55: {  	_ =	shalt  }
0x56: {  	_ =	shalt  }
0x57: {  	_ =	shalt  }
0x58: {  	_ =	shalt  }
0x59: {  	_ =	shalt  }
0x5a: {  	_ =	shalt  }
0x5b: {  	_ =	shalt  }
0x5c: {  	_ =	shalt  }
0x5d: {  	_ =	shalt  }
0x5e: {  	_ =	shalt  }
0x5f: {  	_ =	shalt  }
0x60: {  	_ =	shalt  }
0x61: {  	_ =	shalt  }
0x62: {  	_ =	shalt  }
0x63: {  	_ =	shalt  }
0x64: {  	_ =	shalt  }
0x65: {  	_ =	shalt  }
0x66: {  	_ =	shalt  }
0x67: {  	_ =	shalt  }
0x68: {  	_ =	shalt  }
0x69: {  	_ =	shalt  }
0x6a: {  	_ =	shalt  }
0x6b: {  	_ =	shalt  }
0x6c: {  	_ =	shalt  }
0x6d: {  	_ =	shalt  }
0x6e: {  	_ =	shalt  }
0x6f: {  	_ =	shalt  }
0x70: {  	_ =	shalt  }
0x71: {  	_ =	shalt  }
0x72: {  	_ =	shalt  }
0x73: {  	_ =	shalt  }
0x74: {  	_ =	shalt  }
0x75: {  	_ =	shalt  }
0x76: {  	_ =	shalt  }
0x77: {  	_ =	shalt  }
0x78: {  	_ =	shalt  }
0x79: {  	_ =	shalt  }
0x7a: {  	_ =	shalt  }
0x7b: {  	_ =	shalt  }
0x7c: {  	_ =	shalt  }
0x7d: {  	_ =	shalt  }
0x7e: {  	_ =	shalt  }
0x7f: {  	_ =	shalt  }
0x80: {  	_ =	shalt  }
0x81: {  	_ =	shalt  }
0x82: {  	_ =	shalt  }
0x83: {  	_ =	shalt  }
0x84: {  	_ =	shalt  }
0x85: {  	_ =	shalt  }
0x86: {  	_ =	shalt  }
0x87: {  	_ =	shalt  }
.Lfunc_end0:
.L_simem_size_0:
called_computation.1_lowered:
.L_overlay_start_0:
0x88: {  	s2 =	sld [smem:$0x3FD9]  }
0x89: {  	s3 =	sld [smem:$0x3FFE];
	_ =	sdelay $0x1  }
0x8a: {  	s1 =	srdreg.scid  }
0x8b: {  	s0 =	sand.u32 $0x1, s1  }
0x8c: {  	s16 =	sshll.u32 s0, $0xA;
	s2 =	sadd.s32 s3, s2  }
0x8d: {  	s2 =	sadd.s32 s2, s16  }
0x8e: {  	[smem:$0x3FBE] =	sst s2  }
0x8f: {  	_ = 	snop  }
0x90: {  	(tm) =	ssettm $0x1  }
0x91: {  	s17 =	sld [smem:$0x3FFB];
	_ =	sdelay $0x3  }
0x92: {  	_ =	strace s17  }
0x93: {  	s2 =	sld [smem:$0x3FFC];
	_ =	sdelay $0x3  }
0x94: {  	_ =	strace s2  }
0x95: {  	s2 =	sld [smem:$0x3FFD];
	_ =	sdelay $0x3  }
0x96: {  	_ =	strace s2  }
0x97: {  	_ =	strace $0x8FFFFFFF  }
0x98: {  	s18 =	sld [smem:$0x3FDB];
	_ =	sdelay $0x1  }
0x99: {  	s19 =	simm.s32 $_scs_section_size  }
0x9a: {  	s4 =	simm.s32 $_size__tile_overlayer_lowered;
	s5 =	simm.s32 $_tile_overlayer_lowered  }
0x9b: {  	s22 =	simm.s32 $0x1BFF;
	s21 =	sshll.u32 s5, $0x1;
	s2 =	sadd.s32 s19, s18  }
0x9c: {  	s6 =	simm.s32 $0x0;
	s20 =	sshll.u32 s4, $0x1;
	s4 =	sadd.s32 s21, s2  }
0x9d: {  	[timem:s6], [sflag:s22] =	dma.local [hbm:s4], s20  }
0x9e: {  	_ =	swait.ge [sflag:s22], s20  }
0x9f: {  	s3 =	ssub.s32 $0x0, s20;
	[sflag:s22] =	ssyncset.done $0x0  }
0xa0: {  	[sflag:s22] =	ssyncadd.s32 s3;
	_ =	sdelay $0x1  }
0xa1: {  	s23 =	simm.s32 $0x1B8B  }
0xa2: {  	_ =	swait.ge [sflag:s23], $0x1  }
0xa3: {  	[sflag:s23] =	ssyncset.done $0x0  }
0xa4: {  	s25 =	simm.s32 $0x1B8E;
	s24 =	sld [smem:$0x3FFE];
	[sflag:s23] =	ssyncadd.s32 $0xFFFFFFFF  }
0xa5: {  	s26 =	simm.s32 $execute0_lowered;
	[smem:$0x3FD2] =	sst s25  }
0xa6: {  	s4 =	sshll.u32 s26, $0x1;
	_ =	strace $0x80000049;
	[dreg:$0x1] =	wrdreg $0xFFFFFFFF  }
0xa7: {  	s28 =	simm.s32 $_size_execute0_lowered;
	s2 =	sadd.s32 s2, s4;
	[dreg:$0x0] =	wrdreg $0x0  }
0xa8: {  	s4 =	sshll.u32 s28, $0x1;
	[dreg:$0x2] =	wrdreg s2  }
0xa9: {  	[dreg:$0x3] =	wrdreg s4  }
0xaa: {  	[dreg:$0x4] =	wrdreg $0xC0  }
0xab: {  	_ =	task [dreg:s6], $0x5FFFF  }
0xac: {  	[dreg:$0x1] =	wrdreg $0xFFFFFFFF  }
0xad: {  	[dreg:$0x0] =	wrdreg $0x60  }
0xae: {  	[dreg:$0x2] =	wrdreg s24  }
0xaf: {  	[dreg:$0x3] =	wrdreg $0x84000  }
0xb0: {  	[dreg:$0x4] =	wrdreg $0x9  }
0xb1: {  	_ =	task.clear_ibuf [dreg:s6], $0x5FFFF;
	_ =	strace $0x90000049  }
0xb2: {  	s29 =	simm.s32 $0x9;
	_ =	strace $0x8000004B  }
0xb3: {  	_ =	swait.ge [sflag:s29], $0x1  }
0xb4: {  	[sflag:s29] =	ssyncadd.s32 $0xFFFFFFFF  }
0xb5: {  	_ =	strace $0x9000004B  }
0xb6: {  	_ =	sfence  }
0xb7: {  	s30 =	sld [smem:$0x0];
	_ =	sdelay $0x2  }
0xb8: {  	s31 =	sshll.u32 s1, $0xD;
	s1 =	sshrl.u32 s1, $0x2  }
0xb9: {  	s3 =	sand.u32 $0x4000, s31;
	s1 =	sadd.s32 s1, s30  }
0xba: {  	s0 =	sor.u32 s3, s0;
	s1 =	sshll.u32 s1, $0x11  }
0xbb: {  	s0 =	sor.u32 s1, s0  }
0xbc: {  	s0 =	sadd.s32 $0x8F2B, s0  }
0xbd: {  	[sflag:s0] =	ssyncadd.remote.s32 $0x1  }
0xbe: {  	_ =	sfence.sel $0xFFFF  }
0xbf: {  	[dreg:$0x0] =	wrdreg $0xFFFFFFFF;
	(pc) =	sbr.abs _section_cstart, $3  }
0xc0: {  	[dreg:$0x1] =	wrdreg $0xFFFFFFFF  }
0xc1: {  	_ =	task.clear_ibuf [dreg:s6], $0x2FFFF;
	_ =	strace $0x9FFFFFFF  }
0xc2: {  	(tm) =	ssettm $0x7FFFFFFF  }
0xc3: {  	_ =	shalt  }
tec
execute0_lowered:
.L_overlay_start_1:
0x0: {  	(tag) =	ssettag $0x1  }
0x1: {  	s0 =	rddreg [dreg:$0x0]  }
0x2: {  	s2 =	rddreg [dreg:$0x1]  }
0x3: {  	s3 =	simm.s32 $0x0;
	s12 =	stileid.u32;
	s4 =	srdreg.scid  }
0x4: {  	s28 =	simm.s32 $0x5;
	s29 =	simm.s32 $0x180;
	s30 =	simm.s32 $0x6  }
0x5: {  	s31 =	simm.s32 $0x280;
	[smem:$0x7FF] =	sst s3;
	s1 =	smul.u32 $0x14000, s12  }
0x6: {  	s5 =	sand.u32 $0x1, s4;
	s4 =	sadd.s32 $0x21800, s0;
	s16 =	smul.u32 $0x50000, s12  }
0x7: {  	s8 =	sadd.s32 $0xD800, s0;
	s9 =	sshll.u32 s12, $0x1;
	s11 =	smul.u32 $0xA000, s12  }
0x8: {  	s20 =	sshll.u32 s12, $0x6;
	_ =	strace $0x8000004A;
	s7 =	smul.u32 $0x140000, s5  }
0x9: {  	s9 =	sor.u32 s5, s9;
	s10 =	ssub.s32 $0x2, s5;
	s5 =	smul.u32 $0x5000, s5  }
0xa: {  	s6 =	sshrl.u32 s1, $0x3;
	s9 =	smul.u32 $0x5000, s9;
	s17 =	sshrl.u32 s10, $0x1  }
0xb: {  	s6 =	sadd.s32 s6, s0;
	s1 =	sadd.s32 s1, s7;
	s7 =	sshrl.u32 s16, $0x2  }
0xc: {  	s5 =	sadd.s32 s5, s11;
	s1 =	sshrl.u32 s1, $0x3;
	s18 =	sadd.s32 s7, s2  }
0xd: {  	s6 =	sadd.s32 $0x48A00, s6;
	s19 =	sshrl.u32 s9, $0x3;
	s7 =	sor.u32 $0x1C07, s20  }
0xe: {  	s22 =	sor.u32 $0x700, s5;
	s25 =	sor.u32 $0x600, s5;
	s26 =	sor.u32 $0x500, s5  }
0xf: {  	s5 =	sor.u32 $0x400, s5;
	s20 =	simm.s32 $0x200;
	s0 =	sadd.s32 s1, s0  }
0x10: {  	s1 =	ssub.s32 s10, s17;
	[dreg:$0x3] =	wrdreg s6;
	s6 =	sadd.s32 s8, s19  }
0x11: {  	s9 =	sshrl.u32 s22, $0x3;
	s5 =	sshrl.u32 s5, $0x3;
	s17 =	sshrl.u32 s18, $0x3  }
0x12: {  	s18 =	simm.s32 $0x7;
	s19 =	simm.s32 $0x100;
	s22 =	simm.s32 $0x80  }
0x13: {  	s21 =	sadd.s32 $0x20, s6;
	s23 =	sadd.s32 $0x40, s6;
	s24 =	sadd.s32 $0x60, s6  }
0x14: {  	s0 =	sadd.s32 $0x70A00, s0;
	s12 =	smax.u32 s1, $0x1;
	[dreg:$0x4] =	wrdreg s21  }
0x15: {  	s13 =	sadd.s32 s9, s8;
	s1 =	sshrl.u32 s26, $0x3;
	[dreg:$0x5] =	wrdreg s23  }
0x16: {  	s16 =	sadd.s32 s5, s8;
	s26 =	simm.s32 $0x2;
	[dreg:$0x6] =	wrdreg s24  }
0x17: {  	s5 =	simm.s32 $0x4;
	[dreg:$0x7] =	wrdreg s0;
	s0 =	sshrl.u32 s25, $0x3  }
0x18: {  	s15 =	sadd.s32 s1, s8;
	s21 =	simm.s32 $0x300;
	s23 =	simm.s32 $0x400  }
0x19: {  	s24 =	simm.s32 $0x4400;
	s25 =	simm.s32 $0x1;
	s1 =	simm.s32 $0x380  }
0x1a: {  	s14 =	sadd.s32 s0, s8;
	s0 =	simm.s32 $0x3;
	s8 =	simm.s32 $0x0  }
.LBB2_1:
0x1b: {  	s9 =	rddreg [dreg:$0x3]  }
0x1c: {  	[spmem:s17], [sflag:s7] =	dma.local [hbm:s9], $0x2800  }
0x1d: {  	_ =	swait.ge [sflag:s18], $0x2800  }
0x1e: {  	[sflag:s18] =	ssyncset.done $0x0  }
0x1f: {  	[sflag:s18] =	ssyncadd.s32 $0xFFFFD800  }
0x20: {  	[tilespmem:s3], [sflag:$0x7] =	stream.linear.gather [hbm4b:s6+s3], $0x100, $0x38;
	[tilespmem:$0x1C400] =	vst v63  }
0x21: {  	_ =	swait.ge [sflag:s18], $0x100  }
0x22: {  	[sflag:s18] =	ssyncset.done $0x0  }
0x23: {  	s11 =	rddreg [dreg:$0x4];
	[sflag:s18] =	ssyncadd.s32 $0xFFFFFF00  }
0x24: {  	[tilespmem:s19], [sflag:$0x7] =	stream.linear.gather [hbm4b:s11+s3], $0x100, $0x38;
	[tilespmem:$0x1C400] =	vst v63  }
0x25: {  	_ =	swait.ge [sflag:s18], $0x100  }
0x26: {  	[sflag:s18] =	ssyncset.done $0x0  }
0x27: {  	s10 =	rddreg [dreg:$0x5];
	[sflag:s18] =	ssyncadd.s32 $0xFFFFFF00  }
0x28: {  	[tilespmem:s20], [sflag:$0x5] =	stream.linear.gather [hbm4b:s10+s3], $0x100, $0x38;
	[tilespmem:$0x1C400] =	vst v63  }
0x29: {  	s11 =	rddreg [dreg:$0x6]  }
0x2a: {  	[tilespmem:s21], [sflag:$0x6] =	stream.linear.gather [hbm4b:s11+s3], $0x100, $0x38;
	[tilespmem:$0x1C400] =	vst v63  }
0x2b: {  	_ = 	snop  }
0x2c: {  	[tilespmem:s23], [sflag:$0x1] =	stream.indirect.gather [hbm4b:s4+s22], $0x80, s3, s22, $0xb8;
	[tilespmem:$0x1C400] =	vst v63  }
0x2d: {  	[bflag:$0x0] =	sbarrier.arrive $0xFFFF  }
0x2e: {  	[tilespmem:s24], [sflag:$0x2] =	stream.indirect.gather [hbm4b:s4+s22], $0x80, s19, s22, $0xb8;
	[tilespmem:$0x1C400] =	vst v63  }
0x2f: {  	_ =	swait.ge [sflag:s25], $0x4000  }
0x30: {  	[sflag:s25] =	ssyncset.done $0x0  }
0x31: {  	[sflag:s25] =	ssyncadd.s32 $0xFFFFC000  }
0x32: {  	[spmem:s2] =	stream.indirect.scatter.add.f32 [tilespmem:s23], [sflag:$0x7], $0x80, s22, s22, $0xb8;
	[tilespmem:$0x1C400] =	vst v63  }
0x33: {  	_ =	swait.ge [sflag:s18], $0x4000  }
0x34: {  	[sflag:s18] =	ssyncset.done $0x0  }
0x35: {  	s10 =	sadd.s32 $0x0, s16;
	[sflag:s18] =	ssyncadd.s32 $0xFFFFC000  }
0x36: {  	[tilespmem:s3], [sflag:$0x3] =	stream.linear.gather [hbm4b:s10+s3], $0x100, $0x38;
	[tilespmem:$0x1C400] =	vst v63  }
0x37: {  	_ =	swait.ge [sflag:s26], $0x4000  }
0x38: {  	[sflag:s26] =	ssyncset.done $0x0  }
0x39: {  	[sflag:s26] =	ssyncadd.s32 $0xFFFFC000  }
0x3a: {  	_ =	swait.ge [sflag:s28], $0x100  }
0x3b: {  	[sflag:s28] =	ssyncset.done $0x0  }
0x3c: {  	[sflag:s28] =	ssyncadd.s32 $0xFFFFFF00  }
0x3d: {  	[tilespmem:s23], [sflag:$0x1] =	stream.indirect.gather [hbm4b:s4+s22], $0x80, s20, s22, $0xb8;
	[tilespmem:$0x1C400] =	vst v63  }
0x3e: {  	_ = 	snop  }
0x3f: {  	[spmem:s2] =	stream.indirect.scatter.add.f32 [tilespmem:s24], [sflag:$0x7], $0x80, s29, s22, $0xb8;
	[tilespmem:$0x1C400] =	vst v63  }
0x40: {  	_ =	swait.ge [sflag:s18], $0x4000  }
0x41: {  	[sflag:s18] =	ssyncset.done $0x0  }
0x42: {  	s11 =	sadd.s32 $0x0, s15;
	[sflag:s18] =	ssyncadd.s32 $0xFFFFC000  }
0x43: {  	[tilespmem:s19], [sflag:$0x4] =	stream.linear.gather [hbm4b:s11+s3], $0x100, $0x38;
	[tilespmem:$0x1C400] =	vst v63  }
0x44: {  	_ =	swait.ge [sflag:s30], $0x100  }
0x45: {  	[sflag:s30] =	ssyncset.done $0x0  }
0x46: {  	[sflag:s30] =	ssyncadd.s32 $0xFFFFFF00  }
0x47: {  	[tilespmem:s24], [sflag:$0x2] =	stream.indirect.gather [hbm4b:s4+s22], $0x80, s21, s22, $0xb8;
	[tilespmem:$0x1C400] =	vst v63  }
0x48: {  	_ =	swait.ge [sflag:s25], $0x4000  }
0x49: {  	[sflag:s25] =	ssyncset.done $0x0  }
0x4a: {  	[sflag:s25] =	ssyncadd.s32 $0xFFFFC000  }
0x4b: {  	[spmem:s2] =	stream.indirect.scatter.add.f32 [tilespmem:s23], [sflag:$0x7], $0x80, s31, s22, $0xb8;
	[tilespmem:$0x1C400] =	vst v63  }
0x4c: {  	_ =	swait.ge [sflag:s18], $0x4000  }
0x4d: {  	[sflag:s18] =	ssyncset.done $0x0  }
0x4e: {  	s10 =	sadd.s32 $0x0, s14;
	[sflag:s18] =	ssyncadd.s32 $0xFFFFC000  }
0x4f: {  	[tilespmem:s20], [sflag:$0x5] =	stream.linear.gather [hbm4b:s10+s3], $0x100, $0x38;
	[tilespmem:$0x1C400] =	vst v63  }
0x50: {  	_ =	swait.ge [sflag:s26], $0x4000  }
0x51: {  	[sflag:s26] =	ssyncset.done $0x0  }
0x52: {  	[sflag:s26] =	ssyncadd.s32 $0xFFFFC000  }
0x53: {  	_ =	swait.ge [sflag:s0], $0x100  }
0x54: {  	[sflag:s0] =	ssyncset.done $0x0  }
0x55: {  	[sflag:s0] =	ssyncadd.s32 $0xFFFFFF00  }
0x56: {  	[tilespmem:s23], [sflag:$0x1] =	stream.indirect.gather [hbm4b:s4+s22], $0x80, s3, s22, $0xb8;
	[tilespmem:$0x1C400] =	vst v63  }
0x57: {  	_ = 	snop  }
0x58: {  	[spmem:s2] =	stream.indirect.scatter.add.f32 [tilespmem:s24], [sflag:$0x7], $0x80, s1, s22, $0xb8;
	[tilespmem:$0x1C400] =	vst v63  }
0x59: {  	_ =	swait.ge [sflag:s18], $0x4000  }
0x5a: {  	[sflag:s18] =	ssyncset.done $0x0  }
0x5b: {  	s11 =	sadd.s32 $0x0, s13;
	[sflag:s18] =	ssyncadd.s32 $0xFFFFC000  }
0x5c: {  	[tilespmem:s21], [sflag:$0x6] =	stream.linear.gather [hbm4b:s11+s3], $0x100, $0x38;
	[tilespmem:$0x1C400] =	vst v63  }
0x5d: {  	_ =	swait.ge [sflag:s5], $0x100  }
0x5e: {  	[sflag:s5] =	ssyncset.done $0x0  }
0x5f: {  	s9 =	simm.s32 $0x80;
	[sflag:s5] =	ssyncadd.s32 $0xFFFFFF00  }
.LBB2_2:
0x60: {  	[tilespmem:s24], [sflag:$0x2] =	stream.indirect.gather [hbm4b:s4+s22], $0x80, s19, s22, $0xb8;
	[tilespmem:$0x1C400] =	vst v63  }
0x61: {  	s10 =	smov.u32 s9  }
0x62: {  	p0 =	sne.s32 s9, $0x900;
	s9 =	sadd.s32 $0x80, s9;
	_ =	swait.ge [sflag:s25], $0x4000  }
0x63: {  	[sflag:s25] =	ssyncset.done $0x0  }
0x64: {  	[sflag:s25] =	ssyncadd.s32 $0xFFFFC000  }
0x65: {  	[spmem:s2] =	stream.indirect.scatter.add.f32 [tilespmem:s23], [sflag:$0x7], $0x80, s22, s22, $0xb8;
	[tilespmem:$0x1C400] =	vst v63  }
0x66: {  	_ =	swait.ge [sflag:s18], $0x4000  }
0x67: {  	[sflag:s18] =	ssyncset.done $0x0  }
0x68: {  	s11 =	sadd.s32 s10, s16;
	[sflag:s18] =	ssyncadd.s32 $0xFFFFC000  }
0x69: {  	[tilespmem:s3], [sflag:$0x3] =	stream.linear.gather [hbm4b:s11+s3], $0x100, $0x38;
	[tilespmem:$0x1C400] =	vst v63  }
0x6a: {  	_ =	swait.ge [sflag:s26], $0x4000  }
0x6b: {  	[sflag:s26] =	ssyncset.done $0x0  }
0x6c: {  	[sflag:s26] =	ssyncadd.s32 $0xFFFFC000  }
0x6d: {  	_ =	swait.ge [sflag:s28], $0x100  }
0x6e: {  	[sflag:s28] =	ssyncset.done $0x0  }
0x6f: {  	[sflag:s28] =	ssyncadd.s32 $0xFFFFFF00  }
0x70: {  	[tilespmem:s23], [sflag:$0x1] =	stream.indirect.gather [hbm4b:s4+s22], $0x80, s20, s22, $0xb8;
	[tilespmem:$0x1C400] =	vst v63  }
0x71: {  	_ = 	snop  }
0x72: {  	[spmem:s2] =	stream.indirect.scatter.add.f32 [tilespmem:s24], [sflag:$0x7], $0x80, s29, s22, $0xb8;
	[tilespmem:$0x1C400] =	vst v63  }
0x73: {  	_ =	swait.ge [sflag:s18], $0x4000  }
0x74: {  	[sflag:s18] =	ssyncset.done $0x0  }
0x75: {  	s11 =	sadd.s32 s10, s15;
	[sflag:s18] =	ssyncadd.s32 $0xFFFFC000  }
0x76: {  	[tilespmem:s19], [sflag:$0x4] =	stream.linear.gather [hbm4b:s11+s3], $0x100, $0x38;
	[tilespmem:$0x1C400] =	vst v63  }
0x77: {  	_ =	swait.ge [sflag:s30], $0x100  }
0x78: {  	[sflag:s30] =	ssyncset.done $0x0  }
0x79: {  	[sflag:s30] =	ssyncadd.s32 $0xFFFFFF00  }
0x7a: {  	[tilespmem:s24], [sflag:$0x2] =	stream.indirect.gather [hbm4b:s4+s22], $0x80, s21, s22, $0xb8;
	[tilespmem:$0x1C400] =	vst v63  }
0x7b: {  	_ =	swait.ge [sflag:s25], $0x4000  }
0x7c: {  	[sflag:s25] =	ssyncset.done $0x0  }
0x7d: {  	[sflag:s25] =	ssyncadd.s32 $0xFFFFC000  }
0x7e: {  	[spmem:s2] =	stream.indirect.scatter.add.f32 [tilespmem:s23], [sflag:$0x7], $0x80, s31, s22, $0xb8;
	[tilespmem:$0x1C400] =	vst v63  }
0x7f: {  	_ =	swait.ge [sflag:s18], $0x4000  }
0x80: {  	[sflag:s18] =	ssyncset.done $0x0  }
0x81: {  	s11 =	sadd.s32 s10, s14;
	[sflag:s18] =	ssyncadd.s32 $0xFFFFC000  }
0x82: {  	[tilespmem:s20], [sflag:$0x5] =	stream.linear.gather [hbm4b:s11+s3], $0x100, $0x38;
	[tilespmem:$0x1C400] =	vst v63  }
0x83: {  	_ =	swait.ge [sflag:s26], $0x4000  }
0x84: {  	[sflag:s26] =	ssyncset.done $0x0  }
0x85: {  	[sflag:s26] =	ssyncadd.s32 $0xFFFFC000  }
0x86: {  	_ =	swait.ge [sflag:s0], $0x100  }
0x87: {  	[sflag:s0] =	ssyncset.done $0x0  }
0x88: {  	[sflag:s0] =	ssyncadd.s32 $0xFFFFFF00  }
0x89: {  	[tilespmem:s23], [sflag:$0x1] =	stream.indirect.gather [hbm4b:s4+s22], $0x80, s3, s22, $0xb8;
	[tilespmem:$0x1C400] =	vst v63  }
0x8a: {  	_ = 	snop  }
0x8b: {  	[spmem:s2] =	stream.indirect.scatter.add.f32 [tilespmem:s24], [sflag:$0x7], $0x80, s1, s22, $0xb8;
	[tilespmem:$0x1C400] =	vst v63  }
0x8c: {  	_ =	swait.ge [sflag:s18], $0x4000  }
0x8d: {  	[sflag:s18] =	ssyncset.done $0x0  }
.Ltmp0:
0x8e: {  	s10 =	sadd.s32 s10, s13;
	[sflag:s18] =	ssyncadd.s32 $0xFFFFC000;
	(pc) =	sbr.rel @p0 .LBB2_2-.Ltmp0, $4  }
0x8f: {  	[tilespmem:s21], [sflag:$0x6] =	stream.linear.gather [hbm4b:s10+s3], $0x100, $0x38;
	[tilespmem:$0x1C400] =	vst v63  }
0x90: {  	_ =	swait.ge [sflag:s5], $0x100  }
0x91: {  	[sflag:s5] =	ssyncset.done $0x0  }
0x92: {  	[sflag:s5] =	ssyncadd.s32 $0xFFFFFF00  }
0x93: {  	[tilespmem:s24], [sflag:$0x2] =	stream.indirect.gather [hbm4b:s4+s22], $0x80, s19, s22, $0xb8;
	[tilespmem:$0x1C400] =	vst v63  }
0x94: {  	_ =	swait.ge [sflag:s25], $0x4000  }
0x95: {  	[sflag:s25] =	ssyncset.done $0x0  }
0x96: {  	[sflag:s25] =	ssyncadd.s32 $0xFFFFC000  }
0x97: {  	[spmem:s2] =	stream.indirect.scatter.add.f32 [tilespmem:s23], [sflag:$0x7], $0x80, s22, s22, $0xb8;
	[tilespmem:$0x1C400] =	vst v63  }
0x98: {  	_ =	swait.ge [sflag:s18], $0x4000  }
0x99: {  	[sflag:s18] =	ssyncset.done $0x0  }
0x9a: {  	[sflag:s18] =	ssyncadd.s32 $0xFFFFC000  }
0x9b: {  	_ =	swait.ge [sflag:s26], $0x4000  }
0x9c: {  	[sflag:s26] =	ssyncset.done $0x0  }
0x9d: {  	[sflag:s26] =	ssyncadd.s32 $0xFFFFC000  }
0x9e: {  	_ =	swait.ge [sflag:s28], $0x100  }
0x9f: {  	[sflag:s28] =	ssyncset.done $0x0  }
0xa0: {  	[sflag:s28] =	ssyncadd.s32 $0xFFFFFF00  }
0xa1: {  	[tilespmem:s23], [sflag:$0x1] =	stream.indirect.gather [hbm4b:s4+s22], $0x80, s20, s22, $0xb8;
	[tilespmem:$0x1C400] =	vst v63  }
0xa2: {  	_ = 	snop  }
0xa3: {  	[spmem:s2] =	stream.indirect.scatter.add.f32 [tilespmem:s24], [sflag:$0x7], $0x80, s29, s22, $0xb8;
	[tilespmem:$0x1C400] =	vst v63  }
0xa4: {  	_ =	swait.ge [sflag:s18], $0x4000  }
0xa5: {  	[sflag:s18] =	ssyncset.done $0x0  }
0xa6: {  	[sflag:s18] =	ssyncadd.s32 $0xFFFFC000  }
0xa7: {  	_ =	swait.ge [sflag:s30], $0x100  }
0xa8: {  	[sflag:s30] =	ssyncset.done $0x0  }
0xa9: {  	[sflag:s30] =	ssyncadd.s32 $0xFFFFFF00  }
0xaa: {  	[tilespmem:s24], [sflag:$0x2] =	stream.indirect.gather [hbm4b:s4+s22], $0x80, s21, s22, $0xb8;
	[tilespmem:$0x1C400] =	vst v63  }
0xab: {  	_ =	swait.ge [sflag:s25], $0x4000  }
0xac: {  	[sflag:s25] =	ssyncset.done $0x0  }
0xad: {  	[sflag:s25] =	ssyncadd.s32 $0xFFFFC000  }
0xae: {  	[spmem:s2] =	stream.indirect.scatter.add.f32 [tilespmem:s23], [sflag:$0x7], $0x80, s31, s22, $0xb8;
	[tilespmem:$0x1C400] =	vst v63  }
0xaf: {  	_ =	swait.ge [sflag:s18], $0x4000  }
0xb0: {  	[sflag:s18] =	ssyncset.done $0x0  }
0xb1: {  	[sflag:s18] =	ssyncadd.s32 $0xFFFFC000  }
0xb2: {  	_ =	swait.ge [sflag:s26], $0x4000  }
0xb3: {  	[sflag:s26] =	ssyncset.done $0x0  }
0xb4: {  	[sflag:s26] =	ssyncadd.s32 $0xFFFFC000  }
0xb5: {  	[spmem:s2] =	stream.indirect.scatter.add.f32 [tilespmem:s24], [sflag:$0x7], $0x80, s1, s22, $0xb8;
	[tilespmem:$0x1C400] =	vst v63  }
0xb6: {  	_ =	swait.ge [sflag:s18], $0x4000  }
0xb7: {  	[sflag:s18] =	ssyncset.done $0x0  }
0xb8: {  	s8 =	sadd.s32 $0x1, s8;
	[sflag:s18] =	ssyncadd.s32 $0xFFFFC000  }
0xb9: {  	p0 =	sne.s32 s8, s12;
	[bflag:$0x0] =	sbarrier.arrive $0xFFFF  }
.Ltmp1:
0xba: {  	s9 =	rddreg [dreg:$0x7];
	(pc) =	sbr.rel @p0 .LBB2_1-.Ltmp1, $4  }
0xbb: {  	[hbm:s9], [sflag:s7] =	dma.local [spmem:s17], $0x2800  }
0xbc: {  	_ =	swait.ge [sflag:s18], $0x2800  }
0xbd: {  	[sflag:s18] =	ssyncset.done $0x0  }
0xbe: {  	[sflag:s18] =	ssyncadd.s32 $0xFFFFD800  }
0xbf: {  	_ =	sfence.sel $0x180000  }
0xc0: {  	[bflag:$0x0] =	sbarrier.arrive $0xFFFF  }
0xc1: {  	_ =	strace $0x9000004A  }
0xc2: {  	s0 =	stileid.u32;
	[bflag:$0x2] =	sbarrier.arrive $0xFFFF  }
0xc3: {  	p0 =	sne.s32 s0, $0x0;
	s0 =	rddreg [dreg:$0x2]  }
0xc4: {  	s0 =	sadd.s32 @!p0 $0x100000, s0  }
0xc5: {  	[sflag:s0] =	ssyncadd.tile.s32 @!p0 $0x1;
	_ =	shalt  }
.Lfunc_end2:
_tile_overlayer_lowered:
.L_overlay_start_2:
0xc6: {  	(tag) =	ssettag $0x2  }
0xc7: {  	s0 =	rddreg [dreg:$0x0];
	s2 =	stileid.u32  }
0xc8: {  	s1 =	rddreg [dreg:$0x1];
	p0 =	sne.s32 s2, $0x0  }
0xc9: {  	s3 =	rddreg [dreg:$0x2];
	[bflag:$0x3] =	sbarrier.arrive $0xFFFF;
	s2 =	simm.s32 @!p0 $0x1C07  }
0xca: {  	[timem:s3], [sflag:s2] =	dma.local @!p0 [hbm:s0], s1  }
0xcb: {  	s0 =	simm.s32 @!p0 $0x7  }
0xcc: {  	_ =	swait.ge @!p0 [sflag:s0], s1  }
0xcd: {  	s1 =	ssub.s32 @!p0 $0x0, s1;
	[sflag:s0] =	ssyncset.done @!p0 $0x0  }
0xce: {  	[sflag:s0] =	ssyncadd.s32 @!p0 s1  }
0xcf: {  	[bflag:$0x3] =	sbarrier.arrive $0xFFFF  }
0xd0: {  	_ =	shalt  }

// kernel: _run.15.cloned.1.call-start
scs
__scs_entry_jumppad:
0x0: {  	(pc) =	sbr.rel $0x88, $3  }
0x1: {  	(tag) =	ssettag $0x0;
	lr =	simm.s32 $0x1  }
0x2: {  	[smem:$0x3F97] =	sst lr;
	_ =	strace $0xD0000000  }
0x3: {  	_ = 	snop  }
0x4: {  	_ = 	snop  }
0x5: {  	_ = 	snop  }
0x6: {  	_ = 	snop  }
0x7: {  	_ = 	snop  }
__scs_overlays_trampoline_lowered:
0x8: {  	[smem:$0x3FA6] =	sst s0  }
0x9: {  	[smem:$0x3FA7] =	sst s1  }
0xa: {  	[smem:$0x3FA8] =	sst s2  }
0xb: {  	[smem:$0x3FA9] =	sst s3  }
0xc: {  	[smem:$0x3FAA] =	sst s4  }
0xd: {  	[smem:$0x3FAB] =	sst s5  }
0xe: {  	[smem:$0x3FAC] =	sst s6  }
0xf: {  	[smem:$0x3FAD] =	sst s7  }
0x10: {  	[smem:$0x3FAE] =	sst s8  }
0x11: {  	[smem:$0x3FAF] =	sst s9;
	s0 =	simm.s32 @!p0 $0x0  }
0x12: {  	s1 =	sld [smem:$0x3F95];
	s0 =	simm.s32 @p0 $0x1  }
0x13: {  	[smem:$0x3FB0] =	sst s0;
	s0 =	simm.s32 @!p1 $0x0  }
0x14: {  	s2 =	sld [smem:$0x3F94];
	s0 =	simm.s32 @p1 $0x1  }
0x15: {  	[smem:$0x3FB1] =	sst s0;
	s0 =	simm.s32 @!p2 $0x0  }
0x16: {  	s3 =	sld [smem:$0x3FDB];
	s0 =	simm.s32 @p2 $0x1  }
0x17: {  	s4 =	simm.s32 $0x1BF5;
	[smem:$0x3FB3] =	sst s0  }
0x18: {  	s0 =	sld [smem:$0x3F96];
	_ =	swait.ge [sflag:s4], $0x0  }
0x19: {  	s7 =	sld [smem:$0x3F97]  }
0x1a: {  	s8 =	sadd.s32 $0xFFFFE003, lr  }
0x1b: {  	s9 =	sadd.s32 $0xFFFFFEF7, lr;
	s5 =	simm.s32 $0xFFFFFFFF;
	p2 =	slt.u32 s8, $0xFFFFF086  }
0x1c: {  	p1 =	slt.u32 s9, $0xF7A;
	s5 =	simm.s32 @!p2 $0x0  }
0x1d: {  	s5 =	simm.s32 @p1 $0x1;
	p0 =	seq.s32 s7, s2  }
0x1e: {  	s7 =	smul.u32 @!p0 $0xF7A, s2;
	p2 =	seq.s32 @!p0 s5, $0x0  }
0x1f: {  	s9 =	smul.u32 $0xF7A, s1;
	s8 =	simm.s32 @!p0 $0x1BF5;
	p2 =	por !p2, p0  }
0x20: {  	[sflag:s8] =	ssyncset.s32 @!p0 $0xFFFFF086;
	s6 =	sadd.s32 @!p0 s3, s7;
	s7 =	simm.s32 @!p0 $0x108  }
0x21: {  	s3 =	sadd.s32 s3, s9;
	s6 =	sadd.s32 @!p0 $0x88, s6;
	s7 =	simm.s32 @p2 $0x1082  }
0x22: {  	[simem:s7], [sflag:s8] =	dma.local @!p0 [hbm:s6], $0xF7A  }
0x23: {  	s9 =	sor.u32 $0xD0000000, s2;
	s6 =	simm.s32 $0x108;
	_ =	swait.ge @!p0 [sflag:s8], $0x0  }
0x24: {  	s3 =	sadd.s32 $0x88, s3;
	s6 =	simm.s32 @!p1 $0x1082;
	[sflag:s4] =	ssyncset.s32 $0xFFFFF086  }
0x25: {  	[simem:s6], [sflag:s4] =	dma.local [hbm:s3], $0xF7A  }
0x26: {  	[smem:$0x3F97] =	sst s1;
	(tag) =	ssettag s2;
	_ =	strace s9  }
0x27: {  	s1 =	sld [smem:$0x3FA7]  }
0x28: {  	s2 =	sld [smem:$0x3FA8]  }
0x29: {  	s4 =	sld [smem:$0x3FAA]  }
0x2a: {  	p0 =	seq.s32 s5, $0x0;
	s5 =	sld [smem:$0x3FAB]  }
0x2b: {  	s6 =	sld [smem:$0x3FAC]  }
0x2c: {  	s7 =	sld [smem:$0x3FAD]  }
0x2d: {  	s3 =	simm.s32 $0x108;
	s8 =	sld [smem:$0x3FAE]  }
0x2e: {  	s3 =	simm.s32 @!p0 $0x1082;
	s9 =	sld [smem:$0x3FAF]  }
0x2f: {  	lr =	sadd.s32 s0, s3;
	s0 =	sld [smem:$0x3FA6]  }
0x30: {  	s3 =	sld [smem:$0x3FA9]  }
0x31: {  	[smem:$0x3FB2] =	sst s10  }
0x32: {  	s10 =	sld [smem:$0x3FB0];
	_ =	sdelay $0x3  }
0x33: {  	p0 =	seq.s32 s10, $0x1;
	s10 =	sld [smem:$0x3FB2];
	_ =	sdelay $0x3  }
0x34: {  	[smem:$0x3FB2] =	sst s10  }
0x35: {  	s10 =	sld [smem:$0x3FB1];
	_ =	sdelay $0x3  }
0x36: {  	p1 =	seq.s32 s10, $0x1;
	s10 =	sld [smem:$0x3FB2];
	_ =	sdelay $0x3  }
0x37: {  	[smem:$0x3FB2] =	sst s10  }
0x38: {  	s10 =	sld [smem:$0x3FB3]  }
0x39: {  	_ = 	snop;
	(pc) =	sbr.ind lr, $3  }
0x3a: {  	_ = 	snop  }
0x3b: {  	_ = 	snop  }
0x3c: {  	p2 =	seq.s32 s10, $0x1;
	s10 =	sld [smem:$0x3FB2]  }
0x3d: {  	_ =	shalt  }
0x3e: {  	_ =	shalt  }
0x3f: {  	_ =	shalt  }
0x40: {  	_ =	shalt  }
0x41: {  	_ =	shalt  }
0x42: {  	_ =	shalt  }
0x43: {  	_ =	shalt  }
0x44: {  	_ =	shalt  }
0x45: {  	_ =	shalt  }
0x46: {  	_ =	shalt  }
0x47: {  	_ =	shalt  }
0x48: {  	_ =	shalt  }
0x49: {  	_ =	shalt  }
0x4a: {  	_ =	shalt  }
0x4b: {  	_ =	shalt  }
0x4c: {  	_ =	shalt  }
0x4d: {  	_ =	shalt  }
0x4e: {  	_ =	shalt  }
0x4f: {  	_ =	shalt  }
0x50: {  	_ =	shalt  }
0x51: {  	_ =	shalt  }
0x52: {  	_ =	shalt  }
0x53: {  	_ =	shalt  }
0x54: {  	_ =	shalt  }
0x55: {  	_ =	shalt  }
0x56: {  	_ =	shalt  }
0x57: {  	_ =	shalt  }
0x58: {  	_ =	shalt  }
0x59: {  	_ =	shalt  }
0x5a: {  	_ =	shalt  }
0x5b: {  	_ =	shalt  }
0x5c: {  	_ =	shalt  }
0x5d: {  	_ =	shalt  }
0x5e: {  	_ =	shalt  }
0x5f: {  	_ =	shalt  }
0x60: {  	_ =	shalt  }
0x61: {  	_ =	shalt  }
0x62: {  	_ =	shalt  }
0x63: {  	_ =	shalt  }
0x64: {  	_ =	shalt  }
0x65: {  	_ =	shalt  }
0x66: {  	_ =	shalt  }
0x67: {  	_ =	shalt  }
0x68: {  	_ =	shalt  }
0x69: {  	_ =	shalt  }
0x6a: {  	_ =	shalt  }
0x6b: {  	_ =	shalt  }
0x6c: {  	_ =	shalt  }
0x6d: {  	_ =	shalt  }
0x6e: {  	_ =	shalt  }
0x6f: {  	_ =	shalt  }
0x70: {  	_ =	shalt  }
0x71: {  	_ =	shalt  }
0x72: {  	_ =	shalt  }
0x73: {  	_ =	shalt  }
0x74: {  	_ =	shalt  }
0x75: {  	_ =	shalt  }
0x76: {  	_ =	shalt  }
0x77: {  	_ =	shalt  }
0x78: {  	_ =	shalt  }
0x79: {  	_ =	shalt  }
0x7a: {  	_ =	shalt  }
0x7b: {  	_ =	shalt  }
0x7c: {  	_ =	shalt  }
0x7d: {  	_ =	shalt  }
0x7e: {  	_ =	shalt  }
0x7f: {  	_ =	shalt  }
0x80: {  	_ =	shalt  }
0x81: {  	_ =	shalt  }
0x82: {  	_ =	shalt  }
0x83: {  	_ =	shalt  }
0x84: {  	_ =	shalt  }
0x85: {  	_ =	shalt  }
0x86: {  	_ =	shalt  }
0x87: {  	_ =	shalt  }
.Lfunc_end0:
.L_simem_size_0:
called_computation.2_lowered:
.L_overlay_start_0:
0x88: {  	s2 =	sld [smem:$0x3FD9]  }
0x89: {  	s3 =	sld [smem:$0x3FFE];
	_ =	sdelay $0x1  }
0x8a: {  	s1 =	srdreg.scid  }
0x8b: {  	s0 =	sand.u32 $0x1, s1  }
0x8c: {  	s16 =	sshll.u32 s0, $0xA;
	s2 =	sadd.s32 s3, s2  }
0x8d: {  	s2 =	sadd.s32 s2, s16  }
0x8e: {  	[smem:$0x3FBE] =	sst s2  }
0x8f: {  	_ = 	snop  }
0x90: {  	(tm) =	ssettm $0x1  }
0x91: {  	s17 =	sld [smem:$0x3FFB];
	_ =	sdelay $0x3  }
0x92: {  	_ =	strace s17  }
0x93: {  	s2 =	sld [smem:$0x3FFC];
	_ =	sdelay $0x3  }
0x94: {  	_ =	strace s2  }
0x95: {  	s2 =	sld [smem:$0x3FFD];
	_ =	sdelay $0x3  }
0x96: {  	_ =	strace s2  }
0x97: {  	_ =	strace $0x8FFFFFFF  }
0x98: {  	s18 =	sld [smem:$0x3FDB];
	_ =	sdelay $0x1  }
0x99: {  	s19 =	simm.s32 $_scs_section_size  }
0x9a: {  	s4 =	simm.s32 $_size__tile_overlayer_lowered;
	s5 =	simm.s32 $_tile_overlayer_lowered  }
0x9b: {  	s22 =	simm.s32 $0x1BFF;
	s21 =	sshll.u32 s5, $0x1;
	s2 =	sadd.s32 s19, s18  }
0x9c: {  	s6 =	simm.s32 $0x0;
	s20 =	sshll.u32 s4, $0x1;
	s4 =	sadd.s32 s21, s2  }
0x9d: {  	[timem:s6], [sflag:s22] =	dma.local [hbm:s4], s20  }
0x9e: {  	_ =	swait.ge [sflag:s22], s20  }
0x9f: {  	s3 =	ssub.s32 $0x0, s20;
	[sflag:s22] =	ssyncset.done $0x0  }
0xa0: {  	[sflag:s22] =	ssyncadd.s32 s3;
	_ =	sdelay $0x1  }
0xa1: {  	s23 =	simm.s32 $0x1B8B  }
0xa2: {  	_ =	swait.ge [sflag:s23], $0x1  }
0xa3: {  	[sflag:s23] =	ssyncset.done $0x0  }
0xa4: {  	s25 =	simm.s32 $0x1B8E;
	s24 =	sld [smem:$0x3FFE];
	[sflag:s23] =	ssyncadd.s32 $0xFFFFFFFF  }
0xa5: {  	s26 =	simm.s32 $execute0_lowered;
	[smem:$0x3FD2] =	sst s25  }
0xa6: {  	s4 =	sshll.u32 s26, $0x1;
	_ =	strace $0x8000004C;
	[dreg:$0x1] =	wrdreg $0xFFFFFFFF  }
0xa7: {  	s28 =	simm.s32 $_size_execute0_lowered;
	s2 =	sadd.s32 s2, s4;
	[dreg:$0x0] =	wrdreg $0x0  }
0xa8: {  	s4 =	sshll.u32 s28, $0x1;
	[dreg:$0x2] =	wrdreg s2  }
0xa9: {  	[dreg:$0x3] =	wrdreg s4  }
0xaa: {  	[dreg:$0x4] =	wrdreg $0xC0  }
0xab: {  	_ =	task [dreg:s6], $0x5FFFF  }
0xac: {  	[dreg:$0x1] =	wrdreg $0xFFFFFFFF  }
0xad: {  	[dreg:$0x0] =	wrdreg $0x60  }
0xae: {  	[dreg:$0x2] =	wrdreg s24  }
0xaf: {  	[dreg:$0x3] =	wrdreg $0x84000  }
0xb0: {  	[dreg:$0x4] =	wrdreg $0x9  }
0xb1: {  	_ =	task.clear_ibuf [dreg:s6], $0x5FFFF;
	_ =	strace $0x9000004C  }
0xb2: {  	s29 =	simm.s32 $0x9;
	_ =	strace $0x8000004E  }
0xb3: {  	_ =	swait.ge [sflag:s29], $0x1  }
0xb4: {  	[sflag:s29] =	ssyncadd.s32 $0xFFFFFFFF  }
0xb5: {  	_ =	strace $0x9000004E  }
0xb6: {  	_ =	sfence  }
0xb7: {  	s30 =	sld [smem:$0x0];
	_ =	sdelay $0x2  }
0xb8: {  	s31 =	sshll.u32 s1, $0xD;
	s1 =	sshrl.u32 s1, $0x2  }
0xb9: {  	s3 =	sand.u32 $0x4000, s31;
	s1 =	sadd.s32 s1, s30  }
0xba: {  	s0 =	sor.u32 s3, s0;
	s1 =	sshll.u32 s1, $0x11  }
0xbb: {  	s0 =	sor.u32 s1, s0  }
0xbc: {  	s0 =	sadd.s32 $0x8F2B, s0  }
0xbd: {  	[sflag:s0] =	ssyncadd.remote.s32 $0x1  }
0xbe: {  	_ =	sfence.sel $0xFFFF  }
0xbf: {  	[dreg:$0x0] =	wrdreg $0xFFFFFFFF;
	(pc) =	sbr.abs _section_cstart, $3  }
0xc0: {  	[dreg:$0x1] =	wrdreg $0xFFFFFFFF  }
0xc1: {  	_ =	task.clear_ibuf [dreg:s6], $0x2FFFF;
	_ =	strace $0x9FFFFFFF  }
0xc2: {  	(tm) =	ssettm $0x7FFFFFFF  }
0xc3: {  	_ =	shalt  }
tec
execute0_lowered:
.L_overlay_start_1:
0x0: {  	(tag) =	ssettag $0x1  }
0x1: {  	s0 =	rddreg [dreg:$0x0]  }
0x2: {  	s2 =	rddreg [dreg:$0x1]  }
0x3: {  	s3 =	simm.s32 $0x0;
	s12 =	stileid.u32;
	s4 =	srdreg.scid  }
0x4: {  	s28 =	simm.s32 $0x5;
	s29 =	simm.s32 $0x180;
	s30 =	simm.s32 $0x6  }
0x5: {  	s31 =	simm.s32 $0x280;
	[smem:$0x7FF] =	sst s3;
	s1 =	smul.u32 $0x14000, s12  }
0x6: {  	s5 =	sand.u32 $0x1, s4;
	s4 =	sadd.s32 $0x21800, s0;
	s16 =	smul.u32 $0x50000, s12  }
0x7: {  	s8 =	sadd.s32 $0xD800, s0;
	s9 =	sshll.u32 s12, $0x1;
	s11 =	smul.u32 $0xA000, s12  }
0x8: {  	s20 =	sshll.u32 s12, $0x6;
	_ =	strace $0x8000004D;
	s7 =	smul.u32 $0x140000, s5  }
0x9: {  	s9 =	sor.u32 s5, s9;
	s10 =	ssub.s32 $0x2, s5;
	s5 =	smul.u32 $0x5000, s5  }
0xa: {  	s6 =	sshrl.u32 s1, $0x3;
	s9 =	smul.u32 $0x5000, s9;
	s17 =	sshrl.u32 s10, $0x1  }
0xb: {  	s6 =	sadd.s32 s6, s0;
	s1 =	sadd.s32 s1, s7;
	s7 =	sshrl.u32 s16, $0x2  }
0xc: {  	s5 =	sadd.s32 s5, s11;
	s1 =	sshrl.u32 s1, $0x3;
	s18 =	sadd.s32 s7, s2  }
0xd: {  	s6 =	sadd.s32 $0x48A00, s6;
	s19 =	sshrl.u32 s9, $0x3;
	s7 =	sor.u32 $0x1C07, s20  }
0xe: {  	s22 =	sor.u32 $0x700, s5;
	s25 =	sor.u32 $0x600, s5;
	s26 =	sor.u32 $0x500, s5  }
0xf: {  	s5 =	sor.u32 $0x400, s5;
	s20 =	simm.s32 $0x200;
	s0 =	sadd.s32 s1, s0  }
0x10: {  	s1 =	ssub.s32 s10, s17;
	[dreg:$0x3] =	wrdreg s6;
	s6 =	sadd.s32 s8, s19  }
0x11: {  	s9 =	sshrl.u32 s22, $0x3;
	s5 =	sshrl.u32 s5, $0x3;
	s17 =	sshrl.u32 s18, $0x3  }
0x12: {  	s18 =	simm.s32 $0x7;
	s19 =	simm.s32 $0x100;
	s22 =	simm.s32 $0x80  }
0x13: {  	s21 =	sadd.s32 $0x20, s6;
	s23 =	sadd.s32 $0x40, s6;
	s24 =	sadd.s32 $0x60, s6  }
0x14: {  	s0 =	sadd.s32 $0x70A00, s0;
	s12 =	smax.u32 s1, $0x1;
	[dreg:$0x4] =	wrdreg s21  }
0x15: {  	s13 =	sadd.s32 s9, s8;
	s1 =	sshrl.u32 s26, $0x3;
	[dreg:$0x5] =	wrdreg s23  }
0x16: {  	s16 =	sadd.s32 s5, s8;
	s26 =	simm.s32 $0x2;
	[dreg:$0x6] =	wrdreg s24  }
0x17: {  	s5 =	simm.s32 $0x4;
	[dreg:$0x7] =	wrdreg s0;
	s0 =	sshrl.u32 s25, $0x3  }
0x18: {  	s15 =	sadd.s32 s1, s8;
	s21 =	simm.s32 $0x300;
	s23 =	simm.s32 $0x400  }
0x19: {  	s24 =	simm.s32 $0x4400;
	s25 =	simm.s32 $0x1;
	s1 =	simm.s32 $0x380  }
0x1a: {  	s14 =	sadd.s32 s0, s8;
	s0 =	simm.s32 $0x3;
	s8 =	simm.s32 $0x0  }
.LBB2_1:
0x1b: {  	s9 =	rddreg [dreg:$0x3]  }
0x1c: {  	[spmem:s17], [sflag:s7] =	dma.local [hbm:s9], $0x2800  }
0x1d: {  	_ =	swait.ge [sflag:s18], $0x2800  }
0x1e: {  	[sflag:s18] =	ssyncset.done $0x0  }
0x1f: {  	[sflag:s18] =	ssyncadd.s32 $0xFFFFD800  }
0x20: {  	[tilespmem:s3], [sflag:$0x7] =	stream.linear.gather [hbm4b:s6+s3], $0x100, $0x38;
	[tilespmem:$0x1C400] =	vst v63  }
0x21: {  	_ =	swait.ge [sflag:s18], $0x100  }
0x22: {  	[sflag:s18] =	ssyncset.done $0x0  }
0x23: {  	s11 =	rddreg [dreg:$0x4];
	[sflag:s18] =	ssyncadd.s32 $0xFFFFFF00  }
0x24: {  	[tilespmem:s19], [sflag:$0x7] =	stream.linear.gather [hbm4b:s11+s3], $0x100, $0x38;
	[tilespmem:$0x1C400] =	vst v63  }
0x25: {  	_ =	swait.ge [sflag:s18], $0x100  }
0x26: {  	[sflag:s18] =	ssyncset.done $0x0  }
0x27: {  	s10 =	rddreg [dreg:$0x5];
	[sflag:s18] =	ssyncadd.s32 $0xFFFFFF00  }
0x28: {  	[tilespmem:s20], [sflag:$0x5] =	stream.linear.gather [hbm4b:s10+s3], $0x100, $0x38;
	[tilespmem:$0x1C400] =	vst v63  }
0x29: {  	s11 =	rddreg [dreg:$0x6]  }
0x2a: {  	[tilespmem:s21], [sflag:$0x6] =	stream.linear.gather [hbm4b:s11+s3], $0x100, $0x38;
	[tilespmem:$0x1C400] =	vst v63  }
0x2b: {  	_ = 	snop  }
0x2c: {  	[tilespmem:s23], [sflag:$0x1] =	stream.indirect.gather [hbm4b:s4+s22], $0x80, s3, s22, $0xb8;
	[tilespmem:$0x1C400] =	vst v63  }
0x2d: {  	[bflag:$0x0] =	sbarrier.arrive $0xFFFF  }
0x2e: {  	[tilespmem:s24], [sflag:$0x2] =	stream.indirect.gather [hbm4b:s4+s22], $0x80, s19, s22, $0xb8;
	[tilespmem:$0x1C400] =	vst v63  }
0x2f: {  	_ =	swait.ge [sflag:s25], $0x4000  }
0x30: {  	[sflag:s25] =	ssyncset.done $0x0  }
0x31: {  	[sflag:s25] =	ssyncadd.s32 $0xFFFFC000  }
0x32: {  	[spmem:s2] =	stream.indirect.scatter.add.f32 [tilespmem:s23], [sflag:$0x7], $0x80, s22, s22, $0xb8;
	[tilespmem:$0x1C400] =	vst v63  }
0x33: {  	_ =	swait.ge [sflag:s18], $0x4000  }
0x34: {  	[sflag:s18] =	ssyncset.done $0x0  }
0x35: {  	s10 =	sadd.s32 $0x0, s16;
	[sflag:s18] =	ssyncadd.s32 $0xFFFFC000  }
0x36: {  	[tilespmem:s3], [sflag:$0x3] =	stream.linear.gather [hbm4b:s10+s3], $0x100, $0x38;
	[tilespmem:$0x1C400] =	vst v63  }
0x37: {  	_ =	swait.ge [sflag:s26], $0x4000  }
0x38: {  	[sflag:s26] =	ssyncset.done $0x0  }
0x39: {  	[sflag:s26] =	ssyncadd.s32 $0xFFFFC000  }
0x3a: {  	_ =	swait.ge [sflag:s28], $0x100  }
0x3b: {  	[sflag:s28] =	ssyncset.done $0x0  }
0x3c: {  	[sflag:s28] =	ssyncadd.s32 $0xFFFFFF00  }
0x3d: {  	[tilespmem:s23], [sflag:$0x1] =	stream.indirect.gather [hbm4b:s4+s22], $0x80, s20, s22, $0xb8;
	[tilespmem:$0x1C400] =	vst v63  }
0x3e: {  	_ = 	snop  }
0x3f: {  	[spmem:s2] =	stream.indirect.scatter.add.f32 [tilespmem:s24], [sflag:$0x7], $0x80, s29, s22, $0xb8;
	[tilespmem:$0x1C400] =	vst v63  }
0x40: {  	_ =	swait.ge [sflag:s18], $0x4000  }
0x41: {  	[sflag:s18] =	ssyncset.done $0x0  }
0x42: {  	s11 =	sadd.s32 $0x0, s15;
	[sflag:s18] =	ssyncadd.s32 $0xFFFFC000  }
0x43: {  	[tilespmem:s19], [sflag:$0x4] =	stream.linear.gather [hbm4b:s11+s3], $0x100, $0x38;
	[tilespmem:$0x1C400] =	vst v63  }
0x44: {  	_ =	swait.ge [sflag:s30], $0x100  }
0x45: {  	[sflag:s30] =	ssyncset.done $0x0  }
0x46: {  	[sflag:s30] =	ssyncadd.s32 $0xFFFFFF00  }
0x47: {  	[tilespmem:s24], [sflag:$0x2] =	stream.indirect.gather [hbm4b:s4+s22], $0x80, s21, s22, $0xb8;
	[tilespmem:$0x1C400] =	vst v63  }
0x48: {  	_ =	swait.ge [sflag:s25], $0x4000  }
0x49: {  	[sflag:s25] =	ssyncset.done $0x0  }
0x4a: {  	[sflag:s25] =	ssyncadd.s32 $0xFFFFC000  }
0x4b: {  	[spmem:s2] =	stream.indirect.scatter.add.f32 [tilespmem:s23], [sflag:$0x7], $0x80, s31, s22, $0xb8;
	[tilespmem:$0x1C400] =	vst v63  }
0x4c: {  	_ =	swait.ge [sflag:s18], $0x4000  }
0x4d: {  	[sflag:s18] =	ssyncset.done $0x0  }
0x4e: {  	s10 =	sadd.s32 $0x0, s14;
	[sflag:s18] =	ssyncadd.s32 $0xFFFFC000  }
0x4f: {  	[tilespmem:s20], [sflag:$0x5] =	stream.linear.gather [hbm4b:s10+s3], $0x100, $0x38;
	[tilespmem:$0x1C400] =	vst v63  }
0x50: {  	_ =	swait.ge [sflag:s26], $0x4000  }
0x51: {  	[sflag:s26] =	ssyncset.done $0x0  }
0x52: {  	[sflag:s26] =	ssyncadd.s32 $0xFFFFC000  }
0x53: {  	_ =	swait.ge [sflag:s0], $0x100  }
0x54: {  	[sflag:s0] =	ssyncset.done $0x0  }
0x55: {  	[sflag:s0] =	ssyncadd.s32 $0xFFFFFF00  }
0x56: {  	[tilespmem:s23], [sflag:$0x1] =	stream.indirect.gather [hbm4b:s4+s22], $0x80, s3, s22, $0xb8;
	[tilespmem:$0x1C400] =	vst v63  }
0x57: {  	_ = 	snop  }
0x58: {  	[spmem:s2] =	stream.indirect.scatter.add.f32 [tilespmem:s24], [sflag:$0x7], $0x80, s1, s22, $0xb8;
	[tilespmem:$0x1C400] =	vst v63  }
0x59: {  	_ =	swait.ge [sflag:s18], $0x4000  }
0x5a: {  	[sflag:s18] =	ssyncset.done $0x0  }
0x5b: {  	s11 =	sadd.s32 $0x0, s13;
	[sflag:s18] =	ssyncadd.s32 $0xFFFFC000  }
0x5c: {  	[tilespmem:s21], [sflag:$0x6] =	stream.linear.gather [hbm4b:s11+s3], $0x100, $0x38;
	[tilespmem:$0x1C400] =	vst v63  }
0x5d: {  	_ =	swait.ge [sflag:s5], $0x100  }
0x5e: {  	[sflag:s5] =	ssyncset.done $0x0  }
0x5f: {  	s9 =	simm.s32 $0x80;
	[sflag:s5] =	ssyncadd.s32 $0xFFFFFF00  }
.LBB2_2:
0x60: {  	[tilespmem:s24], [sflag:$0x2] =	stream.indirect.gather [hbm4b:s4+s22], $0x80, s19, s22, $0xb8;
	[tilespmem:$0x1C400] =	vst v63  }
0x61: {  	s10 =	smov.u32 s9  }
0x62: {  	p0 =	sne.s32 s9, $0x900;
	s9 =	sadd.s32 $0x80, s9;
	_ =	swait.ge [sflag:s25], $0x4000  }
0x63: {  	[sflag:s25] =	ssyncset.done $0x0  }
0x64: {  	[sflag:s25] =	ssyncadd.s32 $0xFFFFC000  }
0x65: {  	[spmem:s2] =	stream.indirect.scatter.add.f32 [tilespmem:s23], [sflag:$0x7], $0x80, s22, s22, $0xb8;
	[tilespmem:$0x1C400] =	vst v63  }
0x66: {  	_ =	swait.ge [sflag:s18], $0x4000  }
0x67: {  	[sflag:s18] =	ssyncset.done $0x0  }
0x68: {  	s11 =	sadd.s32 s10, s16;
	[sflag:s18] =	ssyncadd.s32 $0xFFFFC000  }
0x69: {  	[tilespmem:s3], [sflag:$0x3] =	stream.linear.gather [hbm4b:s11+s3], $0x100, $0x38;
	[tilespmem:$0x1C400] =	vst v63  }
0x6a: {  	_ =	swait.ge [sflag:s26], $0x4000  }
0x6b: {  	[sflag:s26] =	ssyncset.done $0x0  }
0x6c: {  	[sflag:s26] =	ssyncadd.s32 $0xFFFFC000  }
0x6d: {  	_ =	swait.ge [sflag:s28], $0x100  }
0x6e: {  	[sflag:s28] =	ssyncset.done $0x0  }
0x6f: {  	[sflag:s28] =	ssyncadd.s32 $0xFFFFFF00  }
0x70: {  	[tilespmem:s23], [sflag:$0x1] =	stream.indirect.gather [hbm4b:s4+s22], $0x80, s20, s22, $0xb8;
	[tilespmem:$0x1C400] =	vst v63  }
0x71: {  	_ = 	snop  }
0x72: {  	[spmem:s2] =	stream.indirect.scatter.add.f32 [tilespmem:s24], [sflag:$0x7], $0x80, s29, s22, $0xb8;
	[tilespmem:$0x1C400] =	vst v63  }
0x73: {  	_ =	swait.ge [sflag:s18], $0x4000  }
0x74: {  	[sflag:s18] =	ssyncset.done $0x0  }
0x75: {  	s11 =	sadd.s32 s10, s15;
	[sflag:s18] =	ssyncadd.s32 $0xFFFFC000  }
0x76: {  	[tilespmem:s19], [sflag:$0x4] =	stream.linear.gather [hbm4b:s11+s3], $0x100, $0x38;
	[tilespmem:$0x1C400] =	vst v63  }
0x77: {  	_ =	swait.ge [sflag:s30], $0x100  }
0x78: {  	[sflag:s30] =	ssyncset.done $0x0  }
0x79: {  	[sflag:s30] =	ssyncadd.s32 $0xFFFFFF00  }
0x7a: {  	[tilespmem:s24], [sflag:$0x2] =	stream.indirect.gather [hbm4b:s4+s22], $0x80, s21, s22, $0xb8;
	[tilespmem:$0x1C400] =	vst v63  }
0x7b: {  	_ =	swait.ge [sflag:s25], $0x4000  }
0x7c: {  	[sflag:s25] =	ssyncset.done $0x0  }
0x7d: {  	[sflag:s25] =	ssyncadd.s32 $0xFFFFC000  }
0x7e: {  	[spmem:s2] =	stream.indirect.scatter.add.f32 [tilespmem:s23], [sflag:$0x7], $0x80, s31, s22, $0xb8;
	[tilespmem:$0x1C400] =	vst v63  }
0x7f: {  	_ =	swait.ge [sflag:s18], $0x4000  }
0x80: {  	[sflag:s18] =	ssyncset.done $0x0  }
0x81: {  	s11 =	sadd.s32 s10, s14;
	[sflag:s18] =	ssyncadd.s32 $0xFFFFC000  }
0x82: {  	[tilespmem:s20], [sflag:$0x5] =	stream.linear.gather [hbm4b:s11+s3], $0x100, $0x38;
	[tilespmem:$0x1C400] =	vst v63  }
0x83: {  	_ =	swait.ge [sflag:s26], $0x4000  }
0x84: {  	[sflag:s26] =	ssyncset.done $0x0  }
0x85: {  	[sflag:s26] =	ssyncadd.s32 $0xFFFFC000  }
0x86: {  	_ =	swait.ge [sflag:s0], $0x100  }
0x87: {  	[sflag:s0] =	ssyncset.done $0x0  }
0x88: {  	[sflag:s0] =	ssyncadd.s32 $0xFFFFFF00  }
0x89: {  	[tilespmem:s23], [sflag:$0x1] =	stream.indirect.gather [hbm4b:s4+s22], $0x80, s3, s22, $0xb8;
	[tilespmem:$0x1C400] =	vst v63  }
0x8a: {  	_ = 	snop  }
0x8b: {  	[spmem:s2] =	stream.indirect.scatter.add.f32 [tilespmem:s24], [sflag:$0x7], $0x80, s1, s22, $0xb8;
	[tilespmem:$0x1C400] =	vst v63  }
0x8c: {  	_ =	swait.ge [sflag:s18], $0x4000  }
0x8d: {  	[sflag:s18] =	ssyncset.done $0x0  }
.Ltmp0:
0x8e: {  	s10 =	sadd.s32 s10, s13;
	[sflag:s18] =	ssyncadd.s32 $0xFFFFC000;
	(pc) =	sbr.rel @p0 .LBB2_2-.Ltmp0, $4  }
0x8f: {  	[tilespmem:s21], [sflag:$0x6] =	stream.linear.gather [hbm4b:s10+s3], $0x100, $0x38;
	[tilespmem:$0x1C400] =	vst v63  }
0x90: {  	_ =	swait.ge [sflag:s5], $0x100  }
0x91: {  	[sflag:s5] =	ssyncset.done $0x0  }
0x92: {  	[sflag:s5] =	ssyncadd.s32 $0xFFFFFF00  }
0x93: {  	[tilespmem:s24], [sflag:$0x2] =	stream.indirect.gather [hbm4b:s4+s22], $0x80, s19, s22, $0xb8;
	[tilespmem:$0x1C400] =	vst v63  }
0x94: {  	_ =	swait.ge [sflag:s25], $0x4000  }
0x95: {  	[sflag:s25] =	ssyncset.done $0x0  }
0x96: {  	[sflag:s25] =	ssyncadd.s32 $0xFFFFC000  }
0x97: {  	[spmem:s2] =	stream.indirect.scatter.add.f32 [tilespmem:s23], [sflag:$0x7], $0x80, s22, s22, $0xb8;
	[tilespmem:$0x1C400] =	vst v63  }
0x98: {  	_ =	swait.ge [sflag:s18], $0x4000  }
0x99: {  	[sflag:s18] =	ssyncset.done $0x0  }
0x9a: {  	[sflag:s18] =	ssyncadd.s32 $0xFFFFC000  }
0x9b: {  	_ =	swait.ge [sflag:s26], $0x4000  }
0x9c: {  	[sflag:s26] =	ssyncset.done $0x0  }
0x9d: {  	[sflag:s26] =	ssyncadd.s32 $0xFFFFC000  }
0x9e: {  	_ =	swait.ge [sflag:s28], $0x100  }
0x9f: {  	[sflag:s28] =	ssyncset.done $0x0  }
0xa0: {  	[sflag:s28] =	ssyncadd.s32 $0xFFFFFF00  }
0xa1: {  	[tilespmem:s23], [sflag:$0x1] =	stream.indirect.gather [hbm4b:s4+s22], $0x80, s20, s22, $0xb8;
	[tilespmem:$0x1C400] =	vst v63  }
0xa2: {  	_ = 	snop  }
0xa3: {  	[spmem:s2] =	stream.indirect.scatter.add.f32 [tilespmem:s24], [sflag:$0x7], $0x80, s29, s22, $0xb8;
	[tilespmem:$0x1C400] =	vst v63  }
0xa4: {  	_ =	swait.ge [sflag:s18], $0x4000  }
0xa5: {  	[sflag:s18] =	ssyncset.done $0x0  }
0xa6: {  	[sflag:s18] =	ssyncadd.s32 $0xFFFFC000  }
0xa7: {  	_ =	swait.ge [sflag:s30], $0x100  }
0xa8: {  	[sflag:s30] =	ssyncset.done $0x0  }
0xa9: {  	[sflag:s30] =	ssyncadd.s32 $0xFFFFFF00  }
0xaa: {  	[tilespmem:s24], [sflag:$0x2] =	stream.indirect.gather [hbm4b:s4+s22], $0x80, s21, s22, $0xb8;
	[tilespmem:$0x1C400] =	vst v63  }
0xab: {  	_ =	swait.ge [sflag:s25], $0x4000  }
0xac: {  	[sflag:s25] =	ssyncset.done $0x0  }
0xad: {  	[sflag:s25] =	ssyncadd.s32 $0xFFFFC000  }
0xae: {  	[spmem:s2] =	stream.indirect.scatter.add.f32 [tilespmem:s23], [sflag:$0x7], $0x80, s31, s22, $0xb8;
	[tilespmem:$0x1C400] =	vst v63  }
0xaf: {  	_ =	swait.ge [sflag:s18], $0x4000  }
0xb0: {  	[sflag:s18] =	ssyncset.done $0x0  }
0xb1: {  	[sflag:s18] =	ssyncadd.s32 $0xFFFFC000  }
0xb2: {  	_ =	swait.ge [sflag:s26], $0x4000  }
0xb3: {  	[sflag:s26] =	ssyncset.done $0x0  }
0xb4: {  	[sflag:s26] =	ssyncadd.s32 $0xFFFFC000  }
0xb5: {  	[spmem:s2] =	stream.indirect.scatter.add.f32 [tilespmem:s24], [sflag:$0x7], $0x80, s1, s22, $0xb8;
	[tilespmem:$0x1C400] =	vst v63  }
0xb6: {  	_ =	swait.ge [sflag:s18], $0x4000  }
0xb7: {  	[sflag:s18] =	ssyncset.done $0x0  }
0xb8: {  	s8 =	sadd.s32 $0x1, s8;
	[sflag:s18] =	ssyncadd.s32 $0xFFFFC000  }
0xb9: {  	p0 =	sne.s32 s8, s12;
	[bflag:$0x0] =	sbarrier.arrive $0xFFFF  }
.Ltmp1:
0xba: {  	s9 =	rddreg [dreg:$0x7];
	(pc) =	sbr.rel @p0 .LBB2_1-.Ltmp1, $4  }
0xbb: {  	[hbm:s9], [sflag:s7] =	dma.local [spmem:s17], $0x2800  }
0xbc: {  	_ =	swait.ge [sflag:s18], $0x2800  }
0xbd: {  	[sflag:s18] =	ssyncset.done $0x0  }
0xbe: {  	[sflag:s18] =	ssyncadd.s32 $0xFFFFD800  }
0xbf: {  	_ =	sfence.sel $0x180000  }
0xc0: {  	[bflag:$0x0] =	sbarrier.arrive $0xFFFF  }
0xc1: {  	_ =	strace $0x9000004D  }
0xc2: {  	s0 =	stileid.u32;
	[bflag:$0x2] =	sbarrier.arrive $0xFFFF  }
0xc3: {  	p0 =	sne.s32 s0, $0x0;
	s0 =	rddreg [dreg:$0x2]  }
0xc4: {  	s0 =	sadd.s32 @!p0 $0x100000, s0  }
0xc5: {  	[sflag:s0] =	ssyncadd.tile.s32 @!p0 $0x1;
	_ =	shalt  }
.Lfunc_end2:
_tile_overlayer_lowered:
.L_overlay_start_2:
0xc6: {  	(tag) =	ssettag $0x2  }
0xc7: {  	s0 =	rddreg [dreg:$0x0];
	s2 =	stileid.u32  }
0xc8: {  	s1 =	rddreg [dreg:$0x1];
	p0 =	sne.s32 s2, $0x0  }
0xc9: {  	s3 =	rddreg [dreg:$0x2];
	[bflag:$0x3] =	sbarrier.arrive $0xFFFF;
	s2 =	simm.s32 @!p0 $0x1C07  }
0xca: {  	[timem:s3], [sflag:s2] =	dma.local @!p0 [hbm:s0], s1  }
0xcb: {  	s0 =	simm.s32 @!p0 $0x7  }
0xcc: {  	_ =	swait.ge @!p0 [sflag:s0], s1  }
0xcd: {  	s1 =	ssub.s32 @!p0 $0x0, s1;
	[sflag:s0] =	ssyncset.done @!p0 $0x0  }
0xce: {  	[sflag:s0] =	ssyncadd.s32 @!p0 s1  }
0xcf: {  	[bflag:$0x3] =	sbarrier.arrive $0xFFFF  }
0xd0: {  	_ =	shalt  }

// kernel: _run.9.cloned.1.call-start
scs
__scs_entry_jumppad:
0x0: {  	(pc) =	sbr.rel $0x88, $3  }
0x1: {  	(tag) =	ssettag $0x0;
	lr =	simm.s32 $0x1  }
0x2: {  	[smem:$0x3F97] =	sst lr;
	_ =	strace $0xD0000000  }
0x3: {  	_ = 	snop  }
0x4: {  	_ = 	snop  }
0x5: {  	_ = 	snop  }
0x6: {  	_ = 	snop  }
0x7: {  	_ = 	snop  }
__scs_overlays_trampoline_lowered:
0x8: {  	[smem:$0x3FA6] =	sst s0  }
0x9: {  	[smem:$0x3FA7] =	sst s1  }
0xa: {  	[smem:$0x3FA8] =	sst s2  }
0xb: {  	[smem:$0x3FA9] =	sst s3  }
0xc: {  	[smem:$0x3FAA] =	sst s4  }
0xd: {  	[smem:$0x3FAB] =	sst s5  }
0xe: {  	[smem:$0x3FAC] =	sst s6  }
0xf: {  	[smem:$0x3FAD] =	sst s7  }
0x10: {  	[smem:$0x3FAE] =	sst s8  }
0x11: {  	[smem:$0x3FAF] =	sst s9;
	s0 =	simm.s32 @!p0 $0x0  }
0x12: {  	s1 =	sld [smem:$0x3F95];
	s0 =	simm.s32 @p0 $0x1  }
0x13: {  	[smem:$0x3FB0] =	sst s0;
	s0 =	simm.s32 @!p1 $0x0  }
0x14: {  	s2 =	sld [smem:$0x3F94];
	s0 =	simm.s32 @p1 $0x1  }
0x15: {  	[smem:$0x3FB1] =	sst s0;
	s0 =	simm.s32 @!p2 $0x0  }
0x16: {  	s3 =	sld [smem:$0x3FDB];
	s0 =	simm.s32 @p2 $0x1  }
0x17: {  	s4 =	simm.s32 $0x1BF5;
	[smem:$0x3FB3] =	sst s0  }
0x18: {  	s0 =	sld [smem:$0x3F96];
	_ =	swait.ge [sflag:s4], $0x0  }
0x19: {  	s7 =	sld [smem:$0x3F97]  }
0x1a: {  	s8 =	sadd.s32 $0xFFFFE003, lr  }
0x1b: {  	s9 =	sadd.s32 $0xFFFFFEF7, lr;
	s5 =	simm.s32 $0xFFFFFFFF;
	p2 =	slt.u32 s8, $0xFFFFF086  }
0x1c: {  	p1 =	slt.u32 s9, $0xF7A;
	s5 =	simm.s32 @!p2 $0x0  }
0x1d: {  	s5 =	simm.s32 @p1 $0x1;
	p0 =	seq.s32 s7, s2  }
0x1e: {  	s7 =	smul.u32 @!p0 $0xF7A, s2;
	p2 =	seq.s32 @!p0 s5, $0x0  }
0x1f: {  	s9 =	smul.u32 $0xF7A, s1;
	s8 =	simm.s32 @!p0 $0x1BF5;
	p2 =	por !p2, p0  }
0x20: {  	[sflag:s8] =	ssyncset.s32 @!p0 $0xFFFFF086;
	s6 =	sadd.s32 @!p0 s3, s7;
	s7 =	simm.s32 @!p0 $0x108  }
0x21: {  	s3 =	sadd.s32 s3, s9;
	s6 =	sadd.s32 @!p0 $0x88, s6;
	s7 =	simm.s32 @p2 $0x1082  }
0x22: {  	[simem:s7], [sflag:s8] =	dma.local @!p0 [hbm:s6], $0xF7A  }
0x23: {  	s9 =	sor.u32 $0xD0000000, s2;
	s6 =	simm.s32 $0x108;
	_ =	swait.ge @!p0 [sflag:s8], $0x0  }
0x24: {  	s3 =	sadd.s32 $0x88, s3;
	s6 =	simm.s32 @!p1 $0x1082;
	[sflag:s4] =	ssyncset.s32 $0xFFFFF086  }
0x25: {  	[simem:s6], [sflag:s4] =	dma.local [hbm:s3], $0xF7A  }
0x26: {  	[smem:$0x3F97] =	sst s1;
	(tag) =	ssettag s2;
	_ =	strace s9  }
0x27: {  	s1 =	sld [smem:$0x3FA7]  }
0x28: {  	s2 =	sld [smem:$0x3FA8]  }
0x29: {  	s4 =	sld [smem:$0x3FAA]  }
0x2a: {  	p0 =	seq.s32 s5, $0x0;
	s5 =	sld [smem:$0x3FAB]  }
0x2b: {  	s6 =	sld [smem:$0x3FAC]  }
0x2c: {  	s7 =	sld [smem:$0x3FAD]  }
0x2d: {  	s3 =	simm.s32 $0x108;
	s8 =	sld [smem:$0x3FAE]  }
0x2e: {  	s3 =	simm.s32 @!p0 $0x1082;
	s9 =	sld [smem:$0x3FAF]  }
0x2f: {  	lr =	sadd.s32 s0, s3;
	s0 =	sld [smem:$0x3FA6]  }
0x30: {  	s3 =	sld [smem:$0x3FA9]  }
0x31: {  	[smem:$0x3FB2] =	sst s10  }
0x32: {  	s10 =	sld [smem:$0x3FB0];
	_ =	sdelay $0x3  }
0x33: {  	p0 =	seq.s32 s10, $0x1;
	s10 =	sld [smem:$0x3FB2];
	_ =	sdelay $0x3  }
0x34: {  	[smem:$0x3FB2] =	sst s10  }
0x35: {  	s10 =	sld [smem:$0x3FB1];
	_ =	sdelay $0x3  }
0x36: {  	p1 =	seq.s32 s10, $0x1;
	s10 =	sld [smem:$0x3FB2];
	_ =	sdelay $0x3  }
0x37: {  	[smem:$0x3FB2] =	sst s10  }
0x38: {  	s10 =	sld [smem:$0x3FB3]  }
0x39: {  	_ = 	snop;
	(pc) =	sbr.ind lr, $3  }
0x3a: {  	_ = 	snop  }
0x3b: {  	_ = 	snop  }
0x3c: {  	p2 =	seq.s32 s10, $0x1;
	s10 =	sld [smem:$0x3FB2]  }
0x3d: {  	_ =	shalt  }
0x3e: {  	_ =	shalt  }
0x3f: {  	_ =	shalt  }
0x40: {  	_ =	shalt  }
0x41: {  	_ =	shalt  }
0x42: {  	_ =	shalt  }
0x43: {  	_ =	shalt  }
0x44: {  	_ =	shalt  }
0x45: {  	_ =	shalt  }
0x46: {  	_ =	shalt  }
0x47: {  	_ =	shalt  }
0x48: {  	_ =	shalt  }
0x49: {  	_ =	shalt  }
0x4a: {  	_ =	shalt  }
0x4b: {  	_ =	shalt  }
0x4c: {  	_ =	shalt  }
0x4d: {  	_ =	shalt  }
0x4e: {  	_ =	shalt  }
0x4f: {  	_ =	shalt  }
0x50: {  	_ =	shalt  }
0x51: {  	_ =	shalt  }
0x52: {  	_ =	shalt  }
0x53: {  	_ =	shalt  }
0x54: {  	_ =	shalt  }
0x55: {  	_ =	shalt  }
0x56: {  	_ =	shalt  }
0x57: {  	_ =	shalt  }
0x58: {  	_ =	shalt  }
0x59: {  	_ =	shalt  }
0x5a: {  	_ =	shalt  }
0x5b: {  	_ =	shalt  }
0x5c: {  	_ =	shalt  }
0x5d: {  	_ =	shalt  }
0x5e: {  	_ =	shalt  }
0x5f: {  	_ =	shalt  }
0x60: {  	_ =	shalt  }
0x61: {  	_ =	shalt  }
0x62: {  	_ =	shalt  }
0x63: {  	_ =	shalt  }
0x64: {  	_ =	shalt  }
0x65: {  	_ =	shalt  }
0x66: {  	_ =	shalt  }
0x67: {  	_ =	shalt  }
0x68: {  	_ =	shalt  }
0x69: {  	_ =	shalt  }
0x6a: {  	_ =	shalt  }
0x6b: {  	_ =	shalt  }
0x6c: {  	_ =	shalt  }
0x6d: {  	_ =	shalt  }
0x6e: {  	_ =	shalt  }
0x6f: {  	_ =	shalt  }
0x70: {  	_ =	shalt  }
0x71: {  	_ =	shalt  }
0x72: {  	_ =	shalt  }
0x73: {  	_ =	shalt  }
0x74: {  	_ =	shalt  }
0x75: {  	_ =	shalt  }
0x76: {  	_ =	shalt  }
0x77: {  	_ =	shalt  }
0x78: {  	_ =	shalt  }
0x79: {  	_ =	shalt  }
0x7a: {  	_ =	shalt  }
0x7b: {  	_ =	shalt  }
0x7c: {  	_ =	shalt  }
0x7d: {  	_ =	shalt  }
0x7e: {  	_ =	shalt  }
0x7f: {  	_ =	shalt  }
0x80: {  	_ =	shalt  }
0x81: {  	_ =	shalt  }
0x82: {  	_ =	shalt  }
0x83: {  	_ =	shalt  }
0x84: {  	_ =	shalt  }
0x85: {  	_ =	shalt  }
0x86: {  	_ =	shalt  }
0x87: {  	_ =	shalt  }
.Lfunc_end0:
.L_simem_size_0:
called_computation_lowered:
.L_overlay_start_0:
0x88: {  	s2 =	sld [smem:$0x3FD9]  }
0x89: {  	s3 =	sld [smem:$0x3FFE];
	_ =	sdelay $0x1  }
0x8a: {  	s1 =	srdreg.scid  }
0x8b: {  	s0 =	sand.u32 $0x1, s1  }
0x8c: {  	s16 =	sshll.u32 s0, $0xA;
	s2 =	sadd.s32 s3, s2  }
0x8d: {  	s2 =	sadd.s32 s2, s16  }
0x8e: {  	[smem:$0x3FBE] =	sst s2  }
0x8f: {  	_ = 	snop  }
0x90: {  	(tm) =	ssettm $0x1  }
0x91: {  	s17 =	sld [smem:$0x3FFB];
	_ =	sdelay $0x3  }
0x92: {  	_ =	strace s17  }
0x93: {  	s2 =	sld [smem:$0x3FFC];
	_ =	sdelay $0x3  }
0x94: {  	_ =	strace s2  }
0x95: {  	s2 =	sld [smem:$0x3FFD];
	_ =	sdelay $0x3  }
0x96: {  	_ =	strace s2  }
0x97: {  	_ =	strace $0x8FFFFFFF  }
0x98: {  	s18 =	sld [smem:$0x3FDB];
	_ =	sdelay $0x1  }
0x99: {  	s19 =	simm.s32 $_scs_section_size  }
0x9a: {  	s4 =	simm.s32 $_size__tile_overlayer_lowered;
	s5 =	simm.s32 $_tile_overlayer_lowered  }
0x9b: {  	s22 =	simm.s32 $0x1BFF;
	s21 =	sshll.u32 s5, $0x1;
	s2 =	sadd.s32 s19, s18  }
0x9c: {  	s6 =	simm.s32 $0x0;
	s20 =	sshll.u32 s4, $0x1;
	s4 =	sadd.s32 s21, s2  }
0x9d: {  	[timem:s6], [sflag:s22] =	dma.local [hbm:s4], s20  }
0x9e: {  	_ =	swait.ge [sflag:s22], s20  }
0x9f: {  	s3 =	ssub.s32 $0x0, s20;
	[sflag:s22] =	ssyncset.done $0x0  }
0xa0: {  	[sflag:s22] =	ssyncadd.s32 s3;
	_ =	sdelay $0x1  }
0xa1: {  	s23 =	simm.s32 $0x1B8B  }
0xa2: {  	_ =	swait.ge [sflag:s23], $0x1  }
0xa3: {  	[sflag:s23] =	ssyncset.done $0x0  }
0xa4: {  	s25 =	simm.s32 $0x1B8E;
	s24 =	sld [smem:$0x3FFE];
	[sflag:s23] =	ssyncadd.s32 $0xFFFFFFFF  }
0xa5: {  	s26 =	simm.s32 $execute0_lowered;
	[smem:$0x3FD2] =	sst s25  }
0xa6: {  	s4 =	sshll.u32 s26, $0x1;
	_ =	strace $0x80000046;
	[dreg:$0x1] =	wrdreg $0xFFFFFFFF  }
0xa7: {  	s28 =	simm.s32 $_size_execute0_lowered;
	s2 =	sadd.s32 s2, s4;
	[dreg:$0x0] =	wrdreg $0x0  }
0xa8: {  	s4 =	sshll.u32 s28, $0x1;
	[dreg:$0x2] =	wrdreg s2  }
0xa9: {  	[dreg:$0x3] =	wrdreg s4  }
0xaa: {  	[dreg:$0x4] =	wrdreg $0xC0  }
0xab: {  	_ =	task [dreg:s6], $0x5FFFF  }
0xac: {  	[dreg:$0x1] =	wrdreg $0xFFFFFFFF  }
0xad: {  	[dreg:$0x0] =	wrdreg $0x60  }
0xae: {  	[dreg:$0x2] =	wrdreg s24  }
0xaf: {  	[dreg:$0x3] =	wrdreg $0x28800  }
0xb0: {  	[dreg:$0x4] =	wrdreg $0x9  }
0xb1: {  	_ =	task.clear_ibuf [dreg:s6], $0x5FFFF;
	_ =	strace $0x90000046  }
0xb2: {  	s29 =	simm.s32 $0x9;
	_ =	strace $0x80000048  }
0xb3: {  	_ =	swait.ge [sflag:s29], $0x1  }
0xb4: {  	[sflag:s29] =	ssyncadd.s32 $0xFFFFFFFF  }
0xb5: {  	_ =	strace $0x90000048  }
0xb6: {  	_ =	sfence  }
0xb7: {  	s30 =	sld [smem:$0x0];
	_ =	sdelay $0x2  }
0xb8: {  	s31 =	sshll.u32 s1, $0xD;
	s1 =	sshrl.u32 s1, $0x2  }
0xb9: {  	s3 =	sand.u32 $0x4000, s31;
	s1 =	sadd.s32 s1, s30  }
0xba: {  	s0 =	sor.u32 s3, s0;
	s1 =	sshll.u32 s1, $0x11  }
0xbb: {  	s0 =	sor.u32 s1, s0  }
0xbc: {  	s0 =	sadd.s32 $0x8F2B, s0  }
0xbd: {  	[sflag:s0] =	ssyncadd.remote.s32 $0x1  }
0xbe: {  	_ =	sfence.sel $0xFFFF  }
0xbf: {  	[dreg:$0x0] =	wrdreg $0xFFFFFFFF;
	(pc) =	sbr.abs _section_cstart, $3  }
0xc0: {  	[dreg:$0x1] =	wrdreg $0xFFFFFFFF  }
0xc1: {  	_ =	task.clear_ibuf [dreg:s6], $0x2FFFF;
	_ =	strace $0x9FFFFFFF  }
0xc2: {  	(tm) =	ssettm $0x7FFFFFFF  }
0xc3: {  	_ =	shalt  }
tec
execute0_lowered:
.L_overlay_start_1:
0x0: {  	(tag) =	ssettag $0x1  }
0x1: {  	s1 =	srdreg.scid;
	s5 =	rddreg [dreg:$0x0]  }
0x2: {  	s0 =	stileid.u32;
	s2 =	rddreg [dreg:$0x1];
	s3 =	simm.s32 $0x0  }
0x3: {  	s12 =	simm.s32 $0x2800;
	s13 =	simm.s32 $0x100;
	s14 =	simm.s32 $0x180  }
0x4: {  	s15 =	simm.s32 $0x1;
	s16 =	simm.s32 $0x2;
	s17 =	simm.s32 $0x3  }
0x5: {  	s18 =	simm.s32 $0x4;
	s19 =	simm.s32 $0x20;
	s20 =	simm.s32 $0x10  }
0x6: {  	s21 =	simm.s32 $0x0;
	s4 =	sand.u32 $0x1, s1;
	s7 =	smul.u32 $0x500, s0  }
0x7: {  	s28 =	sshll.u32 s0, $0x1;
	[smem:$0x7FF] =	sst s3;
	s8 =	smul.u32 $0x280, s0  }
0x8: {  	s31 =	sshll.u32 s0, $0x6;
	s1 =	sor.u32 s4, s28;
	s9 =	sshll.u32 s4, $0x7  }
0x9: {  	s4 =	ssub.s32 $0x2, s4;
	s6 =	smul.u32 $0x500, s1;
	s1 =	rddreg [dreg:$0x2]  }
0xa: {  	_ =	strace $0x80000047;
	s7 =	sor.u32 s9, s7;
	s29 =	sshrl.u32 s8, $0x3  }
0xb: {  	s30 =	sshrl.u32 s4, $0x1;
	s11 =	sadd.s32 s8, s2;
	s7 =	sshrl.u32 s7, $0x3  }
0xc: {  	s9 =	sadd.s32 s29, s5;
	s10 =	ssub.s32 s4, s30;
	s6 =	sadd.s32 s6, s5  }
0xd: {  	s7 =	sadd.s32 s7, s5;
	s4 =	sadd.s32 $0xC800, s9;
	s5 =	sor.u32 $0x1C05, s31  }
0xe: {  	s8 =	smax.u32 s10, $0x1;
	s9 =	sshrl.u32 s11, $0x3;
	s10 =	simm.s32 $0x5  }
0xf: {  	v0 =	vimm.f32 $1.000000000e+00;
	s11 =	simm.s32 $0x80;
	s6 =	sadd.s32 $0x2800, s6;
	s7 =	sadd.s32 $0xCE00, s7  }
.LBB2_1:
0x10: {  	[spmem:s9], [sflag:s5] =	dma.local [hbm:s4], $0x50  }
0x11: {  	_ =	swait.ge [sflag:s10], $0x50  }
0x12: {  	[sflag:s10] =	ssyncset.done $0x0  }
0x13: {  	[sflag:s10] =	ssyncadd.s32 $0xFFFFFFB0  }
0x14: {  	[tilespmem:s3], [sflag:$0x5] =	stream.linear.gather [hbm4b:s6+s3], $0x2800, $0x38;
	[tilespmem:$0x2B00] =	vst v63  }
0x15: {  	_ =	swait.ge [sflag:s10], $0x2800  }
0x16: {  	[sflag:s10] =	ssyncset.done $0x0  }
0x17: {  	[sflag:s10] =	ssyncadd.s32 $0xFFFFD800  }
0x18: {  	[tilespmem:$0x2800] =	vst v0  }
0x19: {  	[tilespmem:$0x2810] =	vst v0  }
0x1a: {  	[tilespmem:$0x2820] =	vst v0  }
0x1b: {  	[tilespmem:$0x2830] =	vst v0  }
0x1c: {  	[tilespmem:$0x2840] =	vst v0  }
0x1d: {  	[tilespmem:$0x2850] =	vst v0  }
0x1e: {  	[tilespmem:$0x2860] =	vst v0  }
0x1f: {  	[tilespmem:$0x2870] =	vst v0  }
0x20: {  	[bflag:$0x0] =	sbarrier.arrive $0xFFFF  }
0x21: {  	[spmem:s2] =	stream.indirect.scatter.add.f32 [tilespmem:s12], [sflag:$0x1], $0x1, s3, s11, $0xb8;
	[tilespmem:$0x2B00] =	vst v63  }
0x22: {  	_ = 	snop  }
0x23: {  	[spmem:s2] =	stream.indirect.scatter.add.f32 [tilespmem:s12], [sflag:$0x2], $0x1, s11, s11, $0xb8;
	[tilespmem:$0x2B00] =	vst v63  }
0x24: {  	_ = 	snop  }
0x25: {  	[spmem:s2] =	stream.indirect.scatter.add.f32 [tilespmem:s12], [sflag:$0x3], $0x1, s13, s11, $0xb8;
	[tilespmem:$0x2B00] =	vst v63  }
0x26: {  	_ = 	snop  }
0x27: {  	[spmem:s2] =	stream.indirect.scatter.add.f32 [tilespmem:s12], [sflag:$0x4], $0x1, s14, s11, $0xb8;
	[tilespmem:$0x2B00] =	vst v63  }
0x28: {  	_ =	swait.ge [sflag:s15], $0x80  }
0x29: {  	[sflag:s15] =	ssyncset.done $0x0  }
0x2a: {  	s22 =	simm.s32 $0x200;
	[sflag:s15] =	ssyncadd.s32 $0xFFFFFF80  }
0x2b: {  	[spmem:s2] =	stream.indirect.scatter.add.f32 [tilespmem:s12], [sflag:$0x1], $0x1, s22, s11, $0xb8;
	[tilespmem:$0x2B00] =	vst v63  }
0x2c: {  	_ =	swait.ge [sflag:s16], $0x80  }
0x2d: {  	[sflag:s16] =	ssyncset.done $0x0  }
0x2e: {  	s30 =	simm.s32 $0x280;
	[sflag:s16] =	ssyncadd.s32 $0xFFFFFF80  }
0x2f: {  	[spmem:s2] =	stream.indirect.scatter.add.f32 [tilespmem:s12], [sflag:$0x2], $0x1, s30, s11, $0xb8;
	[tilespmem:$0x2B00] =	vst v63  }
0x30: {  	_ =	swait.ge [sflag:s17], $0x80  }
0x31: {  	[sflag:s17] =	ssyncset.done $0x0  }
0x32: {  	s31 =	simm.s32 $0x300;
	[sflag:s17] =	ssyncadd.s32 $0xFFFFFF80  }
0x33: {  	[spmem:s2] =	stream.indirect.scatter.add.f32 [tilespmem:s12], [sflag:$0x3], $0x1, s31, s11, $0xb8;
	[tilespmem:$0x2B00] =	vst v63  }
0x34: {  	_ =	swait.ge [sflag:s18], $0x80  }
0x35: {  	[sflag:s18] =	ssyncset.done $0x0  }
0x36: {  	s23 =	simm.s32 $0x380;
	s22 =	simm.s32 $0xFFFF7000;
	[sflag:s18] =	ssyncadd.s32 $0xFFFFFF80  }
.LBB2_2:
0x37: {  	[spmem:s2] =	stream.indirect.scatter.add.f32 [tilespmem:s12], [sflag:$0x4], $0x1, s23, s11, $0xb8;
	[tilespmem:$0x2B00] =	vst v63  }
0x38: {  	s23 =	smov.u32 s22  }
0x39: {  	p0 =	sne.s32 s22, $0xFFFFF800;
	s22 =	sadd.s32 $0x800, s22;
	_ =	swait.ge [sflag:s15], $0x80  }
0x3a: {  	s23 =	sshra.s32 s23, $0x2;
	[sflag:s15] =	ssyncset.done $0x0  }
0x3b: {  	s24 =	sadd.s32 $0x2800, s23;
	[sflag:s15] =	ssyncadd.s32 $0xFFFFFF80  }
0x3c: {  	[spmem:s2] =	stream.indirect.scatter.add.f32 [tilespmem:s12], [sflag:$0x1], $0x1, s24, s11, $0xb8;
	[tilespmem:$0x2B00] =	vst v63  }
0x3d: {  	_ =	swait.ge [sflag:s16], $0x80  }
0x3e: {  	[sflag:s16] =	ssyncset.done $0x0  }
0x3f: {  	s24 =	sadd.s32 $0x2880, s23;
	[sflag:s16] =	ssyncadd.s32 $0xFFFFFF80  }
0x40: {  	[spmem:s2] =	stream.indirect.scatter.add.f32 [tilespmem:s12], [sflag:$0x2], $0x1, s24, s11, $0xb8;
	[tilespmem:$0x2B00] =	vst v63  }
0x41: {  	_ =	swait.ge [sflag:s17], $0x80  }
0x42: {  	[sflag:s17] =	ssyncset.done $0x0  }
.Ltmp0:
0x43: {  	s24 =	sadd.s32 $0x2900, s23;
	[sflag:s17] =	ssyncadd.s32 $0xFFFFFF80;
	(pc) =	sbr.rel @p0 .LBB2_2-.Ltmp0, $4  }
0x44: {  	[spmem:s2] =	stream.indirect.scatter.add.f32 [tilespmem:s12], [sflag:$0x3], $0x1, s24, s11, $0xb8;
	[tilespmem:$0x2B00] =	vst v63  }
0x45: {  	_ =	swait.ge [sflag:s18], $0x80  }
0x46: {  	[sflag:s18] =	ssyncset.done $0x0  }
0x47: {  	s23 =	sadd.s32 $0x2980, s23;
	[sflag:s18] =	ssyncadd.s32 $0xFFFFFF80  }
0x48: {  	[spmem:s2] =	stream.indirect.scatter.add.f32 [tilespmem:s12], [sflag:$0x4], $0x1, s23, s11, $0xb8;
	[tilespmem:$0x2B00] =	vst v63  }
0x49: {  	_ =	swait.ge [sflag:s15], $0x80  }
0x4a: {  	[sflag:s15] =	ssyncset.done $0x0  }
0x4b: {  	[sflag:s15] =	ssyncadd.s32 $0xFFFFFF80  }
0x4c: {  	_ =	swait.ge [sflag:s16], $0x80  }
0x4d: {  	[sflag:s16] =	ssyncset.done $0x0  }
0x4e: {  	[sflag:s16] =	ssyncadd.s32 $0xFFFFFF80  }
0x4f: {  	_ =	swait.ge [sflag:s17], $0x80  }
0x50: {  	[sflag:s17] =	ssyncset.done $0x0  }
0x51: {  	[sflag:s17] =	ssyncadd.s32 $0xFFFFFF80  }
0x52: {  	_ =	swait.ge [sflag:s18], $0x80  }
0x53: {  	s21 =	sadd.s32 $0x1, s21;
	[sflag:s18] =	ssyncset.done $0x0  }
0x54: {  	p0 =	sne.s32 s21, s8;
	[sflag:s18] =	ssyncadd.s32 $0xFFFFFF80  }
.Ltmp1:
0x55: {  	[bflag:$0x0] =	sbarrier.arrive $0xFFFF;
	(pc) =	sbr.rel @p0 .LBB2_1-.Ltmp1, $4  }
0x56: {  	[hbm:s7@s19], [sflag:s5] =	dma.strided [spmem:s9@s20], $0x50, s15, $0x10   }
0x57: {  	_ =	swait.ge [sflag:s10], $0x50  }
0x58: {  	[sflag:s10] =	ssyncset.done $0x0  }
0x59: {  	[sflag:s10] =	ssyncadd.s32 $0xFFFFFFB0  }
0x5a: {  	_ =	sfence.sel $0x180000  }
0x5b: {  	[bflag:$0x0] =	sbarrier.arrive $0xFFFF  }
0x5c: {  	p0 =	sne.s32 s0, $0x0;
	_ =	strace $0x90000047  }
0x5d: {  	s0 =	sadd.s32 @!p0 $0x100000, s1;
	[bflag:$0x2] =	sbarrier.arrive $0xFFFF  }
0x5e: {  	[sflag:s0] =	ssyncadd.tile.s32 @!p0 $0x1;
	_ =	shalt  }
.Lfunc_end2:
_tile_overlayer_lowered:
.L_overlay_start_2:
0x5f: {  	(tag) =	ssettag $0x2  }
0x60: {  	s0 =	rddreg [dreg:$0x0];
	s2 =	stileid.u32  }
0x61: {  	s1 =	rddreg [dreg:$0x1];
	p0 =	sne.s32 s2, $0x0  }
0x62: {  	s3 =	rddreg [dreg:$0x2];
	[bflag:$0x3] =	sbarrier.arrive $0xFFFF;
	s2 =	simm.s32 @!p0 $0x1C05  }
0x63: {  	[timem:s3], [sflag:s2] =	dma.local @!p0 [hbm:s0], s1  }
0x64: {  	s0 =	simm.s32 @!p0 $0x5  }
0x65: {  	_ =	swait.ge @!p0 [sflag:s0], s1  }
0x66: {  	s1 =	ssub.s32 @!p0 $0x0, s1;
	[sflag:s0] =	ssyncset.done @!p0 $0x0  }
0x67: {  	[sflag:s0] =	ssyncadd.s32 @!p0 s1  }
0x68: {  	[bflag:$0x3] =	sbarrier.arrive $0xFFFF  }
0x69: {  	_ =	shalt  }

</sc_bundles>
